<compile_context>
chip_gen: v7x
topology: tpu7x:2x2x1
jax: 0.10.2.dev20260603
libtpu: 0.0.44.dev20260713+nightly
codegen_flags: <defaults>
</compile_context>

<pallas_src>
import functools

import jax
import jax.numpy as jnp
from jax import lax
from jax.experimental import pallas as pl
from jax.experimental.pallas import tpu as pltpu
from jax.experimental.pallas import tpu_sc as plsc

N_NODES = 10000
N_EDGES = 320000
D = 128

NC = 2
NS = 16
NW = NC * NS

K = 128
E_PAD = 327680
CHUNKS_PER_TILE = E_PAD // (NW * K)
N_PAD = 10112
ROWS_PER_TILE = N_PAD // NS

WIN = 8
NSLOT = 2

NWINDOWS = CHUNKS_PER_TILE // WIN


def _seg_sum_body(x_hbm, src_hbm, dst_hbm, zeros_hbm, out_hbm,
                  acc, sw0, sw1, dw0, dw1, b0, b1,
                  iws0, iws1, iwd0, iwd1, g0, g1, s0, s1):
    swin = (sw0, sw1)
    dwin = (dw0, dw1)
    bufs = (b0, b1)
    iwsem_s = (iws0, iws1)
    iwsem_d = (iwd0, iwd1)
    gsem = (g0, g1)
    ssem = (s0, s1)
    c = lax.axis_index("c")
    s = lax.axis_index("s")
    chunk0 = (c * NS + s) * CHUNKS_PER_TILE
    nwin = NWINDOWS

    rows0 = s * ROWS_PER_TILE
    pltpu.sync_copy(zeros_hbm.at[pl.ds(rows0, ROWS_PER_TILE)],
                    acc.at[pl.ds(rows0, ROWS_PER_TILE)])

    def fire_win(w, slot):
        base = chunk0 + w * WIN
        pltpu.async_copy(src_hbm.at[pl.ds(base, WIN)], swin[slot],
                         iwsem_s[slot])
        pltpu.async_copy(dst_hbm.at[pl.ds(base, WIN)], dwin[slot],
                         iwsem_d[slot])

    def wait_win(slot):
        pltpu.make_async_copy(src_hbm.at[pl.ds(0, WIN)], swin[slot],
                              iwsem_s[slot]).wait()
        pltpu.make_async_copy(dst_hbm.at[pl.ds(0, WIN)], dwin[slot],
                              iwsem_d[slot]).wait()

    fire_win(0, 0)
    fire_win(1, 1)
    wait_win(0)
    pltpu.async_copy(x_hbm.at[swin[0].at[0]], bufs[0], gsem[0])
    pltpu.async_copy(x_hbm.at[swin[0].at[1]], bufs[1], gsem[1])
    plsc.subcore_barrier()

    def window(u, carry):
        for ws in range(2):
            w = u * 2 + ws
            _one_window(w, ws)
        return carry

    def _one_window(w, ws):
        for r in range(WIN):
            b = r % NSLOT
            pltpu.make_async_copy(x_hbm.at[swin[ws].at[r]], bufs[b],
                                  gsem[b]).wait()
            pltpu.async_copy(bufs[b], acc.at[dwin[ws].at[r]], ssem[b],
                             add=True)
            if r < WIN - NSLOT:
                pltpu.make_async_copy(bufs[b], acc.at[dwin[ws].at[r]],
                                      ssem[b]).wait()
                pltpu.async_copy(x_hbm.at[swin[ws].at[r + NSLOT]], bufs[b],
                                 gsem[b])
            else:
                if r == WIN - NSLOT:
                    @pl.when(w < nwin - 1)
                    def _():
                        wait_win(1 - ws)

                @pl.when(w < nwin - 1)
                def _():
                    pltpu.make_async_copy(bufs[b], acc.at[dwin[ws].at[r]],
                                          ssem[b]).wait()
                    pltpu.async_copy(
                        x_hbm.at[swin[1 - ws].at[r - (WIN - NSLOT)]],
                        bufs[b], gsem[b])

        @pl.when(w < nwin - 2)
        def _():
            fire_win(w + 2, ws)

    lax.fori_loop(0, nwin // 2, window, 0, unroll=False)

    for b in range(NSLOT):
        r = WIN - NSLOT + b
        pltpu.make_async_copy(bufs[b], acc.at[dwin[1].at[r]], ssem[b]).wait()
    plsc.subcore_barrier()

    pltpu.sync_copy(acc.at[pl.ds(rows0, ROWS_PER_TILE)],
                    out_hbm.at[pl.ds(c * N_PAD + rows0, ROWS_PER_TILE)])


def _make_seg_sum():
    return pl.kernel(
        _seg_sum_body,
        out_type=jax.ShapeDtypeStruct((NC * N_PAD, D), jnp.float32),
        mesh=plsc.VectorSubcoreMesh(core_axis_name="c", subcore_axis_name="s",
                                    num_cores=NC, num_subcores=NS),
        scratch_types=[
            pltpu.VMEM_SHARED((N_PAD, D), jnp.float32),
        ] + [pltpu.VMEM((WIN, K), jnp.int32) for _ in range(4)]
          + [pltpu.VMEM((K, D), jnp.float32) for _ in range(NSLOT)]
          + [pltpu.SemaphoreType.DMA for _ in range(4 + 2 * NSLOT)],
    )


_seg_sum = _make_seg_sum()


def _linear_body(relu, acc_ref, w_ref, b_ref, o_ref):
    x = acc_ref[0] + acc_ref[1]
    y = jnp.dot(x, w_ref[...], preferred_element_type=jnp.float32,
                precision=lax.Precision.HIGHEST)
    y = y + b_ref[...]
    if relu:
        y = jnp.maximum(y, 0.0)
    o_ref[...] = y


def _linear(acc, w, b, relu):
    blk = 632
    return pl.pallas_call(
        functools.partial(_linear_body, relu),
        grid=(N_PAD // blk,),
        in_specs=[
            pl.BlockSpec((NC, blk, D), lambda i: (0, i, 0)),
            pl.BlockSpec((D, D), lambda i: (0, 0)),
            pl.BlockSpec((1, D), lambda i: (0, 0)),
        ],
        out_specs=pl.BlockSpec((blk, D), lambda i: (i, 0)),
        out_shape=jax.ShapeDtypeStruct((N_PAD, D), jnp.float32),
    )(acc, w, b)


def kernel(feature, edge_index, W1, b1, W2, b2):
    ei = edge_index.astype(jnp.int32)
    n_pad_e = E_PAD - N_EDGES
    pad_iota = jnp.arange(n_pad_e, dtype=jnp.int32)
    src = jnp.concatenate(
        [ei[0], pad_iota % N_NODES]).reshape(-1, K)
    dst = jnp.concatenate(
        [ei[1], N_NODES + pad_iota % (N_PAD - N_NODES)]).reshape(-1, K)
    zeros = jnp.zeros((N_PAD, D), jnp.float32)

    acc1 = _seg_sum(feature, src, dst, zeros).reshape(NC, N_PAD, D)
    h = _linear(acc1, W1, b1.reshape(1, D), relu=True)
    acc2 = _seg_sum(h, src, dst, zeros).reshape(NC, N_PAD, D)
    out = _linear(acc2, W2, b2.reshape(1, D), relu=False)
    return out[:N_NODES]

# --- scband reference (transcript-rebuilt; emitter-appended) ---
"""Pipeline reference for scband-mpnn-75058848465162 (READ-ONLY COPY).

The authoritative reference and input builder live on the scoring server;
editing this copy changes nothing except your own understanding.
"""

import jax, jax.numpy as jnp
import numpy as np

N_NODES = 10000
N_EDGES = 320000
IN_DIM = 128
HIDDEN_DIM = 128
OUT_DIM = 128


def setup_inputs(seed: int = 0) -> dict:
    key = jax.random.key(seed)
    k1, k2, k3, k4, k5, k6, k7 = jax.random.split(key, 7)
    feature = jax.random.normal(k1, (N_NODES, IN_DIM), dtype=jnp.float32)
    edge_index = jax.random.randint(k2, (2, N_EDGES), 0, N_NODES, dtype=jnp.int64)
    W1 = jax.random.normal(k3, (IN_DIM, HIDDEN_DIM), dtype=jnp.float32) * (1.0 / np.sqrt(IN_DIM))
    b1 = jax.random.normal(k4, (HIDDEN_DIM,), dtype=jnp.float32) * 0.01
    W2 = jax.random.normal(k5, (HIDDEN_DIM, OUT_DIM), dtype=jnp.float32) * (1.0 / np.sqrt(HIDDEN_DIM))
    b2 = jax.random.normal(k6, (OUT_DIM,), dtype=jnp.float32) * 0.01
    return {"feature": feature, "edge_index": edge_index, "W1": W1, "b1": b1, "W2": W2, "b2": b2}


def reference(feature, edge_index, W1, b1, W2, b2):
    src = edge_index[0]
    dst = edge_index[1]
    # Layer 1: copy_u('h','m') + sum -> scatter-add of source features onto dst nodes
    msgs1 = jnp.take(feature, src, axis=0)
    h_neigh1 = jnp.zeros((N_NODES, IN_DIM), dtype=feature.dtype).at[dst].add(msgs1)
    h = h_neigh1 @ W1 + b1
    h = jax.nn.relu(h)
    # Layer 2: same aggregation on hidden features
    msgs2 = jnp.take(h, src, axis=0)
    h_neigh2 = jnp.zeros((N_NODES, HIDDEN_DIM), dtype=h.dtype).at[dst].add(msgs2)
    out = h_neigh2 @ W2 + b2
    return out

if __name__ == "__main__":
    import jax
    _d = setup_inputs()
    print(jax.jit(kernel)(*tuple(_d.values())))

</pallas_src>

<mosaic_0001>
#map = affine_map<(d0, d1) -> (0, 0)>
module attributes {stable_mosaic.version = 14 : i64} {
  func.func @_seg_sum_body(%arg0: i32, %arg1: i32, %arg2: memref<10112x128xf32, #tpu.memory_space<hbm>>, %arg3: memref<2560x128xi32, #tpu.memory_space<hbm>>, %arg4: memref<2560x128xi32, #tpu.memory_space<hbm>>, %arg5: memref<10112x128xf32, #tpu.memory_space<hbm>>, %arg6: memref<20224x128xf32, #tpu.memory_space<hbm>>, %arg7: memref<10112x128xf32, #tpu.memory_space<vmem_shared>>, %arg8: memref<8x128xi32, #tpu.memory_space<vmem>>, %arg9: memref<8x128xi32, #tpu.memory_space<vmem>>, %arg10: memref<8x128xi32, #tpu.memory_space<vmem>>, %arg11: memref<8x128xi32, #tpu.memory_space<vmem>>, %arg12: memref<128x128xf32, #tpu.memory_space<vmem>>, %arg13: memref<128x128xf32, #tpu.memory_space<vmem>>, %arg14: memref<!tpu.dma_semaphore, #tpu.memory_space<semaphore_mem>>, %arg15: memref<!tpu.dma_semaphore, #tpu.memory_space<semaphore_mem>>, %arg16: memref<!tpu.dma_semaphore, #tpu.memory_space<semaphore_mem>>, %arg17: memref<!tpu.dma_semaphore, #tpu.memory_space<semaphore_mem>>, %arg18: memref<!tpu.dma_semaphore, #tpu.memory_space<semaphore_mem>>, %arg19: memref<!tpu.dma_semaphore, #tpu.memory_space<semaphore_mem>>, %arg20: memref<!tpu.dma_semaphore, #tpu.memory_space<semaphore_mem>>, %arg21: memref<!tpu.dma_semaphore, #tpu.memory_space<semaphore_mem>>) attributes {dimension_semantics = [#tpu.dimension_semantics<core_parallel>, #tpu.dimension_semantics<subcore_parallel>], iteration_bounds = array<i64: 2, 16>, scalar_prefetch = 0 : i64, scratch_operands = 15 : i64, tpu.core_type = #tpu.core_type<sc_vector_subcore>, window_params = [{transform_indices = #map}, {transform_indices = #map}, {transform_indices = #map}, {transform_indices = #map}, {transform_indices = #map}]} {
    %mul3A = arith.constant 16 : i32
    %mul3A_0 = arith.muli %arg0, %mul3A : i32
    %add3A = arith.addi %mul3A_0, %arg1 : i32
    %mul3A_1 = arith.constant 80 : i32
    %mul3A_2 = arith.muli %add3A, %mul3A_1 : i32
    %mul3A_3 = arith.constant 632 : i32
    %mul3A_4 = arith.muli %arg1, %mul3A_3 : i32
    "tpu.region"() ({
      %run_scoped3A = tpu.sem_alloc : memref<!tpu.dma_semaphore, #tpu.memory_space<semaphore_mem>>
      %dma_start3A_72 = arith.constant 0 : i32
      %dma_start3A_73 = tpu.memref_slice %arg7[%mul3A_4, %dma_start3A_72] : memref<10112x128xf32, #tpu.memory_space<vmem_shared>> -> memref<632x128xf32, #tpu.memory_space<vmem_shared>>
      %dma_start3A_74 = arith.constant 0 : i32
      %dma_start3A_75 = tpu.memref_slice %arg5[%mul3A_4, %dma_start3A_74] : memref<10112x128xf32, #tpu.memory_space<hbm>> -> memref<632x128xf32, #tpu.memory_space<hbm>>
      tpu.enqueue_dma source(%dma_start3A_75 : memref<632x128xf32, #tpu.memory_space<hbm>>) target(%dma_start3A_73 : memref<632x128xf32, #tpu.memory_space<vmem_shared>>) target_semaphore(%run_scoped3A : memref<!tpu.dma_semaphore, #tpu.memory_space<semaphore_mem>>)
      %dma_wait3A_76 = arith.constant 0 : i32
      %dma_wait3A_77 = tpu.memref_slice %arg7[%mul3A_4, %dma_wait3A_76] : memref<10112x128xf32, #tpu.memory_space<vmem_shared>> -> memref<632x128xf32, #tpu.memory_space<vmem_shared>>
      %dma_wait3A_78 = arith.constant 0 : i32
      %dma_wait3A_79 = tpu.memref_slice %arg5[%mul3A_4, %dma_wait3A_78] : memref<10112x128xf32, #tpu.memory_space<hbm>> -> memref<632x128xf32, #tpu.memory_space<hbm>>
      tpu.wait_dma2 semaphore(%run_scoped3A : memref<!tpu.dma_semaphore, #tpu.memory_space<semaphore_mem>>) src(%dma_wait3A_79 : memref<632x128xf32, #tpu.memory_space<hbm>>) dst(%dma_wait3A_77 : memref<632x128xf32, #tpu.memory_space<vmem_shared>>)
      tpu.yield
    }) : () -> ()
    %add3A_5 = arith.constant 0 : i32
    %add3A_6 = arith.addi %mul3A_2, %add3A_5 : i32
    %dma_start3A = arith.constant 0 : i32
    %dma_start3A_7 = tpu.memref_slice %arg3[%add3A_6, %dma_start3A] : memref<2560x128xi32, #tpu.memory_space<hbm>> -> memref<8x128xi32, #tpu.memory_space<hbm>>
    %dma_start3A_8 = arith.constant 0 : i32
    %dma_start3A_9 = tpu.memref_slice %arg3[%add3A_6, %dma_start3A_8] : memref<2560x128xi32, #tpu.memory_space<hbm>> -> memref<8x128xi32, #tpu.memory_space<hbm>>
    tpu.enqueue_dma source(%dma_start3A_9 : memref<8x128xi32, #tpu.memory_space<hbm>>) target(%arg8 : memref<8x128xi32, #tpu.memory_space<vmem>>) target_semaphore(%arg14 : memref<!tpu.dma_semaphore, #tpu.memory_space<semaphore_mem>>)
    %dma_start3A_10 = arith.constant 0 : i32
    %dma_start3A_11 = tpu.memref_slice %arg4[%add3A_6, %dma_start3A_10] : memref<2560x128xi32, #tpu.memory_space<hbm>> -> memref<8x128xi32, #tpu.memory_space<hbm>>
    %dma_start3A_12 = arith.constant 0 : i32
    %dma_start3A_13 = tpu.memref_slice %arg4[%add3A_6, %dma_start3A_12] : memref<2560x128xi32, #tpu.memory_space<hbm>> -> memref<8x128xi32, #tpu.memory_space<hbm>>
    tpu.enqueue_dma source(%dma_start3A_13 : memref<8x128xi32, #tpu.memory_space<hbm>>) target(%arg10 : memref<8x128xi32, #tpu.memory_space<vmem>>) target_semaphore(%arg16 : memref<!tpu.dma_semaphore, #tpu.memory_space<semaphore_mem>>)
    %add3A_14 = arith.constant 8 : i32
    %add3A_15 = arith.addi %mul3A_2, %add3A_14 : i32
    %dma_start3A_16 = arith.constant 0 : i32
    %dma_start3A_17 = tpu.memref_slice %arg3[%add3A_15, %dma_start3A_16] : memref<2560x128xi32, #tpu.memory_space<hbm>> -> memref<8x128xi32, #tpu.memory_space<hbm>>
    %dma_start3A_18 = arith.constant 0 : i32
    %dma_start3A_19 = tpu.memref_slice %arg3[%add3A_15, %dma_start3A_18] : memref<2560x128xi32, #tpu.memory_space<hbm>> -> memref<8x128xi32, #tpu.memory_space<hbm>>
    tpu.enqueue_dma source(%dma_start3A_19 : memref<8x128xi32, #tpu.memory_space<hbm>>) target(%arg9 : memref<8x128xi32, #tpu.memory_space<vmem>>) target_semaphore(%arg15 : memref<!tpu.dma_semaphore, #tpu.memory_space<semaphore_mem>>)
    %dma_start3A_20 = arith.constant 0 : i32
    %dma_start3A_21 = tpu.memref_slice %arg4[%add3A_15, %dma_start3A_20] : memref<2560x128xi32, #tpu.memory_space<hbm>> -> memref<8x128xi32, #tpu.memory_space<hbm>>
    %dma_start3A_22 = arith.constant 0 : i32
    %dma_start3A_23 = tpu.memref_slice %arg4[%add3A_15, %dma_start3A_22] : memref<2560x128xi32, #tpu.memory_space<hbm>> -> memref<8x128xi32, #tpu.memory_space<hbm>>
    tpu.enqueue_dma source(%dma_start3A_23 : memref<8x128xi32, #tpu.memory_space<hbm>>) target(%arg11 : memref<8x128xi32, #tpu.memory_space<vmem>>) target_semaphore(%arg17 : memref<!tpu.dma_semaphore, #tpu.memory_space<semaphore_mem>>)
    %dma_wait3A = arith.constant 0 : i32
    %dma_wait3A_24 = arith.constant 0 : i32
    %dma_wait3A_25 = tpu.memref_slice %arg3[%dma_wait3A, %dma_wait3A_24] : memref<2560x128xi32, #tpu.memory_space<hbm>> -> memref<8x128xi32, #tpu.memory_space<hbm>>
    %dma_wait3A_26 = arith.constant 0 : i32
    %dma_wait3A_27 = arith.constant 0 : i32
    %dma_wait3A_28 = tpu.memref_slice %arg3[%dma_wait3A_26, %dma_wait3A_27] : memref<2560x128xi32, #tpu.memory_space<hbm>> -> memref<8x128xi32, #tpu.memory_space<hbm>>
    tpu.wait_dma2 semaphore(%arg14 : memref<!tpu.dma_semaphore, #tpu.memory_space<semaphore_mem>>) src(%dma_wait3A_28 : memref<8x128xi32, #tpu.memory_space<hbm>>) dst(%arg8 : memref<8x128xi32, #tpu.memory_space<vmem>>)
    %dma_wait3A_29 = arith.constant 0 : i32
    %dma_wait3A_30 = arith.constant 0 : i32
    %dma_wait3A_31 = tpu.memref_slice %arg4[%dma_wait3A_29, %dma_wait3A_30] : memref<2560x128xi32, #tpu.memory_space<hbm>> -> memref<8x128xi32, #tpu.memory_space<hbm>>
    %dma_wait3A_32 = arith.constant 0 : i32
    %dma_wait3A_33 = arith.constant 0 : i32
    %dma_wait3A_34 = tpu.memref_slice %arg4[%dma_wait3A_32, %dma_wait3A_33] : memref<2560x128xi32, #tpu.memory_space<hbm>> -> memref<8x128xi32, #tpu.memory_space<hbm>>
    tpu.wait_dma2 semaphore(%arg16 : memref<!tpu.dma_semaphore, #tpu.memory_space<semaphore_mem>>) src(%dma_wait3A_34 : memref<8x128xi32, #tpu.memory_space<hbm>>) dst(%arg10 : memref<8x128xi32, #tpu.memory_space<vmem>>)
    %dma_start3A_35 = arith.constant 0 : i32
    %dma_start3A_36 = arith.constant 0 : i32
    %dma_start3A_37 = tpu.memref_slice %arg8[%dma_start3A_35, %dma_start3A_36] : memref<8x128xi32, #tpu.memory_space<vmem>> -> memref<1x128xi32, #tpu.memory_space<vmem>>
    %dma_start3A_38 = tpu.memref_squeeze %dma_start3A_37 : memref<1x128xi32, #tpu.memory_space<vmem>> -> memref<128xi32, #tpu.memory_space<vmem>>
    %dma_start3A_39 = arith.constant 0 : i32
    %dma_start3A_40 = arith.constant 0 : i32
    %dma_start3A_41 = tpu.memref_slice %arg2[%dma_start3A_39, %dma_start3A_40] : memref<10112x128xf32, #tpu.memory_space<hbm>> -> memref<10112x128xf32, #tpu.memory_space<hbm>>
    tpu.enqueue_indirect_dma source(%dma_start3A_41 : memref<10112x128xf32, #tpu.memory_space<hbm>>) target(%arg12 : memref<128x128xf32, #tpu.memory_space<vmem>>) offsets(%dma_start3A_38 : memref<128xi32, #tpu.memory_space<vmem>>) semaphore(%arg18 : memref<!tpu.dma_semaphore, #tpu.memory_space<semaphore_mem>>)
    %dma_start3A_42 = arith.constant 1 : i32
    %dma_start3A_43 = arith.constant 0 : i32
    %dma_start3A_44 = tpu.memref_slice %arg8[%dma_start3A_42, %dma_start3A_43] : memref<8x128xi32, #tpu.memory_space<vmem>> -> memref<1x128xi32, #tpu.memory_space<vmem>>
    %dma_start3A_45 = tpu.memref_squeeze %dma_start3A_44 : memref<1x128xi32, #tpu.memory_space<vmem>> -> memref<128xi32, #tpu.memory_space<vmem>>
    %dma_start3A_46 = arith.constant 0 : i32
    %dma_start3A_47 = arith.constant 0 : i32
    %dma_start3A_48 = tpu.memref_slice %arg2[%dma_start3A_46, %dma_start3A_47] : memref<10112x128xf32, #tpu.memory_space<hbm>> -> memref<10112x128xf32, #tpu.memory_space<hbm>>
    tpu.enqueue_indirect_dma source(%dma_start3A_48 : memref<10112x128xf32, #tpu.memory_space<hbm>>) target(%arg13 : memref<128x128xf32, #tpu.memory_space<vmem>>) offsets(%dma_start3A_45 : memref<128xi32, #tpu.memory_space<vmem>>) semaphore(%arg19 : memref<!tpu.dma_semaphore, #tpu.memory_space<semaphore_mem>>)
    %barrier3A = arith.constant 0 : index
    tpu.barrier barrier_id(%barrier3A)
    %scan3A = arith.constant 0 : i32
    %scan3A_49 = arith.constant 0 : i32
    %scan3A_50 = arith.constant 5 : i32
    %scan3A_51 = arith.addi %scan3A_49, %scan3A_50 : i32
    %scan3A_52 = arith.constant 1 : i32
    scf.for %scan3A_72 = %scan3A_49 to %scan3A_51 step %scan3A_52  : i32 {
      %mul3A_73 = arith.constant 2 : i32
      %mul3A_74 = arith.muli %scan3A_72, %mul3A_73 : i32
      %add3A_75 = arith.constant 0 : i32
      %add3A_76 = arith.addi %mul3A_74, %add3A_75 : i32
      %dma_wait3A_77 = arith.constant 0 : i32
      %dma_wait3A_78 = arith.constant 0 : i32
      %dma_wait3A_79 = tpu.memref_slice %arg8[%dma_wait3A_77, %dma_wait3A_78] : memref<8x128xi32, #tpu.memory_space<vmem>> -> memref<1x128xi32, #tpu.memory_space<vmem>>
      %dma_wait3A_80 = tpu.memref_squeeze %dma_wait3A_79 : memref<1x128xi32, #tpu.memory_space<vmem>> -> memref<128xi32, #tpu.memory_space<vmem>>
      %dma_wait3A_81 = arith.constant 0 : i32
      %dma_wait3A_82 = arith.constant 0 : i32
      %dma_wait3A_83 = tpu.memref_slice %arg2[%dma_wait3A_81, %dma_wait3A_82] : memref<10112x128xf32, #tpu.memory_space<hbm>> -> memref<10112x128xf32, #tpu.memory_space<hbm>>
      tpu.wait_indirect_dma semaphore(%arg18 : memref<!tpu.dma_semaphore, #tpu.memory_space<semaphore_mem>>) src(%dma_wait3A_83 : memref<10112x128xf32, #tpu.memory_space<hbm>>) dst(%arg12 : memref<128x128xf32, #tpu.memory_space<vmem>>)
      %dma_start3A_84 = arith.constant 0 : i32
      %dma_start3A_85 = arith.constant 0 : i32
      %dma_start3A_86 = tpu.memref_slice %arg10[%dma_start3A_84, %dma_start3A_85] : memref<8x128xi32, #tpu.memory_space<vmem>> -> memref<1x128xi32, #tpu.memory_space<vmem>>
      %dma_start3A_87 = tpu.memref_squeeze %dma_start3A_86 : memref<1x128xi32, #tpu.memory_space<vmem>> -> memref<128xi32, #tpu.memory_space<vmem>>
      %dma_start3A_88 = arith.constant 0 : i32
      %dma_start3A_89 = arith.constant 0 : i32
      %dma_start3A_90 = tpu.memref_slice %arg7[%dma_start3A_88, %dma_start3A_89] : memref<10112x128xf32, #tpu.memory_space<vmem_shared>> -> memref<10112x128xf32, #tpu.memory_space<vmem_shared>>
      tpu.enqueue_indirect_dma source(%arg12 : memref<128x128xf32, #tpu.memory_space<vmem>>) target(%dma_start3A_90 : memref<10112x128xf32, #tpu.memory_space<vmem_shared>>) offsets(%dma_start3A_87 : memref<128xi32, #tpu.memory_space<vmem>>) semaphore(%arg20 : memref<!tpu.dma_semaphore, #tpu.memory_space<semaphore_mem>>) {add = true}
      %dma_wait3A_91 = arith.constant 0 : i32
      %dma_wait3A_92 = arith.constant 0 : i32
      %dma_wait3A_93 = tpu.memref_slice %arg10[%dma_wait3A_91, %dma_wait3A_92] : memref<8x128xi32, #tpu.memory_space<vmem>> -> memref<1x128xi32, #tpu.memory_space<vmem>>
      %dma_wait3A_94 = tpu.memref_squeeze %dma_wait3A_93 : memref<1x128xi32, #tpu.memory_space<vmem>> -> memref<128xi32, #tpu.memory_space<vmem>>
      %dma_wait3A_95 = arith.constant 0 : i32
      %dma_wait3A_96 = arith.constant 0 : i32
      %dma_wait3A_97 = tpu.memref_slice %arg7[%dma_wait3A_95, %dma_wait3A_96] : memref<10112x128xf32, #tpu.memory_space<vmem_shared>> -> memref<10112x128xf32, #tpu.memory_space<vmem_shared>>
      tpu.wait_indirect_dma semaphore(%arg20 : memref<!tpu.dma_semaphore, #tpu.memory_space<semaphore_mem>>) src(%arg12 : memref<128x128xf32, #tpu.memory_space<vmem>>) dst(%dma_wait3A_97 : memref<10112x128xf32, #tpu.memory_space<vmem_shared>>)
      %dma_start3A_98 = arith.constant 2 : i32
      %dma_start3A_99 = arith.constant 0 : i32
      %dma_start3A_100 = tpu.memref_slice %arg8[%dma_start3A_98, %dma_start3A_99] : memref<8x128xi32, #tpu.memory_space<vmem>> -> memref<1x128xi32, #tpu.memory_space<vmem>>
      %dma_start3A_101 = tpu.memref_squeeze %dma_start3A_100 : memref<1x128xi32, #tpu.memory_space<vmem>> -> memref<128xi32, #tpu.memory_space<vmem>>
      %dma_start3A_102 = arith.constant 0 : i32
      %dma_start3A_103 = arith.constant 0 : i32
      %dma_start3A_104 = tpu.memref_slice %arg2[%dma_start3A_102, %dma_start3A_103] : memref<10112x128xf32, #tpu.memory_space<hbm>> -> memref<10112x128xf32, #tpu.memory_space<hbm>>
      tpu.enqueue_indirect_dma source(%dma_start3A_104 : memref<10112x128xf32, #tpu.memory_space<hbm>>) target(%arg12 : memref<128x128xf32, #tpu.memory_space<vmem>>) offsets(%dma_start3A_101 : memref<128xi32, #tpu.memory_space<vmem>>) semaphore(%arg18 : memref<!tpu.dma_semaphore, #tpu.memory_space<semaphore_mem>>)
      %dma_wait3A_105 = arith.constant 1 : i32
      %dma_wait3A_106 = arith.constant 0 : i32
      %dma_wait3A_107 = tpu.memref_slice %arg8[%dma_wait3A_105, %dma_wait3A_106] : memref<8x128xi32, #tpu.memory_space<vmem>> -> memref<1x128xi32, #tpu.memory_space<vmem>>
      %dma_wait3A_108 = tpu.memref_squeeze %dma_wait3A_107 : memref<1x128xi32, #tpu.memory_space<vmem>> -> memref<128xi32, #tpu.memory_space<vmem>>
      %dma_wait3A_109 = arith.constant 0 : i32
      %dma_wait3A_110 = arith.constant 0 : i32
      %dma_wait3A_111 = tpu.memref_slice %arg2[%dma_wait3A_109, %dma_wait3A_110] : memref<10112x128xf32, #tpu.memory_space<hbm>> -> memref<10112x128xf32, #tpu.memory_space<hbm>>
      tpu.wait_indirect_dma semaphore(%arg19 : memref<!tpu.dma_semaphore, #tpu.memory_space<semaphore_mem>>) src(%dma_wait3A_111 : memref<10112x128xf32, #tpu.memory_space<hbm>>) dst(%arg13 : memref<128x128xf32, #tpu.memory_space<vmem>>)
      %dma_start3A_112 = arith.constant 1 : i32
      %dma_start3A_113 = arith.constant 0 : i32
      %dma_start3A_114 = tpu.memref_slice %arg10[%dma_start3A_112, %dma_start3A_113] : memref<8x128xi32, #tpu.memory_space<vmem>> -> memref<1x128xi32, #tpu.memory_space<vmem>>
      %dma_start3A_115 = tpu.memref_squeeze %dma_start3A_114 : memref<1x128xi32, #tpu.memory_space<vmem>> -> memref<128xi32, #tpu.memory_space<vmem>>
      %dma_start3A_116 = arith.constant 0 : i32
      %dma_start3A_117 = arith.constant 0 : i32
      %dma_start3A_118 = tpu.memref_slice %arg7[%dma_start3A_116, %dma_start3A_117] : memref<10112x128xf32, #tpu.memory_space<vmem_shared>> -> memref<10112x128xf32, #tpu.memory_space<vmem_shared>>
      tpu.enqueue_indirect_dma source(%arg13 : memref<128x128xf32, #tpu.memory_space<vmem>>) target(%dma_start3A_118 : memref<10112x128xf32, #tpu.memory_space<vmem_shared>>) offsets(%dma_start3A_115 : memref<128xi32, #tpu.memory_space<vmem>>) semaphore(%arg21 : memref<!tpu.dma_semaphore, #tpu.memory_space<semaphore_mem>>) {add = true}
      %dma_wait3A_119 = arith.constant 1 : i32
      %dma_wait3A_120 = arith.constant 0 : i32
      %dma_wait3A_121 = tpu.memref_slice %arg10[%dma_wait3A_119, %dma_wait3A_120] : memref<8x128xi32, #tpu.memory_space<vmem>> -> memref<1x128xi32, #tpu.memory_space<vmem>>
      %dma_wait3A_122 = tpu.memref_squeeze %dma_wait3A_121 : memref<1x128xi32, #tpu.memory_space<vmem>> -> memref<128xi32, #tpu.memory_space<vmem>>
      %dma_wait3A_123 = arith.constant 0 : i32
      %dma_wait3A_124 = arith.constant 0 : i32
      %dma_wait3A_125 = tpu.memref_slice %arg7[%dma_wait3A_123, %dma_wait3A_124] : memref<10112x128xf32, #tpu.memory_space<vmem_shared>> -> memref<10112x128xf32, #tpu.memory_space<vmem_shared>>
      tpu.wait_indirect_dma semaphore(%arg21 : memref<!tpu.dma_semaphore, #tpu.memory_space<semaphore_mem>>) src(%arg13 : memref<128x128xf32, #tpu.memory_space<vmem>>) dst(%dma_wait3A_125 : memref<10112x128xf32, #tpu.memory_space<vmem_shared>>)
      %dma_start3A_126 = arith.constant 3 : i32
      %dma_start3A_127 = arith.constant 0 : i32
      %dma_start3A_128 = tpu.memref_slice %arg8[%dma_start3A_126, %dma_start3A_127] : memref<8x128xi32, #tpu.memory_space<vmem>> -> memref<1x128xi32, #tpu.memory_space<vmem>>
      %dma_start3A_129 = tpu.memref_squeeze %dma_start3A_128 : memref<1x128xi32, #tpu.memory_space<vmem>> -> memref<128xi32, #tpu.memory_space<vmem>>
      %dma_start3A_130 = arith.constant 0 : i32
      %dma_start3A_131 = arith.constant 0 : i32
      %dma_start3A_132 = tpu.memref_slice %arg2[%dma_start3A_130, %dma_start3A_131] : memref<10112x128xf32, #tpu.memory_space<hbm>> -> memref<10112x128xf32, #tpu.memory_space<hbm>>
      tpu.enqueue_indirect_dma source(%dma_start3A_132 : memref<10112x128xf32, #tpu.memory_space<hbm>>) target(%arg13 : memref<128x128xf32, #tpu.memory_space<vmem>>) offsets(%dma_start3A_129 : memref<128xi32, #tpu.memory_space<vmem>>) semaphore(%arg19 : memref<!tpu.dma_semaphore, #tpu.memory_space<semaphore_mem>>)
      %dma_wait3A_133 = arith.constant 2 : i32
      %dma_wait3A_134 = arith.constant 0 : i32
      %dma_wait3A_135 = tpu.memref_slice %arg8[%dma_wait3A_133, %dma_wait3A_134] : memref<8x128xi32, #tpu.memory_space<vmem>> -> memref<1x128xi32, #tpu.memory_space<vmem>>
      %dma_wait3A_136 = tpu.memref_squeeze %dma_wait3A_135 : memref<1x128xi32, #tpu.memory_space<vmem>> -> memref<128xi32, #tpu.memory_space<vmem>>
      %dma_wait3A_137 = arith.constant 0 : i32
      %dma_wait3A_138 = arith.constant 0 : i32
      %dma_wait3A_139 = tpu.memref_slice %arg2[%dma_wait3A_137, %dma_wait3A_138] : memref<10112x128xf32, #tpu.memory_space<hbm>> -> memref<10112x128xf32, #tpu.memory_space<hbm>>
      tpu.wait_indirect_dma semaphore(%arg18 : memref<!tpu.dma_semaphore, #tpu.memory_space<semaphore_mem>>) src(%dma_wait3A_139 : memref<10112x128xf32, #tpu.memory_space<hbm>>) dst(%arg12 : memref<128x128xf32, #tpu.memory_space<vmem>>)
      %dma_start3A_140 = arith.constant 2 : i32
      %dma_start3A_141 = arith.constant 0 : i32
      %dma_start3A_142 = tpu.memref_slice %arg10[%dma_start3A_140, %dma_start3A_141] : memref<8x128xi32, #tpu.memory_space<vmem>> -> memref<1x128xi32, #tpu.memory_space<vmem>>
      %dma_start3A_143 = tpu.memref_squeeze %dma_start3A_142 : memref<1x128xi32, #tpu.memory_space<vmem>> -> memref<128xi32, #tpu.memory_space<vmem>>
      %dma_start3A_144 = arith.constant 0 : i32
      %dma_start3A_145 = arith.constant 0 : i32
      %dma_start3A_146 = tpu.memref_slice %arg7[%dma_start3A_144, %dma_start3A_145] : memref<10112x128xf32, #tpu.memory_space<vmem_shared>> -> memref<10112x128xf32, #tpu.memory_space<vmem_shared>>
      tpu.enqueue_indirect_dma source(%arg12 : memref<128x128xf32, #tpu.memory_space<vmem>>) target(%dma_start3A_146 : memref<10112x128xf32, #tpu.memory_space<vmem_shared>>) offsets(%dma_start3A_143 : memref<128xi32, #tpu.memory_space<vmem>>) semaphore(%arg20 : memref<!tpu.dma_semaphore, #tpu.memory_space<semaphore_mem>>) {add = true}
      %dma_wait3A_147 = arith.constant 2 : i32
      %dma_wait3A_148 = arith.constant 0 : i32
      %dma_wait3A_149 = tpu.memref_slice %arg10[%dma_wait3A_147, %dma_wait3A_148] : memref<8x128xi32, #tpu.memory_space<vmem>> -> memref<1x128xi32, #tpu.memory_space<vmem>>
      %dma_wait3A_150 = tpu.memref_squeeze %dma_wait3A_149 : memref<1x128xi32, #tpu.memory_space<vmem>> -> memref<128xi32, #tpu.memory_space<vmem>>
      %dma_wait3A_151 = arith.constant 0 : i32
      %dma_wait3A_152 = arith.constant 0 : i32
      %dma_wait3A_153 = tpu.memref_slice %arg7[%dma_wait3A_151, %dma_wait3A_152] : memref<10112x128xf32, #tpu.memory_space<vmem_shared>> -> memref<10112x128xf32, #tpu.memory_space<vmem_shared>>
      tpu.wait_indirect_dma semaphore(%arg20 : memref<!tpu.dma_semaphore, #tpu.memory_space<semaphore_mem>>) src(%arg12 : memref<128x128xf32, #tpu.memory_space<vmem>>) dst(%dma_wait3A_153 : memref<10112x128xf32, #tpu.memory_space<vmem_shared>>)
      %dma_start3A_154 = arith.constant 4 : i32
      %dma_start3A_155 = arith.constant 0 : i32
      %dma_start3A_156 = tpu.memref_slice %arg8[%dma_start3A_154, %dma_start3A_155] : memref<8x128xi32, #tpu.memory_space<vmem>> -> memref<1x128xi32, #tpu.memory_space<vmem>>
      %dma_start3A_157 = tpu.memref_squeeze %dma_start3A_156 : memref<1x128xi32, #tpu.memory_space<vmem>> -> memref<128xi32, #tpu.memory_space<vmem>>
      %dma_start3A_158 = arith.constant 0 : i32
      %dma_start3A_159 = arith.constant 0 : i32
      %dma_start3A_160 = tpu.memref_slice %arg2[%dma_start3A_158, %dma_start3A_159] : memref<10112x128xf32, #tpu.memory_space<hbm>> -> memref<10112x128xf32, #tpu.memory_space<hbm>>
      tpu.enqueue_indirect_dma source(%dma_start3A_160 : memref<10112x128xf32, #tpu.memory_space<hbm>>) target(%arg12 : memref<128x128xf32, #tpu.memory_space<vmem>>) offsets(%dma_start3A_157 : memref<128xi32, #tpu.memory_space<vmem>>) semaphore(%arg18 : memref<!tpu.dma_semaphore, #tpu.memory_space<semaphore_mem>>)
      %dma_wait3A_161 = arith.constant 3 : i32
      %dma_wait3A_162 = arith.constant 0 : i32
      %dma_wait3A_163 = tpu.memref_slice %arg8[%dma_wait3A_161, %dma_wait3A_162] : memref<8x128xi32, #tpu.memory_space<vmem>> -> memref<1x128xi32, #tpu.memory_space<vmem>>
      %dma_wait3A_164 = tpu.memref_squeeze %dma_wait3A_163 : memref<1x128xi32, #tpu.memory_space<vmem>> -> memref<128xi32, #tpu.memory_space<vmem>>
      %dma_wait3A_165 = arith.constant 0 : i32
      %dma_wait3A_166 = arith.constant 0 : i32
      %dma_wait3A_167 = tpu.memref_slice %arg2[%dma_wait3A_165, %dma_wait3A_166] : memref<10112x128xf32, #tpu.memory_space<hbm>> -> memref<10112x128xf32, #tpu.memory_space<hbm>>
      tpu.wait_indirect_dma semaphore(%arg19 : memref<!tpu.dma_semaphore, #tpu.memory_space<semaphore_mem>>) src(%dma_wait3A_167 : memref<10112x128xf32, #tpu.memory_space<hbm>>) dst(%arg13 : memref<128x128xf32, #tpu.memory_space<vmem>>)
      %dma_start3A_168 = arith.constant 3 : i32
      %dma_start3A_169 = arith.constant 0 : i32
      %dma_start3A_170 = tpu.memref_slice %arg10[%dma_start3A_168, %dma_start3A_169] : memref<8x128xi32, #tpu.memory_space<vmem>> -> memref<1x128xi32, #tpu.memory_space<vmem>>
      %dma_start3A_171 = tpu.memref_squeeze %dma_start3A_170 : memref<1x128xi32, #tpu.memory_space<vmem>> -> memref<128xi32, #tpu.memory_space<vmem>>
      %dma_start3A_172 = arith.constant 0 : i32
      %dma_start3A_173 = arith.constant 0 : i32
      %dma_start3A_174 = tpu.memref_slice %arg7[%dma_start3A_172, %dma_start3A_173] : memref<10112x128xf32, #tpu.memory_space<vmem_shared>> -> memref<10112x128xf32, #tpu.memory_space<vmem_shared>>
      tpu.enqueue_indirect_dma source(%arg13 : memref<128x128xf32, #tpu.memory_space<vmem>>) target(%dma_start3A_174 : memref<10112x128xf32, #tpu.memory_space<vmem_shared>>) offsets(%dma_start3A_171 : memref<128xi32, #tpu.memory_space<vmem>>) semaphore(%arg21 : memref<!tpu.dma_semaphore, #tpu.memory_space<semaphore_mem>>) {add = true}
      %dma_wait3A_175 = arith.constant 3 : i32
      %dma_wait3A_176 = arith.constant 0 : i32
      %dma_wait3A_177 = tpu.memref_slice %arg10[%dma_wait3A_175, %dma_wait3A_176] : memref<8x128xi32, #tpu.memory_space<vmem>> -> memref<1x128xi32, #tpu.memory_space<vmem>>
      %dma_wait3A_178 = tpu.memref_squeeze %dma_wait3A_177 : memref<1x128xi32, #tpu.memory_space<vmem>> -> memref<128xi32, #tpu.memory_space<vmem>>
      %dma_wait3A_179 = arith.constant 0 : i32
      %dma_wait3A_180 = arith.constant 0 : i32
      %dma_wait3A_181 = tpu.memref_slice %arg7[%dma_wait3A_179, %dma_wait3A_180] : memref<10112x128xf32, #tpu.memory_space<vmem_shared>> -> memref<10112x128xf32, #tpu.memory_space<vmem_shared>>
      tpu.wait_indirect_dma semaphore(%arg21 : memref<!tpu.dma_semaphore, #tpu.memory_space<semaphore_mem>>) src(%arg13 : memref<128x128xf32, #tpu.memory_space<vmem>>) dst(%dma_wait3A_181 : memref<10112x128xf32, #tpu.memory_space<vmem_shared>>)
      %dma_start3A_182 = arith.constant 5 : i32
      %dma_start3A_183 = arith.constant 0 : i32
      %dma_start3A_184 = tpu.memref_slice %arg8[%dma_start3A_182, %dma_start3A_183] : memref<8x128xi32, #tpu.memory_space<vmem>> -> memref<1x128xi32, #tpu.memory_space<vmem>>
      %dma_start3A_185 = tpu.memref_squeeze %dma_start3A_184 : memref<1x128xi32, #tpu.memory_space<vmem>> -> memref<128xi32, #tpu.memory_space<vmem>>
      %dma_start3A_186 = arith.constant 0 : i32
      %dma_start3A_187 = arith.constant 0 : i32
      %dma_start3A_188 = tpu.memref_slice %arg2[%dma_start3A_186, %dma_start3A_187] : memref<10112x128xf32, #tpu.memory_space<hbm>> -> memref<10112x128xf32, #tpu.memory_space<hbm>>
      tpu.enqueue_indirect_dma source(%dma_start3A_188 : memref<10112x128xf32, #tpu.memory_space<hbm>>) target(%arg13 : memref<128x128xf32, #tpu.memory_space<vmem>>) offsets(%dma_start3A_185 : memref<128xi32, #tpu.memory_space<vmem>>) semaphore(%arg19 : memref<!tpu.dma_semaphore, #tpu.memory_space<semaphore_mem>>)
      %dma_wait3A_189 = arith.constant 4 : i32
      %dma_wait3A_190 = arith.constant 0 : i32
      %dma_wait3A_191 = tpu.memref_slice %arg8[%dma_wait3A_189, %dma_wait3A_190] : memref<8x128xi32, #tpu.memory_space<vmem>> -> memref<1x128xi32, #tpu.memory_space<vmem>>
      %dma_wait3A_192 = tpu.memref_squeeze %dma_wait3A_191 : memref<1x128xi32, #tpu.memory_space<vmem>> -> memref<128xi32, #tpu.memory_space<vmem>>
      %dma_wait3A_193 = arith.constant 0 : i32
      %dma_wait3A_194 = arith.constant 0 : i32
      %dma_wait3A_195 = tpu.memref_slice %arg2[%dma_wait3A_193, %dma_wait3A_194] : memref<10112x128xf32, #tpu.memory_space<hbm>> -> memref<10112x128xf32, #tpu.memory_space<hbm>>
      tpu.wait_indirect_dma semaphore(%arg18 : memref<!tpu.dma_semaphore, #tpu.memory_space<semaphore_mem>>) src(%dma_wait3A_195 : memref<10112x128xf32, #tpu.memory_space<hbm>>) dst(%arg12 : memref<128x128xf32, #tpu.memory_space<vmem>>)
      %dma_start3A_196 = arith.constant 4 : i32
      %dma_start3A_197 = arith.constant 0 : i32
      %dma_start3A_198 = tpu.memref_slice %arg10[%dma_start3A_196, %dma_start3A_197] : memref<8x128xi32, #tpu.memory_space<vmem>> -> memref<1x128xi32, #tpu.memory_space<vmem>>
      %dma_start3A_199 = tpu.memref_squeeze %dma_start3A_198 : memref<1x128xi32, #tpu.memory_space<vmem>> -> memref<128xi32, #tpu.memory_space<vmem>>
      %dma_start3A_200 = arith.constant 0 : i32
      %dma_start3A_201 = arith.constant 0 : i32
      %dma_start3A_202 = tpu.memref_slice %arg7[%dma_start3A_200, %dma_start3A_201] : memref<10112x128xf32, #tpu.memory_space<vmem_shared>> -> memref<10112x128xf32, #tpu.memory_space<vmem_shared>>
      tpu.enqueue_indirect_dma source(%arg12 : memref<128x128xf32, #tpu.memory_space<vmem>>) target(%dma_start3A_202 : memref<10112x128xf32, #tpu.memory_space<vmem_shared>>) offsets(%dma_start3A_199 : memref<128xi32, #tpu.memory_space<vmem>>) semaphore(%arg20 : memref<!tpu.dma_semaphore, #tpu.memory_space<semaphore_mem>>) {add = true}
      %dma_wait3A_203 = arith.constant 4 : i32
      %dma_wait3A_204 = arith.constant 0 : i32
      %dma_wait3A_205 = tpu.memref_slice %arg10[%dma_wait3A_203, %dma_wait3A_204] : memref<8x128xi32, #tpu.memory_space<vmem>> -> memref<1x128xi32, #tpu.memory_space<vmem>>
      %dma_wait3A_206 = tpu.memref_squeeze %dma_wait3A_205 : memref<1x128xi32, #tpu.memory_space<vmem>> -> memref<128xi32, #tpu.memory_space<vmem>>
      %dma_wait3A_207 = arith.constant 0 : i32
      %dma_wait3A_208 = arith.constant 0 : i32
      %dma_wait3A_209 = tpu.memref_slice %arg7[%dma_wait3A_207, %dma_wait3A_208] : memref<10112x128xf32, #tpu.memory_space<vmem_shared>> -> memref<10112x128xf32, #tpu.memory_space<vmem_shared>>
      tpu.wait_indirect_dma semaphore(%arg20 : memref<!tpu.dma_semaphore, #tpu.memory_space<semaphore_mem>>) src(%arg12 : memref<128x128xf32, #tpu.memory_space<vmem>>) dst(%dma_wait3A_209 : memref<10112x128xf32, #tpu.memory_space<vmem_shared>>)
      %dma_start3A_210 = arith.constant 6 : i32
      %dma_start3A_211 = arith.constant 0 : i32
      %dma_start3A_212 = tpu.memref_slice %arg8[%dma_start3A_210, %dma_start3A_211] : memref<8x128xi32, #tpu.memory_space<vmem>> -> memref<1x128xi32, #tpu.memory_space<vmem>>
      %dma_start3A_213 = tpu.memref_squeeze %dma_start3A_212 : memref<1x128xi32, #tpu.memory_space<vmem>> -> memref<128xi32, #tpu.memory_space<vmem>>
      %dma_start3A_214 = arith.constant 0 : i32
      %dma_start3A_215 = arith.constant 0 : i32
      %dma_start3A_216 = tpu.memref_slice %arg2[%dma_start3A_214, %dma_start3A_215] : memref<10112x128xf32, #tpu.memory_space<hbm>> -> memref<10112x128xf32, #tpu.memory_space<hbm>>
      tpu.enqueue_indirect_dma source(%dma_start3A_216 : memref<10112x128xf32, #tpu.memory_space<hbm>>) target(%arg12 : memref<128x128xf32, #tpu.memory_space<vmem>>) offsets(%dma_start3A_213 : memref<128xi32, #tpu.memory_space<vmem>>) semaphore(%arg18 : memref<!tpu.dma_semaphore, #tpu.memory_space<semaphore_mem>>)
      %dma_wait3A_217 = arith.constant 5 : i32
      %dma_wait3A_218 = arith.constant 0 : i32
      %dma_wait3A_219 = tpu.memref_slice %arg8[%dma_wait3A_217, %dma_wait3A_218] : memref<8x128xi32, #tpu.memory_space<vmem>> -> memref<1x128xi32, #tpu.memory_space<vmem>>
      %dma_wait3A_220 = tpu.memref_squeeze %dma_wait3A_219 : memref<1x128xi32, #tpu.memory_space<vmem>> -> memref<128xi32, #tpu.memory_space<vmem>>
      %dma_wait3A_221 = arith.constant 0 : i32
      %dma_wait3A_222 = arith.constant 0 : i32
      %dma_wait3A_223 = tpu.memref_slice %arg2[%dma_wait3A_221, %dma_wait3A_222] : memref<10112x128xf32, #tpu.memory_space<hbm>> -> memref<10112x128xf32, #tpu.memory_space<hbm>>
      tpu.wait_indirect_dma semaphore(%arg19 : memref<!tpu.dma_semaphore, #tpu.memory_space<semaphore_mem>>) src(%dma_wait3A_223 : memref<10112x128xf32, #tpu.memory_space<hbm>>) dst(%arg13 : memref<128x128xf32, #tpu.memory_space<vmem>>)
      %dma_start3A_224 = arith.constant 5 : i32
      %dma_start3A_225 = arith.constant 0 : i32
      %dma_start3A_226 = tpu.memref_slice %arg10[%dma_start3A_224, %dma_start3A_225] : memref<8x128xi32, #tpu.memory_space<vmem>> -> memref<1x128xi32, #tpu.memory_space<vmem>>
      %dma_start3A_227 = tpu.memref_squeeze %dma_start3A_226 : memref<1x128xi32, #tpu.memory_space<vmem>> -> memref<128xi32, #tpu.memory_space<vmem>>
      %dma_start3A_228 = arith.constant 0 : i32
      %dma_start3A_229 = arith.constant 0 : i32
      %dma_start3A_230 = tpu.memref_slice %arg7[%dma_start3A_228, %dma_start3A_229] : memref<10112x128xf32, #tpu.memory_space<vmem_shared>> -> memref<10112x128xf32, #tpu.memory_space<vmem_shared>>
      tpu.enqueue_indirect_dma source(%arg13 : memref<128x128xf32, #tpu.memory_space<vmem>>) target(%dma_start3A_230 : memref<10112x128xf32, #tpu.memory_space<vmem_shared>>) offsets(%dma_start3A_227 : memref<128xi32, #tpu.memory_space<vmem>>) semaphore(%arg21 : memref<!tpu.dma_semaphore, #tpu.memory_space<semaphore_mem>>) {add = true}
      %dma_wait3A_231 = arith.constant 5 : i32
      %dma_wait3A_232 = arith.constant 0 : i32
      %dma_wait3A_233 = tpu.memref_slice %arg10[%dma_wait3A_231, %dma_wait3A_232] : memref<8x128xi32, #tpu.memory_space<vmem>> -> memref<1x128xi32, #tpu.memory_space<vmem>>
      %dma_wait3A_234 = tpu.memref_squeeze %dma_wait3A_233 : memref<1x128xi32, #tpu.memory_space<vmem>> -> memref<128xi32, #tpu.memory_space<vmem>>
      %dma_wait3A_235 = arith.constant 0 : i32
      %dma_wait3A_236 = arith.constant 0 : i32
      %dma_wait3A_237 = tpu.memref_slice %arg7[%dma_wait3A_235, %dma_wait3A_236] : memref<10112x128xf32, #tpu.memory_space<vmem_shared>> -> memref<10112x128xf32, #tpu.memory_space<vmem_shared>>
      tpu.wait_indirect_dma semaphore(%arg21 : memref<!tpu.dma_semaphore, #tpu.memory_space<semaphore_mem>>) src(%arg13 : memref<128x128xf32, #tpu.memory_space<vmem>>) dst(%dma_wait3A_237 : memref<10112x128xf32, #tpu.memory_space<vmem_shared>>)
      %dma_start3A_238 = arith.constant 7 : i32
      %dma_start3A_239 = arith.constant 0 : i32
      %dma_start3A_240 = tpu.memref_slice %arg8[%dma_start3A_238, %dma_start3A_239] : memref<8x128xi32, #tpu.memory_space<vmem>> -> memref<1x128xi32, #tpu.memory_space<vmem>>
      %dma_start3A_241 = tpu.memref_squeeze %dma_start3A_240 : memref<1x128xi32, #tpu.memory_space<vmem>> -> memref<128xi32, #tpu.memory_space<vmem>>
      %dma_start3A_242 = arith.constant 0 : i32
      %dma_start3A_243 = arith.constant 0 : i32
      %dma_start3A_244 = tpu.memref_slice %arg2[%dma_start3A_242, %dma_start3A_243] : memref<10112x128xf32, #tpu.memory_space<hbm>> -> memref<10112x128xf32, #tpu.memory_space<hbm>>
      tpu.enqueue_indirect_dma source(%dma_start3A_244 : memref<10112x128xf32, #tpu.memory_space<hbm>>) target(%arg13 : memref<128x128xf32, #tpu.memory_space<vmem>>) offsets(%dma_start3A_241 : memref<128xi32, #tpu.memory_space<vmem>>) semaphore(%arg19 : memref<!tpu.dma_semaphore, #tpu.memory_space<semaphore_mem>>)
      %dma_wait3A_245 = arith.constant 6 : i32
      %dma_wait3A_246 = arith.constant 0 : i32
      %dma_wait3A_247 = tpu.memref_slice %arg8[%dma_wait3A_245, %dma_wait3A_246] : memref<8x128xi32, #tpu.memory_space<vmem>> -> memref<1x128xi32, #tpu.memory_space<vmem>>
      %dma_wait3A_248 = tpu.memref_squeeze %dma_wait3A_247 : memref<1x128xi32, #tpu.memory_space<vmem>> -> memref<128xi32, #tpu.memory_space<vmem>>
      %dma_wait3A_249 = arith.constant 0 : i32
      %dma_wait3A_250 = arith.constant 0 : i32
      %dma_wait3A_251 = tpu.memref_slice %arg2[%dma_wait3A_249, %dma_wait3A_250] : memref<10112x128xf32, #tpu.memory_space<hbm>> -> memref<10112x128xf32, #tpu.memory_space<hbm>>
      tpu.wait_indirect_dma semaphore(%arg18 : memref<!tpu.dma_semaphore, #tpu.memory_space<semaphore_mem>>) src(%dma_wait3A_251 : memref<10112x128xf32, #tpu.memory_space<hbm>>) dst(%arg12 : memref<128x128xf32, #tpu.memory_space<vmem>>)
      %dma_start3A_252 = arith.constant 6 : i32
      %dma_start3A_253 = arith.constant 0 : i32
      %dma_start3A_254 = tpu.memref_slice %arg10[%dma_start3A_252, %dma_start3A_253] : memref<8x128xi32, #tpu.memory_space<vmem>> -> memref<1x128xi32, #tpu.memory_space<vmem>>
      %dma_start3A_255 = tpu.memref_squeeze %dma_start3A_254 : memref<1x128xi32, #tpu.memory_space<vmem>> -> memref<128xi32, #tpu.memory_space<vmem>>
      %dma_start3A_256 = arith.constant 0 : i32
      %dma_start3A_257 = arith.constant 0 : i32
      %dma_start3A_258 = tpu.memref_slice %arg7[%dma_start3A_256, %dma_start3A_257] : memref<10112x128xf32, #tpu.memory_space<vmem_shared>> -> memref<10112x128xf32, #tpu.memory_space<vmem_shared>>
      tpu.enqueue_indirect_dma source(%arg12 : memref<128x128xf32, #tpu.memory_space<vmem>>) target(%dma_start3A_258 : memref<10112x128xf32, #tpu.memory_space<vmem_shared>>) offsets(%dma_start3A_255 : memref<128xi32, #tpu.memory_space<vmem>>) semaphore(%arg20 : memref<!tpu.dma_semaphore, #tpu.memory_space<semaphore_mem>>) {add = true}
      %lt3A = arith.constant 9 : i32
      %lt3A_259 = arith.cmpi slt, %add3A_76, %lt3A : i32
      %convert_element_type3A = arith.extui %lt3A_259 : i1 to i32
      %cond3A = arith.constant 0 : i32
      %cond3A_260 = arith.cmpi ne, %convert_element_type3A, %cond3A : i32
      scf.if %cond3A_260 {
        %dma_wait3A_510 = arith.constant 0 : i32
        %dma_wait3A_511 = arith.constant 0 : i32
        %dma_wait3A_512 = tpu.memref_slice %arg3[%dma_wait3A_510, %dma_wait3A_511] : memref<2560x128xi32, #tpu.memory_space<hbm>> -> memref<8x128xi32, #tpu.memory_space<hbm>>
        %dma_wait3A_513 = arith.constant 0 : i32
        %dma_wait3A_514 = arith.constant 0 : i32
        %dma_wait3A_515 = tpu.memref_slice %arg3[%dma_wait3A_513, %dma_wait3A_514] : memref<2560x128xi32, #tpu.memory_space<hbm>> -> memref<8x128xi32, #tpu.memory_space<hbm>>
        tpu.wait_dma2 semaphore(%arg15 : memref<!tpu.dma_semaphore, #tpu.memory_space<semaphore_mem>>) src(%dma_wait3A_515 : memref<8x128xi32, #tpu.memory_space<hbm>>) dst(%arg9 : memref<8x128xi32, #tpu.memory_space<vmem>>)
        %dma_wait3A_516 = arith.constant 0 : i32
        %dma_wait3A_517 = arith.constant 0 : i32
        %dma_wait3A_518 = tpu.memref_slice %arg4[%dma_wait3A_516, %dma_wait3A_517] : memref<2560x128xi32, #tpu.memory_space<hbm>> -> memref<8x128xi32, #tpu.memory_space<hbm>>
        %dma_wait3A_519 = arith.constant 0 : i32
        %dma_wait3A_520 = arith.constant 0 : i32
        %dma_wait3A_521 = tpu.memref_slice %arg4[%dma_wait3A_519, %dma_wait3A_520] : memref<2560x128xi32, #tpu.memory_space<hbm>> -> memref<8x128xi32, #tpu.memory_space<hbm>>
        tpu.wait_dma2 semaphore(%arg17 : memref<!tpu.dma_semaphore, #tpu.memory_space<semaphore_mem>>) src(%dma_wait3A_521 : memref<8x128xi32, #tpu.memory_space<hbm>>) dst(%arg11 : memref<8x128xi32, #tpu.memory_space<vmem>>)
      } else {
      }
      %lt3A_261 = arith.constant 9 : i32
      %lt3A_262 = arith.cmpi slt, %add3A_76, %lt3A_261 : i32
      %convert_element_type3A_263 = arith.extui %lt3A_262 : i1 to i32
      %cond3A_264 = arith.constant 0 : i32
      %cond3A_265 = arith.cmpi ne, %convert_element_type3A_263, %cond3A_264 : i32
      scf.if %cond3A_265 {
        %dma_wait3A_510 = arith.constant 6 : i32
        %dma_wait3A_511 = arith.constant 0 : i32
        %dma_wait3A_512 = tpu.memref_slice %arg10[%dma_wait3A_510, %dma_wait3A_511] : memref<8x128xi32, #tpu.memory_space<vmem>> -> memref<1x128xi32, #tpu.memory_space<vmem>>
        %dma_wait3A_513 = tpu.memref_squeeze %dma_wait3A_512 : memref<1x128xi32, #tpu.memory_space<vmem>> -> memref<128xi32, #tpu.memory_space<vmem>>
        %dma_wait3A_514 = arith.constant 0 : i32
        %dma_wait3A_515 = arith.constant 0 : i32
        %dma_wait3A_516 = tpu.memref_slice %arg7[%dma_wait3A_514, %dma_wait3A_515] : memref<10112x128xf32, #tpu.memory_space<vmem_shared>> -> memref<10112x128xf32, #tpu.memory_space<vmem_shared>>
        tpu.wait_indirect_dma semaphore(%arg20 : memref<!tpu.dma_semaphore, #tpu.memory_space<semaphore_mem>>) src(%arg12 : memref<128x128xf32, #tpu.memory_space<vmem>>) dst(%dma_wait3A_516 : memref<10112x128xf32, #tpu.memory_space<vmem_shared>>)
        %dma_start3A_517 = arith.constant 0 : i32
        %dma_start3A_518 = arith.constant 0 : i32
        %dma_start3A_519 = tpu.memref_slice %arg9[%dma_start3A_517, %dma_start3A_518] : memref<8x128xi32, #tpu.memory_space<vmem>> -> memref<1x128xi32, #tpu.memory_space<vmem>>
        %dma_start3A_520 = tpu.memref_squeeze %dma_start3A_519 : memref<1x128xi32, #tpu.memory_space<vmem>> -> memref<128xi32, #tpu.memory_space<vmem>>
        %dma_start3A_521 = arith.constant 0 : i32
        %dma_start3A_522 = arith.constant 0 : i32
        %dma_start3A_523 = tpu.memref_slice %arg2[%dma_start3A_521, %dma_start3A_522] : memref<10112x128xf32, #tpu.memory_space<hbm>> -> memref<10112x128xf32, #tpu.memory_space<hbm>>
        tpu.enqueue_indirect_dma source(%dma_start3A_523 : memref<10112x128xf32, #tpu.memory_space<hbm>>) target(%arg12 : memref<128x128xf32, #tpu.memory_space<vmem>>) offsets(%dma_start3A_520 : memref<128xi32, #tpu.memory_space<vmem>>) semaphore(%arg18 : memref<!tpu.dma_semaphore, #tpu.memory_space<semaphore_mem>>)
      } else {
      }
      %dma_wait3A_266 = arith.constant 7 : i32
      %dma_wait3A_267 = arith.constant 0 : i32
      %dma_wait3A_268 = tpu.memref_slice %arg8[%dma_wait3A_266, %dma_wait3A_267] : memref<8x128xi32, #tpu.memory_space<vmem>> -> memref<1x128xi32, #tpu.memory_space<vmem>>
      %dma_wait3A_269 = tpu.memref_squeeze %dma_wait3A_268 : memref<1x128xi32, #tpu.memory_space<vmem>> -> memref<128xi32, #tpu.memory_space<vmem>>
      %dma_wait3A_270 = arith.constant 0 : i32
      %dma_wait3A_271 = arith.constant 0 : i32
      %dma_wait3A_272 = tpu.memref_slice %arg2[%dma_wait3A_270, %dma_wait3A_271] : memref<10112x128xf32, #tpu.memory_space<hbm>> -> memref<10112x128xf32, #tpu.memory_space<hbm>>
      tpu.wait_indirect_dma semaphore(%arg19 : memref<!tpu.dma_semaphore, #tpu.memory_space<semaphore_mem>>) src(%dma_wait3A_272 : memref<10112x128xf32, #tpu.memory_space<hbm>>) dst(%arg13 : memref<128x128xf32, #tpu.memory_space<vmem>>)
      %dma_start3A_273 = arith.constant 7 : i32
      %dma_start3A_274 = arith.constant 0 : i32
      %dma_start3A_275 = tpu.memref_slice %arg10[%dma_start3A_273, %dma_start3A_274] : memref<8x128xi32, #tpu.memory_space<vmem>> -> memref<1x128xi32, #tpu.memory_space<vmem>>
      %dma_start3A_276 = tpu.memref_squeeze %dma_start3A_275 : memref<1x128xi32, #tpu.memory_space<vmem>> -> memref<128xi32, #tpu.memory_space<vmem>>
      %dma_start3A_277 = arith.constant 0 : i32
      %dma_start3A_278 = arith.constant 0 : i32
      %dma_start3A_279 = tpu.memref_slice %arg7[%dma_start3A_277, %dma_start3A_278] : memref<10112x128xf32, #tpu.memory_space<vmem_shared>> -> memref<10112x128xf32, #tpu.memory_space<vmem_shared>>
      tpu.enqueue_indirect_dma source(%arg13 : memref<128x128xf32, #tpu.memory_space<vmem>>) target(%dma_start3A_279 : memref<10112x128xf32, #tpu.memory_space<vmem_shared>>) offsets(%dma_start3A_276 : memref<128xi32, #tpu.memory_space<vmem>>) semaphore(%arg21 : memref<!tpu.dma_semaphore, #tpu.memory_space<semaphore_mem>>) {add = true}
      %lt3A_280 = arith.constant 9 : i32
      %lt3A_281 = arith.cmpi slt, %add3A_76, %lt3A_280 : i32
      %convert_element_type3A_282 = arith.extui %lt3A_281 : i1 to i32
      %cond3A_283 = arith.constant 0 : i32
      %cond3A_284 = arith.cmpi ne, %convert_element_type3A_282, %cond3A_283 : i32
      scf.if %cond3A_284 {
        %dma_wait3A_510 = arith.constant 7 : i32
        %dma_wait3A_511 = arith.constant 0 : i32
        %dma_wait3A_512 = tpu.memref_slice %arg10[%dma_wait3A_510, %dma_wait3A_511] : memref<8x128xi32, #tpu.memory_space<vmem>> -> memref<1x128xi32, #tpu.memory_space<vmem>>
        %dma_wait3A_513 = tpu.memref_squeeze %dma_wait3A_512 : memref<1x128xi32, #tpu.memory_space<vmem>> -> memref<128xi32, #tpu.memory_space<vmem>>
        %dma_wait3A_514 = arith.constant 0 : i32
        %dma_wait3A_515 = arith.constant 0 : i32
        %dma_wait3A_516 = tpu.memref_slice %arg7[%dma_wait3A_514, %dma_wait3A_515] : memref<10112x128xf32, #tpu.memory_space<vmem_shared>> -> memref<10112x128xf32, #tpu.memory_space<vmem_shared>>
        tpu.wait_indirect_dma semaphore(%arg21 : memref<!tpu.dma_semaphore, #tpu.memory_space<semaphore_mem>>) src(%arg13 : memref<128x128xf32, #tpu.memory_space<vmem>>) dst(%dma_wait3A_516 : memref<10112x128xf32, #tpu.memory_space<vmem_shared>>)
        %dma_start3A_517 = arith.constant 1 : i32
        %dma_start3A_518 = arith.constant 0 : i32
        %dma_start3A_519 = tpu.memref_slice %arg9[%dma_start3A_517, %dma_start3A_518] : memref<8x128xi32, #tpu.memory_space<vmem>> -> memref<1x128xi32, #tpu.memory_space<vmem>>
        %dma_start3A_520 = tpu.memref_squeeze %dma_start3A_519 : memref<1x128xi32, #tpu.memory_space<vmem>> -> memref<128xi32, #tpu.memory_space<vmem>>
        %dma_start3A_521 = arith.constant 0 : i32
        %dma_start3A_522 = arith.constant 0 : i32
        %dma_start3A_523 = tpu.memref_slice %arg2[%dma_start3A_521, %dma_start3A_522] : memref<10112x128xf32, #tpu.memory_space<hbm>> -> memref<10112x128xf32, #tpu.memory_space<hbm>>
        tpu.enqueue_indirect_dma source(%dma_start3A_523 : memref<10112x128xf32, #tpu.memory_space<hbm>>) target(%arg13 : memref<128x128xf32, #tpu.memory_space<vmem>>) offsets(%dma_start3A_520 : memref<128xi32, #tpu.memory_space<vmem>>) semaphore(%arg19 : memref<!tpu.dma_semaphore, #tpu.memory_space<semaphore_mem>>)
      } else {
      }
      %lt3A_285 = arith.constant 8 : i32
      %lt3A_286 = arith.cmpi slt, %add3A_76, %lt3A_285 : i32
      %convert_element_type3A_287 = arith.extui %lt3A_286 : i1 to i32
      %cond3A_288 = arith.constant 0 : i32
      %cond3A_289 = arith.cmpi ne, %convert_element_type3A_287, %cond3A_288 : i32
      scf.if %cond3A_289 {
        %add3A_510 = arith.constant 2 : i32
        %add3A_511 = arith.addi %add3A_76, %add3A_510 : i32
        %mul3A_512 = arith.constant 8 : i32
        %mul3A_513 = arith.muli %add3A_511, %mul3A_512 : i32
        %add3A_514 = arith.addi %mul3A_2, %mul3A_513 : i32
        %dma_start3A_515 = arith.constant 0 : i32
        %dma_start3A_516 = tpu.memref_slice %arg3[%add3A_514, %dma_start3A_515] : memref<2560x128xi32, #tpu.memory_space<hbm>> -> memref<8x128xi32, #tpu.memory_space<hbm>>
        %dma_start3A_517 = arith.constant 0 : i32
        %dma_start3A_518 = tpu.memref_slice %arg3[%add3A_514, %dma_start3A_517] : memref<2560x128xi32, #tpu.memory_space<hbm>> -> memref<8x128xi32, #tpu.memory_space<hbm>>
        tpu.enqueue_dma source(%dma_start3A_518 : memref<8x128xi32, #tpu.memory_space<hbm>>) target(%arg8 : memref<8x128xi32, #tpu.memory_space<vmem>>) target_semaphore(%arg14 : memref<!tpu.dma_semaphore, #tpu.memory_space<semaphore_mem>>)
        %dma_start3A_519 = arith.constant 0 : i32
        %dma_start3A_520 = tpu.memref_slice %arg4[%add3A_514, %dma_start3A_519] : memref<2560x128xi32, #tpu.memory_space<hbm>> -> memref<8x128xi32, #tpu.memory_space<hbm>>
        %dma_start3A_521 = arith.constant 0 : i32
        %dma_start3A_522 = tpu.memref_slice %arg4[%add3A_514, %dma_start3A_521] : memref<2560x128xi32, #tpu.memory_space<hbm>> -> memref<8x128xi32, #tpu.memory_space<hbm>>
        tpu.enqueue_dma source(%dma_start3A_522 : memref<8x128xi32, #tpu.memory_space<hbm>>) target(%arg10 : memref<8x128xi32, #tpu.memory_space<vmem>>) target_semaphore(%arg16 : memref<!tpu.dma_semaphore, #tpu.memory_space<semaphore_mem>>)
      } else {
      }
      %mul3A_290 = arith.constant 2 : i32
      %mul3A_291 = arith.muli %scan3A_72, %mul3A_290 : i32
      %add3A_292 = arith.constant 1 : i32
      %add3A_293 = arith.addi %mul3A_291, %add3A_292 : i32
      %dma_wait3A_294 = arith.constant 0 : i32
      %dma_wait3A_295 = arith.constant 0 : i32
      %dma_wait3A_296 = tpu.memref_slice %arg9[%dma_wait3A_294, %dma_wait3A_295] : memref<8x128xi32, #tpu.memory_space<vmem>> -> memref<1x128xi32, #tpu.memory_space<vmem>>
      %dma_wait3A_297 = tpu.memref_squeeze %dma_wait3A_296 : memref<1x128xi32, #tpu.memory_space<vmem>> -> memref<128xi32, #tpu.memory_space<vmem>>
      %dma_wait3A_298 = arith.constant 0 : i32
      %dma_wait3A_299 = arith.constant 0 : i32
      %dma_wait3A_300 = tpu.memref_slice %arg2[%dma_wait3A_298, %dma_wait3A_299] : memref<10112x128xf32, #tpu.memory_space<hbm>> -> memref<10112x128xf32, #tpu.memory_space<hbm>>
      tpu.wait_indirect_dma semaphore(%arg18 : memref<!tpu.dma_semaphore, #tpu.memory_space<semaphore_mem>>) src(%dma_wait3A_300 : memref<10112x128xf32, #tpu.memory_space<hbm>>) dst(%arg12 : memref<128x128xf32, #tpu.memory_space<vmem>>)
      %dma_start3A_301 = arith.constant 0 : i32
      %dma_start3A_302 = arith.constant 0 : i32
      %dma_start3A_303 = tpu.memref_slice %arg11[%dma_start3A_301, %dma_start3A_302] : memref<8x128xi32, #tpu.memory_space<vmem>> -> memref<1x128xi32, #tpu.memory_space<vmem>>
      %dma_start3A_304 = tpu.memref_squeeze %dma_start3A_303 : memref<1x128xi32, #tpu.memory_space<vmem>> -> memref<128xi32, #tpu.memory_space<vmem>>
      %dma_start3A_305 = arith.constant 0 : i32
      %dma_start3A_306 = arith.constant 0 : i32
      %dma_start3A_307 = tpu.memref_slice %arg7[%dma_start3A_305, %dma_start3A_306] : memref<10112x128xf32, #tpu.memory_space<vmem_shared>> -> memref<10112x128xf32, #tpu.memory_space<vmem_shared>>
      tpu.enqueue_indirect_dma source(%arg12 : memref<128x128xf32, #tpu.memory_space<vmem>>) target(%dma_start3A_307 : memref<10112x128xf32, #tpu.memory_space<vmem_shared>>) offsets(%dma_start3A_304 : memref<128xi32, #tpu.memory_space<vmem>>) semaphore(%arg20 : memref<!tpu.dma_semaphore, #tpu.memory_space<semaphore_mem>>) {add = true}
      %dma_wait3A_308 = arith.constant 0 : i32
      %dma_wait3A_309 = arith.constant 0 : i32
      %dma_wait3A_310 = tpu.memref_slice %arg11[%dma_wait3A_308, %dma_wait3A_309] : memref<8x128xi32, #tpu.memory_space<vmem>> -> memref<1x128xi32, #tpu.memory_space<vmem>>
      %dma_wait3A_311 = tpu.memref_squeeze %dma_wait3A_310 : memref<1x128xi32, #tpu.memory_space<vmem>> -> memref<128xi32, #tpu.memory_space<vmem>>
      %dma_wait3A_312 = arith.constant 0 : i32
      %dma_wait3A_313 = arith.constant 0 : i32
      %dma_wait3A_314 = tpu.memref_slice %arg7[%dma_wait3A_312, %dma_wait3A_313] : memref<10112x128xf32, #tpu.memory_space<vmem_shared>> -> memref<10112x128xf32, #tpu.memory_space<vmem_shared>>
      tpu.wait_indirect_dma semaphore(%arg20 : memref<!tpu.dma_semaphore, #tpu.memory_space<semaphore_mem>>) src(%arg12 : memref<128x128xf32, #tpu.memory_space<vmem>>) dst(%dma_wait3A_314 : memref<10112x128xf32, #tpu.memory_space<vmem_shared>>)
      %dma_start3A_315 = arith.constant 2 : i32
      %dma_start3A_316 = arith.constant 0 : i32
      %dma_start3A_317 = tpu.memref_slice %arg9[%dma_start3A_315, %dma_start3A_316] : memref<8x128xi32, #tpu.memory_space<vmem>> -> memref<1x128xi32, #tpu.memory_space<vmem>>
      %dma_start3A_318 = tpu.memref_squeeze %dma_start3A_317 : memref<1x128xi32, #tpu.memory_space<vmem>> -> memref<128xi32, #tpu.memory_space<vmem>>
      %dma_start3A_319 = arith.constant 0 : i32
      %dma_start3A_320 = arith.constant 0 : i32
      %dma_start3A_321 = tpu.memref_slice %arg2[%dma_start3A_319, %dma_start3A_320] : memref<10112x128xf32, #tpu.memory_space<hbm>> -> memref<10112x128xf32, #tpu.memory_space<hbm>>
      tpu.enqueue_indirect_dma source(%dma_start3A_321 : memref<10112x128xf32, #tpu.memory_space<hbm>>) target(%arg12 : memref<128x128xf32, #tpu.memory_space<vmem>>) offsets(%dma_start3A_318 : memref<128xi32, #tpu.memory_space<vmem>>) semaphore(%arg18 : memref<!tpu.dma_semaphore, #tpu.memory_space<semaphore_mem>>)
      %dma_wait3A_322 = arith.constant 1 : i32
      %dma_wait3A_323 = arith.constant 0 : i32
      %dma_wait3A_324 = tpu.memref_slice %arg9[%dma_wait3A_322, %dma_wait3A_323] : memref<8x128xi32, #tpu.memory_space<vmem>> -> memref<1x128xi32, #tpu.memory_space<vmem>>
      %dma_wait3A_325 = tpu.memref_squeeze %dma_wait3A_324 : memref<1x128xi32, #tpu.memory_space<vmem>> -> memref<128xi32, #tpu.memory_space<vmem>>
      %dma_wait3A_326 = arith.constant 0 : i32
      %dma_wait3A_327 = arith.constant 0 : i32
      %dma_wait3A_328 = tpu.memref_slice %arg2[%dma_wait3A_326, %dma_wait3A_327] : memref<10112x128xf32, #tpu.memory_space<hbm>> -> memref<10112x128xf32, #tpu.memory_space<hbm>>
      tpu.wait_indirect_dma semaphore(%arg19 : memref<!tpu.dma_semaphore, #tpu.memory_space<semaphore_mem>>) src(%dma_wait3A_328 : memref<10112x128xf32, #tpu.memory_space<hbm>>) dst(%arg13 : memref<128x128xf32, #tpu.memory_space<vmem>>)
      %dma_start3A_329 = arith.constant 1 : i32
      %dma_start3A_330 = arith.constant 0 : i32
      %dma_start3A_331 = tpu.memref_slice %arg11[%dma_start3A_329, %dma_start3A_330] : memref<8x128xi32, #tpu.memory_space<vmem>> -> memref<1x128xi32, #tpu.memory_space<vmem>>
      %dma_start3A_332 = tpu.memref_squeeze %dma_start3A_331 : memref<1x128xi32, #tpu.memory_space<vmem>> -> memref<128xi32, #tpu.memory_space<vmem>>
      %dma_start3A_333 = arith.constant 0 : i32
      %dma_start3A_334 = arith.constant 0 : i32
      %dma_start3A_335 = tpu.memref_slice %arg7[%dma_start3A_333, %dma_start3A_334] : memref<10112x128xf32, #tpu.memory_space<vmem_shared>> -> memref<10112x128xf32, #tpu.memory_space<vmem_shared>>
      tpu.enqueue_indirect_dma source(%arg13 : memref<128x128xf32, #tpu.memory_space<vmem>>) target(%dma_start3A_335 : memref<10112x128xf32, #tpu.memory_space<vmem_shared>>) offsets(%dma_start3A_332 : memref<128xi32, #tpu.memory_space<vmem>>) semaphore(%arg21 : memref<!tpu.dma_semaphore, #tpu.memory_space<semaphore_mem>>) {add = true}
      %dma_wait3A_336 = arith.constant 1 : i32
      %dma_wait3A_337 = arith.constant 0 : i32
      %dma_wait3A_338 = tpu.memref_slice %arg11[%dma_wait3A_336, %dma_wait3A_337] : memref<8x128xi32, #tpu.memory_space<vmem>> -> memref<1x128xi32, #tpu.memory_space<vmem>>
      %dma_wait3A_339 = tpu.memref_squeeze %dma_wait3A_338 : memref<1x128xi32, #tpu.memory_space<vmem>> -> memref<128xi32, #tpu.memory_space<vmem>>
      %dma_wait3A_340 = arith.constant 0 : i32
      %dma_wait3A_341 = arith.constant 0 : i32
      %dma_wait3A_342 = tpu.memref_slice %arg7[%dma_wait3A_340, %dma_wait3A_341] : memref<10112x128xf32, #tpu.memory_space<vmem_shared>> -> memref<10112x128xf32, #tpu.memory_space<vmem_shared>>
      tpu.wait_indirect_dma semaphore(%arg21 : memref<!tpu.dma_semaphore, #tpu.memory_space<semaphore_mem>>) src(%arg13 : memref<128x128xf32, #tpu.memory_space<vmem>>) dst(%dma_wait3A_342 : memref<10112x128xf32, #tpu.memory_space<vmem_shared>>)
      %dma_start3A_343 = arith.constant 3 : i32
      %dma_start3A_344 = arith.constant 0 : i32
      %dma_start3A_345 = tpu.memref_slice %arg9[%dma_start3A_343, %dma_start3A_344] : memref<8x128xi32, #tpu.memory_space<vmem>> -> memref<1x128xi32, #tpu.memory_space<vmem>>
      %dma_start3A_346 = tpu.memref_squeeze %dma_start3A_345 : memref<1x128xi32, #tpu.memory_space<vmem>> -> memref<128xi32, #tpu.memory_space<vmem>>
      %dma_start3A_347 = arith.constant 0 : i32
      %dma_start3A_348 = arith.constant 0 : i32
      %dma_start3A_349 = tpu.memref_slice %arg2[%dma_start3A_347, %dma_start3A_348] : memref<10112x128xf32, #tpu.memory_space<hbm>> -> memref<10112x128xf32, #tpu.memory_space<hbm>>
      tpu.enqueue_indirect_dma source(%dma_start3A_349 : memref<10112x128xf32, #tpu.memory_space<hbm>>) target(%arg13 : memref<128x128xf32, #tpu.memory_space<vmem>>) offsets(%dma_start3A_346 : memref<128xi32, #tpu.memory_space<vmem>>) semaphore(%arg19 : memref<!tpu.dma_semaphore, #tpu.memory_space<semaphore_mem>>)
      %dma_wait3A_350 = arith.constant 2 : i32
      %dma_wait3A_351 = arith.constant 0 : i32
      %dma_wait3A_352 = tpu.memref_slice %arg9[%dma_wait3A_350, %dma_wait3A_351] : memref<8x128xi32, #tpu.memory_space<vmem>> -> memref<1x128xi32, #tpu.memory_space<vmem>>
      %dma_wait3A_353 = tpu.memref_squeeze %dma_wait3A_352 : memref<1x128xi32, #tpu.memory_space<vmem>> -> memref<128xi32, #tpu.memory_space<vmem>>
      %dma_wait3A_354 = arith.constant 0 : i32
      %dma_wait3A_355 = arith.constant 0 : i32
      %dma_wait3A_356 = tpu.memref_slice %arg2[%dma_wait3A_354, %dma_wait3A_355] : memref<10112x128xf32, #tpu.memory_space<hbm>> -> memref<10112x128xf32, #tpu.memory_space<hbm>>
      tpu.wait_indirect_dma semaphore(%arg18 : memref<!tpu.dma_semaphore, #tpu.memory_space<semaphore_mem>>) src(%dma_wait3A_356 : memref<10112x128xf32, #tpu.memory_space<hbm>>) dst(%arg12 : memref<128x128xf32, #tpu.memory_space<vmem>>)
      %dma_start3A_357 = arith.constant 2 : i32
      %dma_start3A_358 = arith.constant 0 : i32
      %dma_start3A_359 = tpu.memref_slice %arg11[%dma_start3A_357, %dma_start3A_358] : memref<8x128xi32, #tpu.memory_space<vmem>> -> memref<1x128xi32, #tpu.memory_space<vmem>>
      %dma_start3A_360 = tpu.memref_squeeze %dma_start3A_359 : memref<1x128xi32, #tpu.memory_space<vmem>> -> memref<128xi32, #tpu.memory_space<vmem>>
      %dma_start3A_361 = arith.constant 0 : i32
      %dma_start3A_362 = arith.constant 0 : i32
      %dma_start3A_363 = tpu.memref_slice %arg7[%dma_start3A_361, %dma_start3A_362] : memref<10112x128xf32, #tpu.memory_space<vmem_shared>> -> memref<10112x128xf32, #tpu.memory_space<vmem_shared>>
      tpu.enqueue_indirect_dma source(%arg12 : memref<128x128xf32, #tpu.memory_space<vmem>>) target(%dma_start3A_363 : memref<10112x128xf32, #tpu.memory_space<vmem_shared>>) offsets(%dma_start3A_360 : memref<128xi32, #tpu.memory_space<vmem>>) semaphore(%arg20 : memref<!tpu.dma_semaphore, #tpu.memory_space<semaphore_mem>>) {add = true}
      %dma_wait3A_364 = arith.constant 2 : i32
      %dma_wait3A_365 = arith.constant 0 : i32
      %dma_wait3A_366 = tpu.memref_slice %arg11[%dma_wait3A_364, %dma_wait3A_365] : memref<8x128xi32, #tpu.memory_space<vmem>> -> memref<1x128xi32, #tpu.memory_space<vmem>>
      %dma_wait3A_367 = tpu.memref_squeeze %dma_wait3A_366 : memref<1x128xi32, #tpu.memory_space<vmem>> -> memref<128xi32, #tpu.memory_space<vmem>>
      %dma_wait3A_368 = arith.constant 0 : i32
      %dma_wait3A_369 = arith.constant 0 : i32
      %dma_wait3A_370 = tpu.memref_slice %arg7[%dma_wait3A_368, %dma_wait3A_369] : memref<10112x128xf32, #tpu.memory_space<vmem_shared>> -> memref<10112x128xf32, #tpu.memory_space<vmem_shared>>
      tpu.wait_indirect_dma semaphore(%arg20 : memref<!tpu.dma_semaphore, #tpu.memory_space<semaphore_mem>>) src(%arg12 : memref<128x128xf32, #tpu.memory_space<vmem>>) dst(%dma_wait3A_370 : memref<10112x128xf32, #tpu.memory_space<vmem_shared>>)
      %dma_start3A_371 = arith.constant 4 : i32
      %dma_start3A_372 = arith.constant 0 : i32
      %dma_start3A_373 = tpu.memref_slice %arg9[%dma_start3A_371, %dma_start3A_372] : memref<8x128xi32, #tpu.memory_space<vmem>> -> memref<1x128xi32, #tpu.memory_space<vmem>>
      %dma_start3A_374 = tpu.memref_squeeze %dma_start3A_373 : memref<1x128xi32, #tpu.memory_space<vmem>> -> memref<128xi32, #tpu.memory_space<vmem>>
      %dma_start3A_375 = arith.constant 0 : i32
      %dma_start3A_376 = arith.constant 0 : i32
      %dma_start3A_377 = tpu.memref_slice %arg2[%dma_start3A_375, %dma_start3A_376] : memref<10112x128xf32, #tpu.memory_space<hbm>> -> memref<10112x128xf32, #tpu.memory_space<hbm>>
      tpu.enqueue_indirect_dma source(%dma_start3A_377 : memref<10112x128xf32, #tpu.memory_space<hbm>>) target(%arg12 : memref<128x128xf32, #tpu.memory_space<vmem>>) offsets(%dma_start3A_374 : memref<128xi32, #tpu.memory_space<vmem>>) semaphore(%arg18 : memref<!tpu.dma_semaphore, #tpu.memory_space<semaphore_mem>>)
      %dma_wait3A_378 = arith.constant 3 : i32
      %dma_wait3A_379 = arith.constant 0 : i32
      %dma_wait3A_380 = tpu.memref_slice %arg9[%dma_wait3A_378, %dma_wait3A_379] : memref<8x128xi32, #tpu.memory_space<vmem>> -> memref<1x128xi32, #tpu.memory_space<vmem>>
      %dma_wait3A_381 = tpu.memref_squeeze %dma_wait3A_380 : memref<1x128xi32, #tpu.memory_space<vmem>> -> memref<128xi32, #tpu.memory_space<vmem>>
      %dma_wait3A_382 = arith.constant 0 : i32
      %dma_wait3A_383 = arith.constant 0 : i32
      %dma_wait3A_384 = tpu.memref_slice %arg2[%dma_wait3A_382, %dma_wait3A_383] : memref<10112x128xf32, #tpu.memory_space<hbm>> -> memref<10112x128xf32, #tpu.memory_space<hbm>>
      tpu.wait_indirect_dma semaphore(%arg19 : memref<!tpu.dma_semaphore, #tpu.memory_space<semaphore_mem>>) src(%dma_wait3A_384 : memref<10112x128xf32, #tpu.memory_space<hbm>>) dst(%arg13 : memref<128x128xf32, #tpu.memory_space<vmem>>)
      %dma_start3A_385 = arith.constant 3 : i32
      %dma_start3A_386 = arith.constant 0 : i32
      %dma_start3A_387 = tpu.memref_slice %arg11[%dma_start3A_385, %dma_start3A_386] : memref<8x128xi32, #tpu.memory_space<vmem>> -> memref<1x128xi32, #tpu.memory_space<vmem>>
      %dma_start3A_388 = tpu.memref_squeeze %dma_start3A_387 : memref<1x128xi32, #tpu.memory_space<vmem>> -> memref<128xi32, #tpu.memory_space<vmem>>
      %dma_start3A_389 = arith.constant 0 : i32
      %dma_start3A_390 = arith.constant 0 : i32
      %dma_start3A_391 = tpu.memref_slice %arg7[%dma_start3A_389, %dma_start3A_390] : memref<10112x128xf32, #tpu.memory_space<vmem_shared>> -> memref<10112x128xf32, #tpu.memory_space<vmem_shared>>
      tpu.enqueue_indirect_dma source(%arg13 : memref<128x128xf32, #tpu.memory_space<vmem>>) target(%dma_start3A_391 : memref<10112x128xf32, #tpu.memory_space<vmem_shared>>) offsets(%dma_start3A_388 : memref<128xi32, #tpu.memory_space<vmem>>) semaphore(%arg21 : memref<!tpu.dma_semaphore, #tpu.memory_space<semaphore_mem>>) {add = true}
      %dma_wait3A_392 = arith.constant 3 : i32
      %dma_wait3A_393 = arith.constant 0 : i32
      %dma_wait3A_394 = tpu.memref_slice %arg11[%dma_wait3A_392, %dma_wait3A_393] : memref<8x128xi32, #tpu.memory_space<vmem>> -> memref<1x128xi32, #tpu.memory_space<vmem>>
      %dma_wait3A_395 = tpu.memref_squeeze %dma_wait3A_394 : memref<1x128xi32, #tpu.memory_space<vmem>> -> memref<128xi32, #tpu.memory_space<vmem>>
      %dma_wait3A_396 = arith.constant 0 : i32
      %dma_wait3A_397 = arith.constant 0 : i32
      %dma_wait3A_398 = tpu.memref_slice %arg7[%dma_wait3A_396, %dma_wait3A_397] : memref<10112x128xf32, #tpu.memory_space<vmem_shared>> -> memref<10112x128xf32, #tpu.memory_space<vmem_shared>>
      tpu.wait_indirect_dma semaphore(%arg21 : memref<!tpu.dma_semaphore, #tpu.memory_space<semaphore_mem>>) src(%arg13 : memref<128x128xf32, #tpu.memory_space<vmem>>) dst(%dma_wait3A_398 : memref<10112x128xf32, #tpu.memory_space<vmem_shared>>)
      %dma_start3A_399 = arith.constant 5 : i32
      %dma_start3A_400 = arith.constant 0 : i32
      %dma_start3A_401 = tpu.memref_slice %arg9[%dma_start3A_399, %dma_start3A_400] : memref<8x128xi32, #tpu.memory_space<vmem>> -> memref<1x128xi32, #tpu.memory_space<vmem>>
      %dma_start3A_402 = tpu.memref_squeeze %dma_start3A_401 : memref<1x128xi32, #tpu.memory_space<vmem>> -> memref<128xi32, #tpu.memory_space<vmem>>
      %dma_start3A_403 = arith.constant 0 : i32
      %dma_start3A_404 = arith.constant 0 : i32
      %dma_start3A_405 = tpu.memref_slice %arg2[%dma_start3A_403, %dma_start3A_404] : memref<10112x128xf32, #tpu.memory_space<hbm>> -> memref<10112x128xf32, #tpu.memory_space<hbm>>
      tpu.enqueue_indirect_dma source(%dma_start3A_405 : memref<10112x128xf32, #tpu.memory_space<hbm>>) target(%arg13 : memref<128x128xf32, #tpu.memory_space<vmem>>) offsets(%dma_start3A_402 : memref<128xi32, #tpu.memory_space<vmem>>) semaphore(%arg19 : memref<!tpu.dma_semaphore, #tpu.memory_space<semaphore_mem>>)
      %dma_wait3A_406 = arith.constant 4 : i32
      %dma_wait3A_407 = arith.constant 0 : i32
      %dma_wait3A_408 = tpu.memref_slice %arg9[%dma_wait3A_406, %dma_wait3A_407] : memref<8x128xi32, #tpu.memory_space<vmem>> -> memref<1x128xi32, #tpu.memory_space<vmem>>
      %dma_wait3A_409 = tpu.memref_squeeze %dma_wait3A_408 : memref<1x128xi32, #tpu.memory_space<vmem>> -> memref<128xi32, #tpu.memory_space<vmem>>
      %dma_wait3A_410 = arith.constant 0 : i32
      %dma_wait3A_411 = arith.constant 0 : i32
      %dma_wait3A_412 = tpu.memref_slice %arg2[%dma_wait3A_410, %dma_wait3A_411] : memref<10112x128xf32, #tpu.memory_space<hbm>> -> memref<10112x128xf32, #tpu.memory_space<hbm>>
      tpu.wait_indirect_dma semaphore(%arg18 : memref<!tpu.dma_semaphore, #tpu.memory_space<semaphore_mem>>) src(%dma_wait3A_412 : memref<10112x128xf32, #tpu.memory_space<hbm>>) dst(%arg12 : memref<128x128xf32, #tpu.memory_space<vmem>>)
      %dma_start3A_413 = arith.constant 4 : i32
      %dma_start3A_414 = arith.constant 0 : i32
      %dma_start3A_415 = tpu.memref_slice %arg11[%dma_start3A_413, %dma_start3A_414] : memref<8x128xi32, #tpu.memory_space<vmem>> -> memref<1x128xi32, #tpu.memory_space<vmem>>
      %dma_start3A_416 = tpu.memref_squeeze %dma_start3A_415 : memref<1x128xi32, #tpu.memory_space<vmem>> -> memref<128xi32, #tpu.memory_space<vmem>>
      %dma_start3A_417 = arith.constant 0 : i32
      %dma_start3A_418 = arith.constant 0 : i32
      %dma_start3A_419 = tpu.memref_slice %arg7[%dma_start3A_417, %dma_start3A_418] : memref<10112x128xf32, #tpu.memory_space<vmem_shared>> -> memref<10112x128xf32, #tpu.memory_space<vmem_shared>>
      tpu.enqueue_indirect_dma source(%arg12 : memref<128x128xf32, #tpu.memory_space<vmem>>) target(%dma_start3A_419 : memref<10112x128xf32, #tpu.memory_space<vmem_shared>>) offsets(%dma_start3A_416 : memref<128xi32, #tpu.memory_space<vmem>>) semaphore(%arg20 : memref<!tpu.dma_semaphore, #tpu.memory_space<semaphore_mem>>) {add = true}
      %dma_wait3A_420 = arith.constant 4 : i32
      %dma_wait3A_421 = arith.constant 0 : i32
      %dma_wait3A_422 = tpu.memref_slice %arg11[%dma_wait3A_420, %dma_wait3A_421] : memref<8x128xi32, #tpu.memory_space<vmem>> -> memref<1x128xi32, #tpu.memory_space<vmem>>
      %dma_wait3A_423 = tpu.memref_squeeze %dma_wait3A_422 : memref<1x128xi32, #tpu.memory_space<vmem>> -> memref<128xi32, #tpu.memory_space<vmem>>
      %dma_wait3A_424 = arith.constant 0 : i32
      %dma_wait3A_425 = arith.constant 0 : i32
      %dma_wait3A_426 = tpu.memref_slice %arg7[%dma_wait3A_424, %dma_wait3A_425] : memref<10112x128xf32, #tpu.memory_space<vmem_shared>> -> memref<10112x128xf32, #tpu.memory_space<vmem_shared>>
      tpu.wait_indirect_dma semaphore(%arg20 : memref<!tpu.dma_semaphore, #tpu.memory_space<semaphore_mem>>) src(%arg12 : memref<128x128xf32, #tpu.memory_space<vmem>>) dst(%dma_wait3A_426 : memref<10112x128xf32, #tpu.memory_space<vmem_shared>>)
      %dma_start3A_427 = arith.constant 6 : i32
      %dma_start3A_428 = arith.constant 0 : i32
      %dma_start3A_429 = tpu.memref_slice %arg9[%dma_start3A_427, %dma_start3A_428] : memref<8x128xi32, #tpu.memory_space<vmem>> -> memref<1x128xi32, #tpu.memory_space<vmem>>
      %dma_start3A_430 = tpu.memref_squeeze %dma_start3A_429 : memref<1x128xi32, #tpu.memory_space<vmem>> -> memref<128xi32, #tpu.memory_space<vmem>>
      %dma_start3A_431 = arith.constant 0 : i32
      %dma_start3A_432 = arith.constant 0 : i32
      %dma_start3A_433 = tpu.memref_slice %arg2[%dma_start3A_431, %dma_start3A_432] : memref<10112x128xf32, #tpu.memory_space<hbm>> -> memref<10112x128xf32, #tpu.memory_space<hbm>>
      tpu.enqueue_indirect_dma source(%dma_start3A_433 : memref<10112x128xf32, #tpu.memory_space<hbm>>) target(%arg12 : memref<128x128xf32, #tpu.memory_space<vmem>>) offsets(%dma_start3A_430 : memref<128xi32, #tpu.memory_space<vmem>>) semaphore(%arg18 : memref<!tpu.dma_semaphore, #tpu.memory_space<semaphore_mem>>)
      %dma_wait3A_434 = arith.constant 5 : i32
      %dma_wait3A_435 = arith.constant 0 : i32
      %dma_wait3A_436 = tpu.memref_slice %arg9[%dma_wait3A_434, %dma_wait3A_435] : memref<8x128xi32, #tpu.memory_space<vmem>> -> memref<1x128xi32, #tpu.memory_space<vmem>>
      %dma_wait3A_437 = tpu.memref_squeeze %dma_wait3A_436 : memref<1x128xi32, #tpu.memory_space<vmem>> -> memref<128xi32, #tpu.memory_space<vmem>>
      %dma_wait3A_438 = arith.constant 0 : i32
      %dma_wait3A_439 = arith.constant 0 : i32
      %dma_wait3A_440 = tpu.memref_slice %arg2[%dma_wait3A_438, %dma_wait3A_439] : memref<10112x128xf32, #tpu.memory_space<hbm>> -> memref<10112x128xf32, #tpu.memory_space<hbm>>
      tpu.wait_indirect_dma semaphore(%arg19 : memref<!tpu.dma_semaphore, #tpu.memory_space<semaphore_mem>>) src(%dma_wait3A_440 : memref<10112x128xf32, #tpu.memory_space<hbm>>) dst(%arg13 : memref<128x128xf32, #tpu.memory_space<vmem>>)
      %dma_start3A_441 = arith.constant 5 : i32
      %dma_start3A_442 = arith.constant 0 : i32
      %dma_start3A_443 = tpu.memref_slice %arg11[%dma_start3A_441, %dma_start3A_442] : memref<8x128xi32, #tpu.memory_space<vmem>> -> memref<1x128xi32, #tpu.memory_space<vmem>>
      %dma_start3A_444 = tpu.memref_squeeze %dma_start3A_443 : memref<1x128xi32, #tpu.memory_space<vmem>> -> memref<128xi32, #tpu.memory_space<vmem>>
      %dma_start3A_445 = arith.constant 0 : i32
      %dma_start3A_446 = arith.constant 0 : i32
      %dma_start3A_447 = tpu.memref_slice %arg7[%dma_start3A_445, %dma_start3A_446] : memref<10112x128xf32, #tpu.memory_space<vmem_shared>> -> memref<10112x128xf32, #tpu.memory_space<vmem_shared>>
      tpu.enqueue_indirect_dma source(%arg13 : memref<128x128xf32, #tpu.memory_space<vmem>>) target(%dma_start3A_447 : memref<10112x128xf32, #tpu.memory_space<vmem_shared>>) offsets(%dma_start3A_444 : memref<128xi32, #tpu.memory_space<vmem>>) semaphore(%arg21 : memref<!tpu.dma_semaphore, #tpu.memory_space<semaphore_mem>>) {add = true}
      %dma_wait3A_448 = arith.constant 5 : i32
      %dma_wait3A_449 = arith.constant 0 : i32
      %dma_wait3A_450 = tpu.memref_slice %arg11[%dma_wait3A_448, %dma_wait3A_449] : memref<8x128xi32, #tpu.memory_space<vmem>> -> memref<1x128xi32, #tpu.memory_space<vmem>>
      %dma_wait3A_451 = tpu.memref_squeeze %dma_wait3A_450 : memref<1x128xi32, #tpu.memory_space<vmem>> -> memref<128xi32, #tpu.memory_space<vmem>>
      %dma_wait3A_452 = arith.constant 0 : i32
      %dma_wait3A_453 = arith.constant 0 : i32
      %dma_wait3A_454 = tpu.memref_slice %arg7[%dma_wait3A_452, %dma_wait3A_453] : memref<10112x128xf32, #tpu.memory_space<vmem_shared>> -> memref<10112x128xf32, #tpu.memory_space<vmem_shared>>
      tpu.wait_indirect_dma semaphore(%arg21 : memref<!tpu.dma_semaphore, #tpu.memory_space<semaphore_mem>>) src(%arg13 : memref<128x128xf32, #tpu.memory_space<vmem>>) dst(%dma_wait3A_454 : memref<10112x128xf32, #tpu.memory_space<vmem_shared>>)
      %dma_start3A_455 = arith.constant 7 : i32
      %dma_start3A_456 = arith.constant 0 : i32
      %dma_start3A_457 = tpu.memref_slice %arg9[%dma_start3A_455, %dma_start3A_456] : memref<8x128xi32, #tpu.memory_space<vmem>> -> memref<1x128xi32, #tpu.memory_space<vmem>>
      %dma_start3A_458 = tpu.memref_squeeze %dma_start3A_457 : memref<1x128xi32, #tpu.memory_space<vmem>> -> memref<128xi32, #tpu.memory_space<vmem>>
      %dma_start3A_459 = arith.constant 0 : i32
      %dma_start3A_460 = arith.constant 0 : i32
      %dma_start3A_461 = tpu.memref_slice %arg2[%dma_start3A_459, %dma_start3A_460] : memref<10112x128xf32, #tpu.memory_space<hbm>> -> memref<10112x128xf32, #tpu.memory_space<hbm>>
      tpu.enqueue_indirect_dma source(%dma_start3A_461 : memref<10112x128xf32, #tpu.memory_space<hbm>>) target(%arg13 : memref<128x128xf32, #tpu.memory_space<vmem>>) offsets(%dma_start3A_458 : memref<128xi32, #tpu.memory_space<vmem>>) semaphore(%arg19 : memref<!tpu.dma_semaphore, #tpu.memory_space<semaphore_mem>>)
      %dma_wait3A_462 = arith.constant 6 : i32
      %dma_wait3A_463 = arith.constant 0 : i32
      %dma_wait3A_464 = tpu.memref_slice %arg9[%dma_wait3A_462, %dma_wait3A_463] : memref<8x128xi32, #tpu.memory_space<vmem>> -> memref<1x128xi32, #tpu.memory_space<vmem>>
      %dma_wait3A_465 = tpu.memref_squeeze %dma_wait3A_464 : memref<1x128xi32, #tpu.memory_space<vmem>> -> memref<128xi32, #tpu.memory_space<vmem>>
      %dma_wait3A_466 = arith.constant 0 : i32
      %dma_wait3A_467 = arith.constant 0 : i32
      %dma_wait3A_468 = tpu.memref_slice %arg2[%dma_wait3A_466, %dma_wait3A_467] : memref<10112x128xf32, #tpu.memory_space<hbm>> -> memref<10112x128xf32, #tpu.memory_space<hbm>>
      tpu.wait_indirect_dma semaphore(%arg18 : memref<!tpu.dma_semaphore, #tpu.memory_space<semaphore_mem>>) src(%dma_wait3A_468 : memref<10112x128xf32, #tpu.memory_space<hbm>>) dst(%arg12 : memref<128x128xf32, #tpu.memory_space<vmem>>)
      %dma_start3A_469 = arith.constant 6 : i32
      %dma_start3A_470 = arith.constant 0 : i32
      %dma_start3A_471 = tpu.memref_slice %arg11[%dma_start3A_469, %dma_start3A_470] : memref<8x128xi32, #tpu.memory_space<vmem>> -> memref<1x128xi32, #tpu.memory_space<vmem>>
      %dma_start3A_472 = tpu.memref_squeeze %dma_start3A_471 : memref<1x128xi32, #tpu.memory_space<vmem>> -> memref<128xi32, #tpu.memory_space<vmem>>
      %dma_start3A_473 = arith.constant 0 : i32
      %dma_start3A_474 = arith.constant 0 : i32
      %dma_start3A_475 = tpu.memref_slice %arg7[%dma_start3A_473, %dma_start3A_474] : memref<10112x128xf32, #tpu.memory_space<vmem_shared>> -> memref<10112x128xf32, #tpu.memory_space<vmem_shared>>
      tpu.enqueue_indirect_dma source(%arg12 : memref<128x128xf32, #tpu.memory_space<vmem>>) target(%dma_start3A_475 : memref<10112x128xf32, #tpu.memory_space<vmem_shared>>) offsets(%dma_start3A_472 : memref<128xi32, #tpu.memory_space<vmem>>) semaphore(%arg20 : memref<!tpu.dma_semaphore, #tpu.memory_space<semaphore_mem>>) {add = true}
      %lt3A_476 = arith.constant 9 : i32
      %lt3A_477 = arith.cmpi slt, %add3A_293, %lt3A_476 : i32
      %convert_element_type3A_478 = arith.extui %lt3A_477 : i1 to i32
      %cond3A_479 = arith.constant 0 : i32
      %cond3A_480 = arith.cmpi ne, %convert_element_type3A_478, %cond3A_479 : i32
      scf.if %cond3A_480 {
        %dma_wait3A_510 = arith.constant 0 : i32
        %dma_wait3A_511 = arith.constant 0 : i32
        %dma_wait3A_512 = tpu.memref_slice %arg3[%dma_wait3A_510, %dma_wait3A_511] : memref<2560x128xi32, #tpu.memory_space<hbm>> -> memref<8x128xi32, #tpu.memory_space<hbm>>
        %dma_wait3A_513 = arith.constant 0 : i32
        %dma_wait3A_514 = arith.constant 0 : i32
        %dma_wait3A_515 = tpu.memref_slice %arg3[%dma_wait3A_513, %dma_wait3A_514] : memref<2560x128xi32, #tpu.memory_space<hbm>> -> memref<8x128xi32, #tpu.memory_space<hbm>>
        tpu.wait_dma2 semaphore(%arg14 : memref<!tpu.dma_semaphore, #tpu.memory_space<semaphore_mem>>) src(%dma_wait3A_515 : memref<8x128xi32, #tpu.memory_space<hbm>>) dst(%arg8 : memref<8x128xi32, #tpu.memory_space<vmem>>)
        %dma_wait3A_516 = arith.constant 0 : i32
        %dma_wait3A_517 = arith.constant 0 : i32
        %dma_wait3A_518 = tpu.memref_slice %arg4[%dma_wait3A_516, %dma_wait3A_517] : memref<2560x128xi32, #tpu.memory_space<hbm>> -> memref<8x128xi32, #tpu.memory_space<hbm>>
        %dma_wait3A_519 = arith.constant 0 : i32
        %dma_wait3A_520 = arith.constant 0 : i32
        %dma_wait3A_521 = tpu.memref_slice %arg4[%dma_wait3A_519, %dma_wait3A_520] : memref<2560x128xi32, #tpu.memory_space<hbm>> -> memref<8x128xi32, #tpu.memory_space<hbm>>
        tpu.wait_dma2 semaphore(%arg16 : memref<!tpu.dma_semaphore, #tpu.memory_space<semaphore_mem>>) src(%dma_wait3A_521 : memref<8x128xi32, #tpu.memory_space<hbm>>) dst(%arg10 : memref<8x128xi32, #tpu.memory_space<vmem>>)
      } else {
      }
      %lt3A_481 = arith.constant 9 : i32
      %lt3A_482 = arith.cmpi slt, %add3A_293, %lt3A_481 : i32
      %convert_element_type3A_483 = arith.extui %lt3A_482 : i1 to i32
      %cond3A_484 = arith.constant 0 : i32
      %cond3A_485 = arith.cmpi ne, %convert_element_type3A_483, %cond3A_484 : i32
      scf.if %cond3A_485 {
        %dma_wait3A_510 = arith.constant 6 : i32
        %dma_wait3A_511 = arith.constant 0 : i32
        %dma_wait3A_512 = tpu.memref_slice %arg11[%dma_wait3A_510, %dma_wait3A_511] : memref<8x128xi32, #tpu.memory_space<vmem>> -> memref<1x128xi32, #tpu.memory_space<vmem>>
        %dma_wait3A_513 = tpu.memref_squeeze %dma_wait3A_512 : memref<1x128xi32, #tpu.memory_space<vmem>> -> memref<128xi32, #tpu.memory_space<vmem>>
        %dma_wait3A_514 = arith.constant 0 : i32
        %dma_wait3A_515 = arith.constant 0 : i32
        %dma_wait3A_516 = tpu.memref_slice %arg7[%dma_wait3A_514, %dma_wait3A_515] : memref<10112x128xf32, #tpu.memory_space<vmem_shared>> -> memref<10112x128xf32, #tpu.memory_space<vmem_shared>>
        tpu.wait_indirect_dma semaphore(%arg20 : memref<!tpu.dma_semaphore, #tpu.memory_space<semaphore_mem>>) src(%arg12 : memref<128x128xf32, #tpu.memory_space<vmem>>) dst(%dma_wait3A_516 : memref<10112x128xf32, #tpu.memory_space<vmem_shared>>)
        %dma_start3A_517 = arith.constant 0 : i32
        %dma_start3A_518 = arith.constant 0 : i32
        %dma_start3A_519 = tpu.memref_slice %arg8[%dma_start3A_517, %dma_start3A_518] : memref<8x128xi32, #tpu.memory_space<vmem>> -> memref<1x128xi32, #tpu.memory_space<vmem>>
        %dma_start3A_520 = tpu.memref_squeeze %dma_start3A_519 : memref<1x128xi32, #tpu.memory_space<vmem>> -> memref<128xi32, #tpu.memory_space<vmem>>
        %dma_start3A_521 = arith.constant 0 : i32
        %dma_start3A_522 = arith.constant 0 : i32
        %dma_start3A_523 = tpu.memref_slice %arg2[%dma_start3A_521, %dma_start3A_522] : memref<10112x128xf32, #tpu.memory_space<hbm>> -> memref<10112x128xf32, #tpu.memory_space<hbm>>
        tpu.enqueue_indirect_dma source(%dma_start3A_523 : memref<10112x128xf32, #tpu.memory_space<hbm>>) target(%arg12 : memref<128x128xf32, #tpu.memory_space<vmem>>) offsets(%dma_start3A_520 : memref<128xi32, #tpu.memory_space<vmem>>) semaphore(%arg18 : memref<!tpu.dma_semaphore, #tpu.memory_space<semaphore_mem>>)
      } else {
      }
      %dma_wait3A_486 = arith.constant 7 : i32
      %dma_wait3A_487 = arith.constant 0 : i32
      %dma_wait3A_488 = tpu.memref_slice %arg9[%dma_wait3A_486, %dma_wait3A_487] : memref<8x128xi32, #tpu.memory_space<vmem>> -> memref<1x128xi32, #tpu.memory_space<vmem>>
      %dma_wait3A_489 = tpu.memref_squeeze %dma_wait3A_488 : memref<1x128xi32, #tpu.memory_space<vmem>> -> memref<128xi32, #tpu.memory_space<vmem>>
      %dma_wait3A_490 = arith.constant 0 : i32
      %dma_wait3A_491 = arith.constant 0 : i32
      %dma_wait3A_492 = tpu.memref_slice %arg2[%dma_wait3A_490, %dma_wait3A_491] : memref<10112x128xf32, #tpu.memory_space<hbm>> -> memref<10112x128xf32, #tpu.memory_space<hbm>>
      tpu.wait_indirect_dma semaphore(%arg19 : memref<!tpu.dma_semaphore, #tpu.memory_space<semaphore_mem>>) src(%dma_wait3A_492 : memref<10112x128xf32, #tpu.memory_space<hbm>>) dst(%arg13 : memref<128x128xf32, #tpu.memory_space<vmem>>)
      %dma_start3A_493 = arith.constant 7 : i32
      %dma_start3A_494 = arith.constant 0 : i32
      %dma_start3A_495 = tpu.memref_slice %arg11[%dma_start3A_493, %dma_start3A_494] : memref<8x128xi32, #tpu.memory_space<vmem>> -> memref<1x128xi32, #tpu.memory_space<vmem>>
      %dma_start3A_496 = tpu.memref_squeeze %dma_start3A_495 : memref<1x128xi32, #tpu.memory_space<vmem>> -> memref<128xi32, #tpu.memory_space<vmem>>
      %dma_start3A_497 = arith.constant 0 : i32
      %dma_start3A_498 = arith.constant 0 : i32
      %dma_start3A_499 = tpu.memref_slice %arg7[%dma_start3A_497, %dma_start3A_498] : memref<10112x128xf32, #tpu.memory_space<vmem_shared>> -> memref<10112x128xf32, #tpu.memory_space<vmem_shared>>
      tpu.enqueue_indirect_dma source(%arg13 : memref<128x128xf32, #tpu.memory_space<vmem>>) target(%dma_start3A_499 : memref<10112x128xf32, #tpu.memory_space<vmem_shared>>) offsets(%dma_start3A_496 : memref<128xi32, #tpu.memory_space<vmem>>) semaphore(%arg21 : memref<!tpu.dma_semaphore, #tpu.memory_space<semaphore_mem>>) {add = true}
      %lt3A_500 = arith.constant 9 : i32
      %lt3A_501 = arith.cmpi slt, %add3A_293, %lt3A_500 : i32
      %convert_element_type3A_502 = arith.extui %lt3A_501 : i1 to i32
      %cond3A_503 = arith.constant 0 : i32
      %cond3A_504 = arith.cmpi ne, %convert_element_type3A_502, %cond3A_503 : i32
      scf.if %cond3A_504 {
        %dma_wait3A_510 = arith.constant 7 : i32
        %dma_wait3A_511 = arith.constant 0 : i32
        %dma_wait3A_512 = tpu.memref_slice %arg11[%dma_wait3A_510, %dma_wait3A_511] : memref<8x128xi32, #tpu.memory_space<vmem>> -> memref<1x128xi32, #tpu.memory_space<vmem>>
        %dma_wait3A_513 = tpu.memref_squeeze %dma_wait3A_512 : memref<1x128xi32, #tpu.memory_space<vmem>> -> memref<128xi32, #tpu.memory_space<vmem>>
        %dma_wait3A_514 = arith.constant 0 : i32
        %dma_wait3A_515 = arith.constant 0 : i32
        %dma_wait3A_516 = tpu.memref_slice %arg7[%dma_wait3A_514, %dma_wait3A_515] : memref<10112x128xf32, #tpu.memory_space<vmem_shared>> -> memref<10112x128xf32, #tpu.memory_space<vmem_shared>>
        tpu.wait_indirect_dma semaphore(%arg21 : memref<!tpu.dma_semaphore, #tpu.memory_space<semaphore_mem>>) src(%arg13 : memref<128x128xf32, #tpu.memory_space<vmem>>) dst(%dma_wait3A_516 : memref<10112x128xf32, #tpu.memory_space<vmem_shared>>)
        %dma_start3A_517 = arith.constant 1 : i32
        %dma_start3A_518 = arith.constant 0 : i32
        %dma_start3A_519 = tpu.memref_slice %arg8[%dma_start3A_517, %dma_start3A_518] : memref<8x128xi32, #tpu.memory_space<vmem>> -> memref<1x128xi32, #tpu.memory_space<vmem>>
        %dma_start3A_520 = tpu.memref_squeeze %dma_start3A_519 : memref<1x128xi32, #tpu.memory_space<vmem>> -> memref<128xi32, #tpu.memory_space<vmem>>
        %dma_start3A_521 = arith.constant 0 : i32
        %dma_start3A_522 = arith.constant 0 : i32
        %dma_start3A_523 = tpu.memref_slice %arg2[%dma_start3A_521, %dma_start3A_522] : memref<10112x128xf32, #tpu.memory_space<hbm>> -> memref<10112x128xf32, #tpu.memory_space<hbm>>
        tpu.enqueue_indirect_dma source(%dma_start3A_523 : memref<10112x128xf32, #tpu.memory_space<hbm>>) target(%arg13 : memref<128x128xf32, #tpu.memory_space<vmem>>) offsets(%dma_start3A_520 : memref<128xi32, #tpu.memory_space<vmem>>) semaphore(%arg19 : memref<!tpu.dma_semaphore, #tpu.memory_space<semaphore_mem>>)
      } else {
      }
      %lt3A_505 = arith.constant 8 : i32
      %lt3A_506 = arith.cmpi slt, %add3A_293, %lt3A_505 : i32
      %convert_element_type3A_507 = arith.extui %lt3A_506 : i1 to i32
      %cond3A_508 = arith.constant 0 : i32
      %cond3A_509 = arith.cmpi ne, %convert_element_type3A_507, %cond3A_508 : i32
      scf.if %cond3A_509 {
        %add3A_510 = arith.constant 2 : i32
        %add3A_511 = arith.addi %add3A_293, %add3A_510 : i32
        %mul3A_512 = arith.constant 8 : i32
        %mul3A_513 = arith.muli %add3A_511, %mul3A_512 : i32
        %add3A_514 = arith.addi %mul3A_2, %mul3A_513 : i32
        %dma_start3A_515 = arith.constant 0 : i32
        %dma_start3A_516 = tpu.memref_slice %arg3[%add3A_514, %dma_start3A_515] : memref<2560x128xi32, #tpu.memory_space<hbm>> -> memref<8x128xi32, #tpu.memory_space<hbm>>
        %dma_start3A_517 = arith.constant 0 : i32
        %dma_start3A_518 = tpu.memref_slice %arg3[%add3A_514, %dma_start3A_517] : memref<2560x128xi32, #tpu.memory_space<hbm>> -> memref<8x128xi32, #tpu.memory_space<hbm>>
        tpu.enqueue_dma source(%dma_start3A_518 : memref<8x128xi32, #tpu.memory_space<hbm>>) target(%arg9 : memref<8x128xi32, #tpu.memory_space<vmem>>) target_semaphore(%arg15 : memref<!tpu.dma_semaphore, #tpu.memory_space<semaphore_mem>>)
        %dma_start3A_519 = arith.constant 0 : i32
        %dma_start3A_520 = tpu.memref_slice %arg4[%add3A_514, %dma_start3A_519] : memref<2560x128xi32, #tpu.memory_space<hbm>> -> memref<8x128xi32, #tpu.memory_space<hbm>>
        %dma_start3A_521 = arith.constant 0 : i32
        %dma_start3A_522 = tpu.memref_slice %arg4[%add3A_514, %dma_start3A_521] : memref<2560x128xi32, #tpu.memory_space<hbm>> -> memref<8x128xi32, #tpu.memory_space<hbm>>
        tpu.enqueue_dma source(%dma_start3A_522 : memref<8x128xi32, #tpu.memory_space<hbm>>) target(%arg11 : memref<8x128xi32, #tpu.memory_space<vmem>>) target_semaphore(%arg17 : memref<!tpu.dma_semaphore, #tpu.memory_space<semaphore_mem>>)
      } else {
      }
    }
    %scan3A_53 = arith.constant 5 : i32
    %dma_wait3A_54 = arith.constant 6 : i32
    %dma_wait3A_55 = arith.constant 0 : i32
    %dma_wait3A_56 = tpu.memref_slice %arg11[%dma_wait3A_54, %dma_wait3A_55] : memref<8x128xi32, #tpu.memory_space<vmem>> -> memref<1x128xi32, #tpu.memory_space<vmem>>
    %dma_wait3A_57 = tpu.memref_squeeze %dma_wait3A_56 : memref<1x128xi32, #tpu.memory_space<vmem>> -> memref<128xi32, #tpu.memory_space<vmem>>
    %dma_wait3A_58 = arith.constant 0 : i32
    %dma_wait3A_59 = arith.constant 0 : i32
    %dma_wait3A_60 = tpu.memref_slice %arg7[%dma_wait3A_58, %dma_wait3A_59] : memref<10112x128xf32, #tpu.memory_space<vmem_shared>> -> memref<10112x128xf32, #tpu.memory_space<vmem_shared>>
    tpu.wait_indirect_dma semaphore(%arg20 : memref<!tpu.dma_semaphore, #tpu.memory_space<semaphore_mem>>) src(%arg12 : memref<128x128xf32, #tpu.memory_space<vmem>>) dst(%dma_wait3A_60 : memref<10112x128xf32, #tpu.memory_space<vmem_shared>>)
    %dma_wait3A_61 = arith.constant 7 : i32
    %dma_wait3A_62 = arith.constant 0 : i32
    %dma_wait3A_63 = tpu.memref_slice %arg11[%dma_wait3A_61, %dma_wait3A_62] : memref<8x128xi32, #tpu.memory_space<vmem>> -> memref<1x128xi32, #tpu.memory_space<vmem>>
    %dma_wait3A_64 = tpu.memref_squeeze %dma_wait3A_63 : memref<1x128xi32, #tpu.memory_space<vmem>> -> memref<128xi32, #tpu.memory_space<vmem>>
    %dma_wait3A_65 = arith.constant 0 : i32
    %dma_wait3A_66 = arith.constant 0 : i32
    %dma_wait3A_67 = tpu.memref_slice %arg7[%dma_wait3A_65, %dma_wait3A_66] : memref<10112x128xf32, #tpu.memory_space<vmem_shared>> -> memref<10112x128xf32, #tpu.memory_space<vmem_shared>>
    tpu.wait_indirect_dma semaphore(%arg21 : memref<!tpu.dma_semaphore, #tpu.memory_space<semaphore_mem>>) src(%arg13 : memref<128x128xf32, #tpu.memory_space<vmem>>) dst(%dma_wait3A_67 : memref<10112x128xf32, #tpu.memory_space<vmem_shared>>)
    %barrier3A_68 = arith.constant 0 : index
    tpu.barrier barrier_id(%barrier3A_68)
    %mul3A_69 = arith.constant 10112 : i32
    %mul3A_70 = arith.muli %arg0, %mul3A_69 : i32
    %add3A_71 = arith.addi %mul3A_70, %mul3A_4 : i32
    "tpu.region"() ({
      %run_scoped3A = tpu.sem_alloc : memref<!tpu.dma_semaphore, #tpu.memory_space<semaphore_mem>>
      %dma_start3A_72 = arith.constant 0 : i32
      %dma_start3A_73 = tpu.memref_slice %arg6[%add3A_71, %dma_start3A_72] : memref<20224x128xf32, #tpu.memory_space<hbm>> -> memref<632x128xf32, #tpu.memory_space<hbm>>
      %dma_start3A_74 = arith.constant 0 : i32
      %dma_start3A_75 = tpu.memref_slice %arg7[%mul3A_4, %dma_start3A_74] : memref<10112x128xf32, #tpu.memory_space<vmem_shared>> -> memref<632x128xf32, #tpu.memory_space<vmem_shared>>
      tpu.enqueue_dma source(%dma_start3A_75 : memref<632x128xf32, #tpu.memory_space<vmem_shared>>) target(%dma_start3A_73 : memref<632x128xf32, #tpu.memory_space<hbm>>) target_semaphore(%run_scoped3A : memref<!tpu.dma_semaphore, #tpu.memory_space<semaphore_mem>>)
      %dma_wait3A_76 = arith.constant 0 : i32
      %dma_wait3A_77 = tpu.memref_slice %arg6[%add3A_71, %dma_wait3A_76] : memref<20224x128xf32, #tpu.memory_space<hbm>> -> memref<632x128xf32, #tpu.memory_space<hbm>>
      %dma_wait3A_78 = arith.constant 0 : i32
      %dma_wait3A_79 = tpu.memref_slice %arg7[%mul3A_4, %dma_wait3A_78] : memref<10112x128xf32, #tpu.memory_space<vmem_shared>> -> memref<632x128xf32, #tpu.memory_space<vmem_shared>>
      tpu.wait_dma2 semaphore(%run_scoped3A : memref<!tpu.dma_semaphore, #tpu.memory_space<semaphore_mem>>) src(%dma_wait3A_79 : memref<632x128xf32, #tpu.memory_space<vmem_shared>>) dst(%dma_wait3A_77 : memref<632x128xf32, #tpu.memory_space<hbm>>)
      tpu.yield
    }) : () -> ()
    return
  }
}

#map = affine_map<(d0, d1) -> (0, 0)>
module attributes {stable_mosaic.version = 14 : i64} {
  func.func @_seg_sum_body(%arg0: i32, %arg1: i32, %arg2: memref<10000x128xf32, #tpu.memory_space<hbm>>, %arg3: memref<2560x128xi32, #tpu.memory_space<hbm>>, %arg4: memref<2560x128xi32, #tpu.memory_space<hbm>>, %arg5: memref<10112x128xf32, #tpu.memory_space<hbm>>, %arg6: memref<20224x128xf32, #tpu.memory_space<hbm>>, %arg7: memref<10112x128xf32, #tpu.memory_space<vmem_shared>>, %arg8: memref<8x128xi32, #tpu.memory_space<vmem>>, %arg9: memref<8x128xi32, #tpu.memory_space<vmem>>, %arg10: memref<8x128xi32, #tpu.memory_space<vmem>>, %arg11: memref<8x128xi32, #tpu.memory_space<vmem>>, %arg12: memref<128x128xf32, #tpu.memory_space<vmem>>, %arg13: memref<128x128xf32, #tpu.memory_space<vmem>>, %arg14: memref<!tpu.dma_semaphore, #tpu.memory_space<semaphore_mem>>, %arg15: memref<!tpu.dma_semaphore, #tpu.memory_space<semaphore_mem>>, %arg16: memref<!tpu.dma_semaphore, #tpu.memory_space<semaphore_mem>>, %arg17: memref<!tpu.dma_semaphore, #tpu.memory_space<semaphore_mem>>, %arg18: memref<!tpu.dma_semaphore, #tpu.memory_space<semaphore_mem>>, %arg19: memref<!tpu.dma_semaphore, #tpu.memory_space<semaphore_mem>>, %arg20: memref<!tpu.dma_semaphore, #tpu.memory_space<semaphore_mem>>, %arg21: memref<!tpu.dma_semaphore, #tpu.memory_space<semaphore_mem>>) attributes {dimension_semantics = [#tpu.dimension_semantics<core_parallel>, #tpu.dimension_semantics<subcore_parallel>], iteration_bounds = array<i64: 2, 16>, scalar_prefetch = 0 : i64, scratch_operands = 15 : i64, tpu.core_type = #tpu.core_type<sc_vector_subcore>, window_params = [{transform_indices = #map}, {transform_indices = #map}, {transform_indices = #map}, {transform_indices = #map}, {transform_indices = #map}]} {
    %mul3A = arith.constant 16 : i32
    %mul3A_0 = arith.muli %arg0, %mul3A : i32
    %add3A = arith.addi %mul3A_0, %arg1 : i32
    %mul3A_1 = arith.constant 80 : i32
    %mul3A_2 = arith.muli %add3A, %mul3A_1 : i32
    %mul3A_3 = arith.constant 632 : i32
    %mul3A_4 = arith.muli %arg1, %mul3A_3 : i32
    "tpu.region"() ({
      %run_scoped3A = tpu.sem_alloc : memref<!tpu.dma_semaphore, #tpu.memory_space<semaphore_mem>>
      %dma_start3A_72 = arith.constant 0 : i32
      %dma_start3A_73 = tpu.memref_slice %arg7[%mul3A_4, %dma_start3A_72] : memref<10112x128xf32, #tpu.memory_space<vmem_shared>> -> memref<632x128xf32, #tpu.memory_space<vmem_shared>>
      %dma_start3A_74 = arith.constant 0 : i32
      %dma_start3A_75 = tpu.memref_slice %arg5[%mul3A_4, %dma_start3A_74] : memref<10112x128xf32, #tpu.memory_space<hbm>> -> memref<632x128xf32, #tpu.memory_space<hbm>>
      tpu.enqueue_dma source(%dma_start3A_75 : memref<632x128xf32, #tpu.memory_space<hbm>>) target(%dma_start3A_73 : memref<632x128xf32, #tpu.memory_space<vmem_shared>>) target_semaphore(%run_scoped3A : memref<!tpu.dma_semaphore, #tpu.memory_space<semaphore_mem>>)
      %dma_wait3A_76 = arith.constant 0 : i32
      %dma_wait3A_77 = tpu.memref_slice %arg7[%mul3A_4, %dma_wait3A_76] : memref<10112x128xf32, #tpu.memory_space<vmem_shared>> -> memref<632x128xf32, #tpu.memory_space<vmem_shared>>
      %dma_wait3A_78 = arith.constant 0 : i32
      %dma_wait3A_79 = tpu.memref_slice %arg5[%mul3A_4, %dma_wait3A_78] : memref<10112x128xf32, #tpu.memory_space<hbm>> -> memref<632x128xf32, #tpu.memory_space<hbm>>
      tpu.wait_dma2 semaphore(%run_scoped3A : memref<!tpu.dma_semaphore, #tpu.memory_space<semaphore_mem>>) src(%dma_wait3A_79 : memref<632x128xf32, #tpu.memory_space<hbm>>) dst(%dma_wait3A_77 : memref<632x128xf32, #tpu.memory_space<vmem_shared>>)
      tpu.yield
    }) : () -> ()
    %add3A_5 = arith.constant 0 : i32
    %add3A_6 = arith.addi %mul3A_2, %add3A_5 : i32
    %dma_start3A = arith.constant 0 : i32
    %dma_start3A_7 = tpu.memref_slice %arg3[%add3A_6, %dma_start3A] : memref<2560x128xi32, #tpu.memory_space<hbm>> -> memref<8x128xi32, #tpu.memory_space<hbm>>
    %dma_start3A_8 = arith.constant 0 : i32
    %dma_start3A_9 = tpu.memref_slice %arg3[%add3A_6, %dma_start3A_8] : memref<2560x128xi32, #tpu.memory_space<hbm>> -> memref<8x128xi32, #tpu.memory_space<hbm>>
    tpu.enqueue_dma source(%dma_start3A_9 : memref<8x128xi32, #tpu.memory_space<hbm>>) target(%arg8 : memref<8x128xi32, #tpu.memory_space<vmem>>) target_semaphore(%arg14 : memref<!tpu.dma_semaphore, #tpu.memory_space<semaphore_mem>>)
    %dma_start3A_10 = arith.constant 0 : i32
    %dma_start3A_11 = tpu.memref_slice %arg4[%add3A_6, %dma_start3A_10] : memref<2560x128xi32, #tpu.memory_space<hbm>> -> memref<8x128xi32, #tpu.memory_space<hbm>>
    %dma_start3A_12 = arith.constant 0 : i32
    %dma_start3A_13 = tpu.memref_slice %arg4[%add3A_6, %dma_start3A_12] : memref<2560x128xi32, #tpu.memory_space<hbm>> -> memref<8x128xi32, #tpu.memory_space<hbm>>
    tpu.enqueue_dma source(%dma_start3A_13 : memref<8x128xi32, #tpu.memory_space<hbm>>) target(%arg10 : memref<8x128xi32, #tpu.memory_space<vmem>>) target_semaphore(%arg16 : memref<!tpu.dma_semaphore, #tpu.memory_space<semaphore_mem>>)
    %add3A_14 = arith.constant 8 : i32
    %add3A_15 = arith.addi %mul3A_2, %add3A_14 : i32
    %dma_start3A_16 = arith.constant 0 : i32
    %dma_start3A_17 = tpu.memref_slice %arg3[%add3A_15, %dma_start3A_16] : memref<2560x128xi32, #tpu.memory_space<hbm>> -> memref<8x128xi32, #tpu.memory_space<hbm>>
    %dma_start3A_18 = arith.constant 0 : i32
    %dma_start3A_19 = tpu.memref_slice %arg3[%add3A_15, %dma_start3A_18] : memref<2560x128xi32, #tpu.memory_space<hbm>> -> memref<8x128xi32, #tpu.memory_space<hbm>>
    tpu.enqueue_dma source(%dma_start3A_19 : memref<8x128xi32, #tpu.memory_space<hbm>>) target(%arg9 : memref<8x128xi32, #tpu.memory_space<vmem>>) target_semaphore(%arg15 : memref<!tpu.dma_semaphore, #tpu.memory_space<semaphore_mem>>)
    %dma_start3A_20 = arith.constant 0 : i32
    %dma_start3A_21 = tpu.memref_slice %arg4[%add3A_15, %dma_start3A_20] : memref<2560x128xi32, #tpu.memory_space<hbm>> -> memref<8x128xi32, #tpu.memory_space<hbm>>
    %dma_start3A_22 = arith.constant 0 : i32
    %dma_start3A_23 = tpu.memref_slice %arg4[%add3A_15, %dma_start3A_22] : memref<2560x128xi32, #tpu.memory_space<hbm>> -> memref<8x128xi32, #tpu.memory_space<hbm>>
    tpu.enqueue_dma source(%dma_start3A_23 : memref<8x128xi32, #tpu.memory_space<hbm>>) target(%arg11 : memref<8x128xi32, #tpu.memory_space<vmem>>) target_semaphore(%arg17 : memref<!tpu.dma_semaphore, #tpu.memory_space<semaphore_mem>>)
    %dma_wait3A = arith.constant 0 : i32
    %dma_wait3A_24 = arith.constant 0 : i32
    %dma_wait3A_25 = tpu.memref_slice %arg3[%dma_wait3A, %dma_wait3A_24] : memref<2560x128xi32, #tpu.memory_space<hbm>> -> memref<8x128xi32, #tpu.memory_space<hbm>>
    %dma_wait3A_26 = arith.constant 0 : i32
    %dma_wait3A_27 = arith.constant 0 : i32
    %dma_wait3A_28 = tpu.memref_slice %arg3[%dma_wait3A_26, %dma_wait3A_27] : memref<2560x128xi32, #tpu.memory_space<hbm>> -> memref<8x128xi32, #tpu.memory_space<hbm>>
    tpu.wait_dma2 semaphore(%arg14 : memref<!tpu.dma_semaphore, #tpu.memory_space<semaphore_mem>>) src(%dma_wait3A_28 : memref<8x128xi32, #tpu.memory_space<hbm>>) dst(%arg8 : memref<8x128xi32, #tpu.memory_space<vmem>>)
    %dma_wait3A_29 = arith.constant 0 : i32
    %dma_wait3A_30 = arith.constant 0 : i32
    %dma_wait3A_31 = tpu.memref_slice %arg4[%dma_wait3A_29, %dma_wait3A_30] : memref<2560x128xi32, #tpu.memory_space<hbm>> -> memref<8x128xi32, #tpu.memory_space<hbm>>
    %dma_wait3A_32 = arith.constant 0 : i32
    %dma_wait3A_33 = arith.constant 0 : i32
    %dma_wait3A_34 = tpu.memref_slice %arg4[%dma_wait3A_32, %dma_wait3A_33] : memref<2560x128xi32, #tpu.memory_space<hbm>> -> memref<8x128xi32, #tpu.memory_space<hbm>>
    tpu.wait_dma2 semaphore(%arg16 : memref<!tpu.dma_semaphore, #tpu.memory_space<semaphore_mem>>) src(%dma_wait3A_34 : memref<8x128xi32, #tpu.memory_space<hbm>>) dst(%arg10 : memref<8x128xi32, #tpu.memory_space<vmem>>)
    %dma_start3A_35 = arith.constant 0 : i32
    %dma_start3A_36 = arith.constant 0 : i32
    %dma_start3A_37 = tpu.memref_slice %arg8[%dma_start3A_35, %dma_start3A_36] : memref<8x128xi32, #tpu.memory_space<vmem>> -> memref<1x128xi32, #tpu.memory_space<vmem>>
    %dma_start3A_38 = tpu.memref_squeeze %dma_start3A_37 : memref<1x128xi32, #tpu.memory_space<vmem>> -> memref<128xi32, #tpu.memory_space<vmem>>
    %dma_start3A_39 = arith.constant 0 : i32
    %dma_start3A_40 = arith.constant 0 : i32
    %dma_start3A_41 = tpu.memref_slice %arg2[%dma_start3A_39, %dma_start3A_40] : memref<10000x128xf32, #tpu.memory_space<hbm>> -> memref<10000x128xf32, #tpu.memory_space<hbm>>
    tpu.enqueue_indirect_dma source(%dma_start3A_41 : memref<10000x128xf32, #tpu.memory_space<hbm>>) target(%arg12 : memref<128x128xf32, #tpu.memory_space<vmem>>) offsets(%dma_start3A_38 : memref<128xi32, #tpu.memory_space<vmem>>) semaphore(%arg18 : memref<!tpu.dma_semaphore, #tpu.memory_space<semaphore_mem>>)
    %dma_start3A_42 = arith.constant 1 : i32
    %dma_start3A_43 = arith.constant 0 : i32
    %dma_start3A_44 = tpu.memref_slice %arg8[%dma_start3A_42, %dma_start3A_43] : memref<8x128xi32, #tpu.memory_space<vmem>> -> memref<1x128xi32, #tpu.memory_space<vmem>>
    %dma_start3A_45 = tpu.memref_squeeze %dma_start3A_44 : memref<1x128xi32, #tpu.memory_space<vmem>> -> memref<128xi32, #tpu.memory_space<vmem>>
    %dma_start3A_46 = arith.constant 0 : i32
    %dma_start3A_47 = arith.constant 0 : i32
    %dma_start3A_48 = tpu.memref_slice %arg2[%dma_start3A_46, %dma_start3A_47] : memref<10000x128xf32, #tpu.memory_space<hbm>> -> memref<10000x128xf32, #tpu.memory_space<hbm>>
    tpu.enqueue_indirect_dma source(%dma_start3A_48 : memref<10000x128xf32, #tpu.memory_space<hbm>>) target(%arg13 : memref<128x128xf32, #tpu.memory_space<vmem>>) offsets(%dma_start3A_45 : memref<128xi32, #tpu.memory_space<vmem>>) semaphore(%arg19 : memref<!tpu.dma_semaphore, #tpu.memory_space<semaphore_mem>>)
    %barrier3A = arith.constant 0 : index
    tpu.barrier barrier_id(%barrier3A)
    %scan3A = arith.constant 0 : i32
    %scan3A_49 = arith.constant 0 : i32
    %scan3A_50 = arith.constant 5 : i32
    %scan3A_51 = arith.addi %scan3A_49, %scan3A_50 : i32
    %scan3A_52 = arith.constant 1 : i32
    scf.for %scan3A_72 = %scan3A_49 to %scan3A_51 step %scan3A_52  : i32 {
      %mul3A_73 = arith.constant 2 : i32
      %mul3A_74 = arith.muli %scan3A_72, %mul3A_73 : i32
      %add3A_75 = arith.constant 0 : i32
      %add3A_76 = arith.addi %mul3A_74, %add3A_75 : i32
      %dma_wait3A_77 = arith.constant 0 : i32
      %dma_wait3A_78 = arith.constant 0 : i32
      %dma_wait3A_79 = tpu.memref_slice %arg8[%dma_wait3A_77, %dma_wait3A_78] : memref<8x128xi32, #tpu.memory_space<vmem>> -> memref<1x128xi32, #tpu.memory_space<vmem>>
      %dma_wait3A_80 = tpu.memref_squeeze %dma_wait3A_79 : memref<1x128xi32, #tpu.memory_space<vmem>> -> memref<128xi32, #tpu.memory_space<vmem>>
      %dma_wait3A_81 = arith.constant 0 : i32
      %dma_wait3A_82 = arith.constant 0 : i32
      %dma_wait3A_83 = tpu.memref_slice %arg2[%dma_wait3A_81, %dma_wait3A_82] : memref<10000x128xf32, #tpu.memory_space<hbm>> -> memref<10000x128xf32, #tpu.memory_space<hbm>>
      tpu.wait_indirect_dma semaphore(%arg18 : memref<!tpu.dma_semaphore, #tpu.memory_space<semaphore_mem>>) src(%dma_wait3A_83 : memref<10000x128xf32, #tpu.memory_space<hbm>>) dst(%arg12 : memref<128x128xf32, #tpu.memory_space<vmem>>)
      %dma_start3A_84 = arith.constant 0 : i32
      %dma_start3A_85 = arith.constant 0 : i32
      %dma_start3A_86 = tpu.memref_slice %arg10[%dma_start3A_84, %dma_start3A_85] : memref<8x128xi32, #tpu.memory_space<vmem>> -> memref<1x128xi32, #tpu.memory_space<vmem>>
      %dma_start3A_87 = tpu.memref_squeeze %dma_start3A_86 : memref<1x128xi32, #tpu.memory_space<vmem>> -> memref<128xi32, #tpu.memory_space<vmem>>
      %dma_start3A_88 = arith.constant 0 : i32
      %dma_start3A_89 = arith.constant 0 : i32
      %dma_start3A_90 = tpu.memref_slice %arg7[%dma_start3A_88, %dma_start3A_89] : memref<10112x128xf32, #tpu.memory_space<vmem_shared>> -> memref<10112x128xf32, #tpu.memory_space<vmem_shared>>
      tpu.enqueue_indirect_dma source(%arg12 : memref<128x128xf32, #tpu.memory_space<vmem>>) target(%dma_start3A_90 : memref<10112x128xf32, #tpu.memory_space<vmem_shared>>) offsets(%dma_start3A_87 : memref<128xi32, #tpu.memory_space<vmem>>) semaphore(%arg20 : memref<!tpu.dma_semaphore, #tpu.memory_space<semaphore_mem>>) {add = true}
      %dma_wait3A_91 = arith.constant 0 : i32
      %dma_wait3A_92 = arith.constant 0 : i32
      %dma_wait3A_93 = tpu.memref_slice %arg10[%dma_wait3A_91, %dma_wait3A_92] : memref<8x128xi32, #tpu.memory_space<vmem>> -> memref<1x128xi32, #tpu.memory_space<vmem>>
      %dma_wait3A_94 = tpu.memref_squeeze %dma_wait3A_93 : memref<1x128xi32, #tpu.memory_space<vmem>> -> memref<128xi32, #tpu.memory_space<vmem>>
      %dma_wait3A_95 = arith.constant 0 : i32
      %dma_wait3A_96 = arith.constant 0 : i32
      %dma_wait3A_97 = tpu.memref_slice %arg7[%dma_wait3A_95, %dma_wait3A_96] : memref<10112x128xf32, #tpu.memory_space<vmem_shared>> -> memref<10112x128xf32, #tpu.memory_space<vmem_shared>>
      tpu.wait_indirect_dma semaphore(%arg20 : memref<!tpu.dma_semaphore, #tpu.memory_space<semaphore_mem>>) src(%arg12 : memref<128x128xf32, #tpu.memory_space<vmem>>) dst(%dma_wait3A_97 : memref<10112x128xf32, #tpu.memory_space<vmem_shared>>)
      %dma_start3A_98 = arith.constant 2 : i32
      %dma_start3A_99 = arith.constant 0 : i32
      %dma_start3A_100 = tpu.memref_slice %arg8[%dma_start3A_98, %dma_start3A_99] : memref<8x128xi32, #tpu.memory_space<vmem>> -> memref<1x128xi32, #tpu.memory_space<vmem>>
      %dma_start3A_101 = tpu.memref_squeeze %dma_start3A_100 : memref<1x128xi32, #tpu.memory_space<vmem>> -> memref<128xi32, #tpu.memory_space<vmem>>
      %dma_start3A_102 = arith.constant 0 : i32
      %dma_start3A_103 = arith.constant 0 : i32
      %dma_start3A_104 = tpu.memref_slice %arg2[%dma_start3A_102, %dma_start3A_103] : memref<10000x128xf32, #tpu.memory_space<hbm>> -> memref<10000x128xf32, #tpu.memory_space<hbm>>
      tpu.enqueue_indirect_dma source(%dma_start3A_104 : memref<10000x128xf32, #tpu.memory_space<hbm>>) target(%arg12 : memref<128x128xf32, #tpu.memory_space<vmem>>) offsets(%dma_start3A_101 : memref<128xi32, #tpu.memory_space<vmem>>) semaphore(%arg18 : memref<!tpu.dma_semaphore, #tpu.memory_space<semaphore_mem>>)
      %dma_wait3A_105 = arith.constant 1 : i32
      %dma_wait3A_106 = arith.constant 0 : i32
      %dma_wait3A_107 = tpu.memref_slice %arg8[%dma_wait3A_105, %dma_wait3A_106] : memref<8x128xi32, #tpu.memory_space<vmem>> -> memref<1x128xi32, #tpu.memory_space<vmem>>
      %dma_wait3A_108 = tpu.memref_squeeze %dma_wait3A_107 : memref<1x128xi32, #tpu.memory_space<vmem>> -> memref<128xi32, #tpu.memory_space<vmem>>
      %dma_wait3A_109 = arith.constant 0 : i32
      %dma_wait3A_110 = arith.constant 0 : i32
      %dma_wait3A_111 = tpu.memref_slice %arg2[%dma_wait3A_109, %dma_wait3A_110] : memref<10000x128xf32, #tpu.memory_space<hbm>> -> memref<10000x128xf32, #tpu.memory_space<hbm>>
      tpu.wait_indirect_dma semaphore(%arg19 : memref<!tpu.dma_semaphore, #tpu.memory_space<semaphore_mem>>) src(%dma_wait3A_111 : memref<10000x128xf32, #tpu.memory_space<hbm>>) dst(%arg13 : memref<128x128xf32, #tpu.memory_space<vmem>>)
      %dma_start3A_112 = arith.constant 1 : i32
      %dma_start3A_113 = arith.constant 0 : i32
      %dma_start3A_114 = tpu.memref_slice %arg10[%dma_start3A_112, %dma_start3A_113] : memref<8x128xi32, #tpu.memory_space<vmem>> -> memref<1x128xi32, #tpu.memory_space<vmem>>
      %dma_start3A_115 = tpu.memref_squeeze %dma_start3A_114 : memref<1x128xi32, #tpu.memory_space<vmem>> -> memref<128xi32, #tpu.memory_space<vmem>>
      %dma_start3A_116 = arith.constant 0 : i32
      %dma_start3A_117 = arith.constant 0 : i32
      %dma_start3A_118 = tpu.memref_slice %arg7[%dma_start3A_116, %dma_start3A_117] : memref<10112x128xf32, #tpu.memory_space<vmem_shared>> -> memref<10112x128xf32, #tpu.memory_space<vmem_shared>>
      tpu.enqueue_indirect_dma source(%arg13 : memref<128x128xf32, #tpu.memory_space<vmem>>) target(%dma_start3A_118 : memref<10112x128xf32, #tpu.memory_space<vmem_shared>>) offsets(%dma_start3A_115 : memref<128xi32, #tpu.memory_space<vmem>>) semaphore(%arg21 : memref<!tpu.dma_semaphore, #tpu.memory_space<semaphore_mem>>) {add = true}
      %dma_wait3A_119 = arith.constant 1 : i32
      %dma_wait3A_120 = arith.constant 0 : i32
      %dma_wait3A_121 = tpu.memref_slice %arg10[%dma_wait3A_119, %dma_wait3A_120] : memref<8x128xi32, #tpu.memory_space<vmem>> -> memref<1x128xi32, #tpu.memory_space<vmem>>
      %dma_wait3A_122 = tpu.memref_squeeze %dma_wait3A_121 : memref<1x128xi32, #tpu.memory_space<vmem>> -> memref<128xi32, #tpu.memory_space<vmem>>
      %dma_wait3A_123 = arith.constant 0 : i32
      %dma_wait3A_124 = arith.constant 0 : i32
      %dma_wait3A_125 = tpu.memref_slice %arg7[%dma_wait3A_123, %dma_wait3A_124] : memref<10112x128xf32, #tpu.memory_space<vmem_shared>> -> memref<10112x128xf32, #tpu.memory_space<vmem_shared>>
      tpu.wait_indirect_dma semaphore(%arg21 : memref<!tpu.dma_semaphore, #tpu.memory_space<semaphore_mem>>) src(%arg13 : memref<128x128xf32, #tpu.memory_space<vmem>>) dst(%dma_wait3A_125 : memref<10112x128xf32, #tpu.memory_space<vmem_shared>>)
      %dma_start3A_126 = arith.constant 3 : i32
      %dma_start3A_127 = arith.constant 0 : i32
      %dma_start3A_128 = tpu.memref_slice %arg8[%dma_start3A_126, %dma_start3A_127] : memref<8x128xi32, #tpu.memory_space<vmem>> -> memref<1x128xi32, #tpu.memory_space<vmem>>
      %dma_start3A_129 = tpu.memref_squeeze %dma_start3A_128 : memref<1x128xi32, #tpu.memory_space<vmem>> -> memref<128xi32, #tpu.memory_space<vmem>>
      %dma_start3A_130 = arith.constant 0 : i32
      %dma_start3A_131 = arith.constant 0 : i32
      %dma_start3A_132 = tpu.memref_slice %arg2[%dma_start3A_130, %dma_start3A_131] : memref<10000x128xf32, #tpu.memory_space<hbm>> -> memref<10000x128xf32, #tpu.memory_space<hbm>>
      tpu.enqueue_indirect_dma source(%dma_start3A_132 : memref<10000x128xf32, #tpu.memory_space<hbm>>) target(%arg13 : memref<128x128xf32, #tpu.memory_space<vmem>>) offsets(%dma_start3A_129 : memref<128xi32, #tpu.memory_space<vmem>>) semaphore(%arg19 : memref<!tpu.dma_semaphore, #tpu.memory_space<semaphore_mem>>)
      %dma_wait3A_133 = arith.constant 2 : i32
      %dma_wait3A_134 = arith.constant 0 : i32
      %dma_wait3A_135 = tpu.memref_slice %arg8[%dma_wait3A_133, %dma_wait3A_134] : memref<8x128xi32, #tpu.memory_space<vmem>> -> memref<1x128xi32, #tpu.memory_space<vmem>>
      %dma_wait3A_136 = tpu.memref_squeeze %dma_wait3A_135 : memref<1x128xi32, #tpu.memory_space<vmem>> -> memref<128xi32, #tpu.memory_space<vmem>>
      %dma_wait3A_137 = arith.constant 0 : i32
      %dma_wait3A_138 = arith.constant 0 : i32
      %dma_wait3A_139 = tpu.memref_slice %arg2[%dma_wait3A_137, %dma_wait3A_138] : memref<10000x128xf32, #tpu.memory_space<hbm>> -> memref<10000x128xf32, #tpu.memory_space<hbm>>
      tpu.wait_indirect_dma semaphore(%arg18 : memref<!tpu.dma_semaphore, #tpu.memory_space<semaphore_mem>>) src(%dma_wait3A_139 : memref<10000x128xf32, #tpu.memory_space<hbm>>) dst(%arg12 : memref<128x128xf32, #tpu.memory_space<vmem>>)
      %dma_start3A_140 = arith.constant 2 : i32
      %dma_start3A_141 = arith.constant 0 : i32
      %dma_start3A_142 = tpu.memref_slice %arg10[%dma_start3A_140, %dma_start3A_141] : memref<8x128xi32, #tpu.memory_space<vmem>> -> memref<1x128xi32, #tpu.memory_space<vmem>>
      %dma_start3A_143 = tpu.memref_squeeze %dma_start3A_142 : memref<1x128xi32, #tpu.memory_space<vmem>> -> memref<128xi32, #tpu.memory_space<vmem>>
      %dma_start3A_144 = arith.constant 0 : i32
      %dma_start3A_145 = arith.constant 0 : i32
      %dma_start3A_146 = tpu.memref_slice %arg7[%dma_start3A_144, %dma_start3A_145] : memref<10112x128xf32, #tpu.memory_space<vmem_shared>> -> memref<10112x128xf32, #tpu.memory_space<vmem_shared>>
      tpu.enqueue_indirect_dma source(%arg12 : memref<128x128xf32, #tpu.memory_space<vmem>>) target(%dma_start3A_146 : memref<10112x128xf32, #tpu.memory_space<vmem_shared>>) offsets(%dma_start3A_143 : memref<128xi32, #tpu.memory_space<vmem>>) semaphore(%arg20 : memref<!tpu.dma_semaphore, #tpu.memory_space<semaphore_mem>>) {add = true}
      %dma_wait3A_147 = arith.constant 2 : i32
      %dma_wait3A_148 = arith.constant 0 : i32
      %dma_wait3A_149 = tpu.memref_slice %arg10[%dma_wait3A_147, %dma_wait3A_148] : memref<8x128xi32, #tpu.memory_space<vmem>> -> memref<1x128xi32, #tpu.memory_space<vmem>>
      %dma_wait3A_150 = tpu.memref_squeeze %dma_wait3A_149 : memref<1x128xi32, #tpu.memory_space<vmem>> -> memref<128xi32, #tpu.memory_space<vmem>>
      %dma_wait3A_151 = arith.constant 0 : i32
      %dma_wait3A_152 = arith.constant 0 : i32
      %dma_wait3A_153 = tpu.memref_slice %arg7[%dma_wait3A_151, %dma_wait3A_152] : memref<10112x128xf32, #tpu.memory_space<vmem_shared>> -> memref<10112x128xf32, #tpu.memory_space<vmem_shared>>
      tpu.wait_indirect_dma semaphore(%arg20 : memref<!tpu.dma_semaphore, #tpu.memory_space<semaphore_mem>>) src(%arg12 : memref<128x128xf32, #tpu.memory_space<vmem>>) dst(%dma_wait3A_153 : memref<10112x128xf32, #tpu.memory_space<vmem_shared>>)
      %dma_start3A_154 = arith.constant 4 : i32
      %dma_start3A_155 = arith.constant 0 : i32
      %dma_start3A_156 = tpu.memref_slice %arg8[%dma_start3A_154, %dma_start3A_155] : memref<8x128xi32, #tpu.memory_space<vmem>> -> memref<1x128xi32, #tpu.memory_space<vmem>>
      %dma_start3A_157 = tpu.memref_squeeze %dma_start3A_156 : memref<1x128xi32, #tpu.memory_space<vmem>> -> memref<128xi32, #tpu.memory_space<vmem>>
      %dma_start3A_158 = arith.constant 0 : i32
      %dma_start3A_159 = arith.constant 0 : i32
      %dma_start3A_160 = tpu.memref_slice %arg2[%dma_start3A_158, %dma_start3A_159] : memref<10000x128xf32, #tpu.memory_space<hbm>> -> memref<10000x128xf32, #tpu.memory_space<hbm>>
      tpu.enqueue_indirect_dma source(%dma_start3A_160 : memref<10000x128xf32, #tpu.memory_space<hbm>>) target(%arg12 : memref<128x128xf32, #tpu.memory_space<vmem>>) offsets(%dma_start3A_157 : memref<128xi32, #tpu.memory_space<vmem>>) semaphore(%arg18 : memref<!tpu.dma_semaphore, #tpu.memory_space<semaphore_mem>>)
      %dma_wait3A_161 = arith.constant 3 : i32
      %dma_wait3A_162 = arith.constant 0 : i32
      %dma_wait3A_163 = tpu.memref_slice %arg8[%dma_wait3A_161, %dma_wait3A_162] : memref<8x128xi32, #tpu.memory_space<vmem>> -> memref<1x128xi32, #tpu.memory_space<vmem>>
      %dma_wait3A_164 = tpu.memref_squeeze %dma_wait3A_163 : memref<1x128xi32, #tpu.memory_space<vmem>> -> memref<128xi32, #tpu.memory_space<vmem>>
      %dma_wait3A_165 = arith.constant 0 : i32
      %dma_wait3A_166 = arith.constant 0 : i32
      %dma_wait3A_167 = tpu.memref_slice %arg2[%dma_wait3A_165, %dma_wait3A_166] : memref<10000x128xf32, #tpu.memory_space<hbm>> -> memref<10000x128xf32, #tpu.memory_space<hbm>>
      tpu.wait_indirect_dma semaphore(%arg19 : memref<!tpu.dma_semaphore, #tpu.memory_space<semaphore_mem>>) src(%dma_wait3A_167 : memref<10000x128xf32, #tpu.memory_space<hbm>>) dst(%arg13 : memref<128x128xf32, #tpu.memory_space<vmem>>)
      %dma_start3A_168 = arith.constant 3 : i32
      %dma_start3A_169 = arith.constant 0 : i32
      %dma_start3A_170 = tpu.memref_slice %arg10[%dma_start3A_168, %dma_start3A_169] : memref<8x128xi32, #tpu.memory_space<vmem>> -> memref<1x128xi32, #tpu.memory_space<vmem>>
      %dma_start3A_171 = tpu.memref_squeeze %dma_start3A_170 : memref<1x128xi32, #tpu.memory_space<vmem>> -> memref<128xi32, #tpu.memory_space<vmem>>
      %dma_start3A_172 = arith.constant 0 : i32
      %dma_start3A_173 = arith.constant 0 : i32
      %dma_start3A_174 = tpu.memref_slice %arg7[%dma_start3A_172, %dma_start3A_173] : memref<10112x128xf32, #tpu.memory_space<vmem_shared>> -> memref<10112x128xf32, #tpu.memory_space<vmem_shared>>
      tpu.enqueue_indirect_dma source(%arg13 : memref<128x128xf32, #tpu.memory_space<vmem>>) target(%dma_start3A_174 : memref<10112x128xf32, #tpu.memory_space<vmem_shared>>) offsets(%dma_start3A_171 : memref<128xi32, #tpu.memory_space<vmem>>) semaphore(%arg21 : memref<!tpu.dma_semaphore, #tpu.memory_space<semaphore_mem>>) {add = true}
      %dma_wait3A_175 = arith.constant 3 : i32
      %dma_wait3A_176 = arith.constant 0 : i32
      %dma_wait3A_177 = tpu.memref_slice %arg10[%dma_wait3A_175, %dma_wait3A_176] : memref<8x128xi32, #tpu.memory_space<vmem>> -> memref<1x128xi32, #tpu.memory_space<vmem>>
      %dma_wait3A_178 = tpu.memref_squeeze %dma_wait3A_177 : memref<1x128xi32, #tpu.memory_space<vmem>> -> memref<128xi32, #tpu.memory_space<vmem>>
      %dma_wait3A_179 = arith.constant 0 : i32
      %dma_wait3A_180 = arith.constant 0 : i32
      %dma_wait3A_181 = tpu.memref_slice %arg7[%dma_wait3A_179, %dma_wait3A_180] : memref<10112x128xf32, #tpu.memory_space<vmem_shared>> -> memref<10112x128xf32, #tpu.memory_space<vmem_shared>>
      tpu.wait_indirect_dma semaphore(%arg21 : memref<!tpu.dma_semaphore, #tpu.memory_space<semaphore_mem>>) src(%arg13 : memref<128x128xf32, #tpu.memory_space<vmem>>) dst(%dma_wait3A_181 : memref<10112x128xf32, #tpu.memory_space<vmem_shared>>)
      %dma_start3A_182 = arith.constant 5 : i32
      %dma_start3A_183 = arith.constant 0 : i32
      %dma_start3A_184 = tpu.memref_slice %arg8[%dma_start3A_182, %dma_start3A_183] : memref<8x128xi32, #tpu.memory_space<vmem>> -> memref<1x128xi32, #tpu.memory_space<vmem>>
      %dma_start3A_185 = tpu.memref_squeeze %dma_start3A_184 : memref<1x128xi32, #tpu.memory_space<vmem>> -> memref<128xi32, #tpu.memory_space<vmem>>
      %dma_start3A_186 = arith.constant 0 : i32
      %dma_start3A_187 = arith.constant 0 : i32
      %dma_start3A_188 = tpu.memref_slice %arg2[%dma_start3A_186, %dma_start3A_187] : memref<10000x128xf32, #tpu.memory_space<hbm>> -> memref<10000x128xf32, #tpu.memory_space<hbm>>
      tpu.enqueue_indirect_dma source(%dma_start3A_188 : memref<10000x128xf32, #tpu.memory_space<hbm>>) target(%arg13 : memref<128x128xf32, #tpu.memory_space<vmem>>) offsets(%dma_start3A_185 : memref<128xi32, #tpu.memory_space<vmem>>) semaphore(%arg19 : memref<!tpu.dma_semaphore, #tpu.memory_space<semaphore_mem>>)
      %dma_wait3A_189 = arith.constant 4 : i32
      %dma_wait3A_190 = arith.constant 0 : i32
      %dma_wait3A_191 = tpu.memref_slice %arg8[%dma_wait3A_189, %dma_wait3A_190] : memref<8x128xi32, #tpu.memory_space<vmem>> -> memref<1x128xi32, #tpu.memory_space<vmem>>
      %dma_wait3A_192 = tpu.memref_squeeze %dma_wait3A_191 : memref<1x128xi32, #tpu.memory_space<vmem>> -> memref<128xi32, #tpu.memory_space<vmem>>
      %dma_wait3A_193 = arith.constant 0 : i32
      %dma_wait3A_194 = arith.constant 0 : i32
      %dma_wait3A_195 = tpu.memref_slice %arg2[%dma_wait3A_193, %dma_wait3A_194] : memref<10000x128xf32, #tpu.memory_space<hbm>> -> memref<10000x128xf32, #tpu.memory_space<hbm>>
      tpu.wait_indirect_dma semaphore(%arg18 : memref<!tpu.dma_semaphore, #tpu.memory_space<semaphore_mem>>) src(%dma_wait3A_195 : memref<10000x128xf32, #tpu.memory_space<hbm>>) dst(%arg12 : memref<128x128xf32, #tpu.memory_space<vmem>>)
      %dma_start3A_196 = arith.constant 4 : i32
      %dma_start3A_197 = arith.constant 0 : i32
      %dma_start3A_198 = tpu.memref_slice %arg10[%dma_start3A_196, %dma_start3A_197] : memref<8x128xi32, #tpu.memory_space<vmem>> -> memref<1x128xi32, #tpu.memory_space<vmem>>
      %dma_start3A_199 = tpu.memref_squeeze %dma_start3A_198 : memref<1x128xi32, #tpu.memory_space<vmem>> -> memref<128xi32, #tpu.memory_space<vmem>>
      %dma_start3A_200 = arith.constant 0 : i32
      %dma_start3A_201 = arith.constant 0 : i32
      %dma_start3A_202 = tpu.memref_slice %arg7[%dma_start3A_200, %dma_start3A_201] : memref<10112x128xf32, #tpu.memory_space<vmem_shared>> -> memref<10112x128xf32, #tpu.memory_space<vmem_shared>>
      tpu.enqueue_indirect_dma source(%arg12 : memref<128x128xf32, #tpu.memory_space<vmem>>) target(%dma_start3A_202 : memref<10112x128xf32, #tpu.memory_space<vmem_shared>>) offsets(%dma_start3A_199 : memref<128xi32, #tpu.memory_space<vmem>>) semaphore(%arg20 : memref<!tpu.dma_semaphore, #tpu.memory_space<semaphore_mem>>) {add = true}
      %dma_wait3A_203 = arith.constant 4 : i32
      %dma_wait3A_204 = arith.constant 0 : i32
      %dma_wait3A_205 = tpu.memref_slice %arg10[%dma_wait3A_203, %dma_wait3A_204] : memref<8x128xi32, #tpu.memory_space<vmem>> -> memref<1x128xi32, #tpu.memory_space<vmem>>
      %dma_wait3A_206 = tpu.memref_squeeze %dma_wait3A_205 : memref<1x128xi32, #tpu.memory_space<vmem>> -> memref<128xi32, #tpu.memory_space<vmem>>
      %dma_wait3A_207 = arith.constant 0 : i32
      %dma_wait3A_208 = arith.constant 0 : i32
      %dma_wait3A_209 = tpu.memref_slice %arg7[%dma_wait3A_207, %dma_wait3A_208] : memref<10112x128xf32, #tpu.memory_space<vmem_shared>> -> memref<10112x128xf32, #tpu.memory_space<vmem_shared>>
      tpu.wait_indirect_dma semaphore(%arg20 : memref<!tpu.dma_semaphore, #tpu.memory_space<semaphore_mem>>) src(%arg12 : memref<128x128xf32, #tpu.memory_space<vmem>>) dst(%dma_wait3A_209 : memref<10112x128xf32, #tpu.memory_space<vmem_shared>>)
      %dma_start3A_210 = arith.constant 6 : i32
      %dma_start3A_211 = arith.constant 0 : i32
      %dma_start3A_212 = tpu.memref_slice %arg8[%dma_start3A_210, %dma_start3A_211] : memref<8x128xi32, #tpu.memory_space<vmem>> -> memref<1x128xi32, #tpu.memory_space<vmem>>
      %dma_start3A_213 = tpu.memref_squeeze %dma_start3A_212 : memref<1x128xi32, #tpu.memory_space<vmem>> -> memref<128xi32, #tpu.memory_space<vmem>>
      %dma_start3A_214 = arith.constant 0 : i32
      %dma_start3A_215 = arith.constant 0 : i32
      %dma_start3A_216 = tpu.memref_slice %arg2[%dma_start3A_214, %dma_start3A_215] : memref<10000x128xf32, #tpu.memory_space<hbm>> -> memref<10000x128xf32, #tpu.memory_space<hbm>>
      tpu.enqueue_indirect_dma source(%dma_start3A_216 : memref<10000x128xf32, #tpu.memory_space<hbm>>) target(%arg12 : memref<128x128xf32, #tpu.memory_space<vmem>>) offsets(%dma_start3A_213 : memref<128xi32, #tpu.memory_space<vmem>>) semaphore(%arg18 : memref<!tpu.dma_semaphore, #tpu.memory_space<semaphore_mem>>)
      %dma_wait3A_217 = arith.constant 5 : i32
      %dma_wait3A_218 = arith.constant 0 : i32
      %dma_wait3A_219 = tpu.memref_slice %arg8[%dma_wait3A_217, %dma_wait3A_218] : memref<8x128xi32, #tpu.memory_space<vmem>> -> memref<1x128xi32, #tpu.memory_space<vmem>>
      %dma_wait3A_220 = tpu.memref_squeeze %dma_wait3A_219 : memref<1x128xi32, #tpu.memory_space<vmem>> -> memref<128xi32, #tpu.memory_space<vmem>>
      %dma_wait3A_221 = arith.constant 0 : i32
      %dma_wait3A_222 = arith.constant 0 : i32
      %dma_wait3A_223 = tpu.memref_slice %arg2[%dma_wait3A_221, %dma_wait3A_222] : memref<10000x128xf32, #tpu.memory_space<hbm>> -> memref<10000x128xf32, #tpu.memory_space<hbm>>
      tpu.wait_indirect_dma semaphore(%arg19 : memref<!tpu.dma_semaphore, #tpu.memory_space<semaphore_mem>>) src(%dma_wait3A_223 : memref<10000x128xf32, #tpu.memory_space<hbm>>) dst(%arg13 : memref<128x128xf32, #tpu.memory_space<vmem>>)
      %dma_start3A_224 = arith.constant 5 : i32
      %dma_start3A_225 = arith.constant 0 : i32
      %dma_start3A_226 = tpu.memref_slice %arg10[%dma_start3A_224, %dma_start3A_225] : memref<8x128xi32, #tpu.memory_space<vmem>> -> memref<1x128xi32, #tpu.memory_space<vmem>>
      %dma_start3A_227 = tpu.memref_squeeze %dma_start3A_226 : memref<1x128xi32, #tpu.memory_space<vmem>> -> memref<128xi32, #tpu.memory_space<vmem>>
      %dma_start3A_228 = arith.constant 0 : i32
      %dma_start3A_229 = arith.constant 0 : i32
      %dma_start3A_230 = tpu.memref_slice %arg7[%dma_start3A_228, %dma_start3A_229] : memref<10112x128xf32, #tpu.memory_space<vmem_shared>> -> memref<10112x128xf32, #tpu.memory_space<vmem_shared>>
      tpu.enqueue_indirect_dma source(%arg13 : memref<128x128xf32, #tpu.memory_space<vmem>>) target(%dma_start3A_230 : memref<10112x128xf32, #tpu.memory_space<vmem_shared>>) offsets(%dma_start3A_227 : memref<128xi32, #tpu.memory_space<vmem>>) semaphore(%arg21 : memref<!tpu.dma_semaphore, #tpu.memory_space<semaphore_mem>>) {add = true}
      %dma_wait3A_231 = arith.constant 5 : i32
      %dma_wait3A_232 = arith.constant 0 : i32
      %dma_wait3A_233 = tpu.memref_slice %arg10[%dma_wait3A_231, %dma_wait3A_232] : memref<8x128xi32, #tpu.memory_space<vmem>> -> memref<1x128xi32, #tpu.memory_space<vmem>>
      %dma_wait3A_234 = tpu.memref_squeeze %dma_wait3A_233 : memref<1x128xi32, #tpu.memory_space<vmem>> -> memref<128xi32, #tpu.memory_space<vmem>>
      %dma_wait3A_235 = arith.constant 0 : i32
      %dma_wait3A_236 = arith.constant 0 : i32
      %dma_wait3A_237 = tpu.memref_slice %arg7[%dma_wait3A_235, %dma_wait3A_236] : memref<10112x128xf32, #tpu.memory_space<vmem_shared>> -> memref<10112x128xf32, #tpu.memory_space<vmem_shared>>
      tpu.wait_indirect_dma semaphore(%arg21 : memref<!tpu.dma_semaphore, #tpu.memory_space<semaphore_mem>>) src(%arg13 : memref<128x128xf32, #tpu.memory_space<vmem>>) dst(%dma_wait3A_237 : memref<10112x128xf32, #tpu.memory_space<vmem_shared>>)
      %dma_start3A_238 = arith.constant 7 : i32
      %dma_start3A_239 = arith.constant 0 : i32
      %dma_start3A_240 = tpu.memref_slice %arg8[%dma_start3A_238, %dma_start3A_239] : memref<8x128xi32, #tpu.memory_space<vmem>> -> memref<1x128xi32, #tpu.memory_space<vmem>>
      %dma_start3A_241 = tpu.memref_squeeze %dma_start3A_240 : memref<1x128xi32, #tpu.memory_space<vmem>> -> memref<128xi32, #tpu.memory_space<vmem>>
      %dma_start3A_242 = arith.constant 0 : i32
      %dma_start3A_243 = arith.constant 0 : i32
      %dma_start3A_244 = tpu.memref_slice %arg2[%dma_start3A_242, %dma_start3A_243] : memref<10000x128xf32, #tpu.memory_space<hbm>> -> memref<10000x128xf32, #tpu.memory_space<hbm>>
      tpu.enqueue_indirect_dma source(%dma_start3A_244 : memref<10000x128xf32, #tpu.memory_space<hbm>>) target(%arg13 : memref<128x128xf32, #tpu.memory_space<vmem>>) offsets(%dma_start3A_241 : memref<128xi32, #tpu.memory_space<vmem>>) semaphore(%arg19 : memref<!tpu.dma_semaphore, #tpu.memory_space<semaphore_mem>>)
      %dma_wait3A_245 = arith.constant 6 : i32
      %dma_wait3A_246 = arith.constant 0 : i32
      %dma_wait3A_247 = tpu.memref_slice %arg8[%dma_wait3A_245, %dma_wait3A_246] : memref<8x128xi32, #tpu.memory_space<vmem>> -> memref<1x128xi32, #tpu.memory_space<vmem>>
      %dma_wait3A_248 = tpu.memref_squeeze %dma_wait3A_247 : memref<1x128xi32, #tpu.memory_space<vmem>> -> memref<128xi32, #tpu.memory_space<vmem>>
      %dma_wait3A_249 = arith.constant 0 : i32
      %dma_wait3A_250 = arith.constant 0 : i32
      %dma_wait3A_251 = tpu.memref_slice %arg2[%dma_wait3A_249, %dma_wait3A_250] : memref<10000x128xf32, #tpu.memory_space<hbm>> -> memref<10000x128xf32, #tpu.memory_space<hbm>>
      tpu.wait_indirect_dma semaphore(%arg18 : memref<!tpu.dma_semaphore, #tpu.memory_space<semaphore_mem>>) src(%dma_wait3A_251 : memref<10000x128xf32, #tpu.memory_space<hbm>>) dst(%arg12 : memref<128x128xf32, #tpu.memory_space<vmem>>)
      %dma_start3A_252 = arith.constant 6 : i32
      %dma_start3A_253 = arith.constant 0 : i32
      %dma_start3A_254 = tpu.memref_slice %arg10[%dma_start3A_252, %dma_start3A_253] : memref<8x128xi32, #tpu.memory_space<vmem>> -> memref<1x128xi32, #tpu.memory_space<vmem>>
      %dma_start3A_255 = tpu.memref_squeeze %dma_start3A_254 : memref<1x128xi32, #tpu.memory_space<vmem>> -> memref<128xi32, #tpu.memory_space<vmem>>
      %dma_start3A_256 = arith.constant 0 : i32
      %dma_start3A_257 = arith.constant 0 : i32
      %dma_start3A_258 = tpu.memref_slice %arg7[%dma_start3A_256, %dma_start3A_257] : memref<10112x128xf32, #tpu.memory_space<vmem_shared>> -> memref<10112x128xf32, #tpu.memory_space<vmem_shared>>
      tpu.enqueue_indirect_dma source(%arg12 : memref<128x128xf32, #tpu.memory_space<vmem>>) target(%dma_start3A_258 : memref<10112x128xf32, #tpu.memory_space<vmem_shared>>) offsets(%dma_start3A_255 : memref<128xi32, #tpu.memory_space<vmem>>) semaphore(%arg20 : memref<!tpu.dma_semaphore, #tpu.memory_space<semaphore_mem>>) {add = true}
      %lt3A = arith.constant 9 : i32
      %lt3A_259 = arith.cmpi slt, %add3A_76, %lt3A : i32
      %convert_element_type3A = arith.extui %lt3A_259 : i1 to i32
      %cond3A = arith.constant 0 : i32
      %cond3A_260 = arith.cmpi ne, %convert_element_type3A, %cond3A : i32
      scf.if %cond3A_260 {
        %dma_wait3A_510 = arith.constant 0 : i32
        %dma_wait3A_511 = arith.constant 0 : i32
        %dma_wait3A_512 = tpu.memref_slice %arg3[%dma_wait3A_510, %dma_wait3A_511] : memref<2560x128xi32, #tpu.memory_space<hbm>> -> memref<8x128xi32, #tpu.memory_space<hbm>>
        %dma_wait3A_513 = arith.constant 0 : i32
        %dma_wait3A_514 = arith.constant 0 : i32
        %dma_wait3A_515 = tpu.memref_slice %arg3[%dma_wait3A_513, %dma_wait3A_514] : memref<2560x128xi32, #tpu.memory_space<hbm>> -> memref<8x128xi32, #tpu.memory_space<hbm>>
        tpu.wait_dma2 semaphore(%arg15 : memref<!tpu.dma_semaphore, #tpu.memory_space<semaphore_mem>>) src(%dma_wait3A_515 : memref<8x128xi32, #tpu.memory_space<hbm>>) dst(%arg9 : memref<8x128xi32, #tpu.memory_space<vmem>>)
        %dma_wait3A_516 = arith.constant 0 : i32
        %dma_wait3A_517 = arith.constant 0 : i32
        %dma_wait3A_518 = tpu.memref_slice %arg4[%dma_wait3A_516, %dma_wait3A_517] : memref<2560x128xi32, #tpu.memory_space<hbm>> -> memref<8x128xi32, #tpu.memory_space<hbm>>
        %dma_wait3A_519 = arith.constant 0 : i32
        %dma_wait3A_520 = arith.constant 0 : i32
        %dma_wait3A_521 = tpu.memref_slice %arg4[%dma_wait3A_519, %dma_wait3A_520] : memref<2560x128xi32, #tpu.memory_space<hbm>> -> memref<8x128xi32, #tpu.memory_space<hbm>>
        tpu.wait_dma2 semaphore(%arg17 : memref<!tpu.dma_semaphore, #tpu.memory_space<semaphore_mem>>) src(%dma_wait3A_521 : memref<8x128xi32, #tpu.memory_space<hbm>>) dst(%arg11 : memref<8x128xi32, #tpu.memory_space<vmem>>)
      } else {
      }
      %lt3A_261 = arith.constant 9 : i32
      %lt3A_262 = arith.cmpi slt, %add3A_76, %lt3A_261 : i32
      %convert_element_type3A_263 = arith.extui %lt3A_262 : i1 to i32
      %cond3A_264 = arith.constant 0 : i32
      %cond3A_265 = arith.cmpi ne, %convert_element_type3A_263, %cond3A_264 : i32
      scf.if %cond3A_265 {
        %dma_wait3A_510 = arith.constant 6 : i32
        %dma_wait3A_511 = arith.constant 0 : i32
        %dma_wait3A_512 = tpu.memref_slice %arg10[%dma_wait3A_510, %dma_wait3A_511] : memref<8x128xi32, #tpu.memory_space<vmem>> -> memref<1x128xi32, #tpu.memory_space<vmem>>
        %dma_wait3A_513 = tpu.memref_squeeze %dma_wait3A_512 : memref<1x128xi32, #tpu.memory_space<vmem>> -> memref<128xi32, #tpu.memory_space<vmem>>
        %dma_wait3A_514 = arith.constant 0 : i32
        %dma_wait3A_515 = arith.constant 0 : i32
        %dma_wait3A_516 = tpu.memref_slice %arg7[%dma_wait3A_514, %dma_wait3A_515] : memref<10112x128xf32, #tpu.memory_space<vmem_shared>> -> memref<10112x128xf32, #tpu.memory_space<vmem_shared>>
        tpu.wait_indirect_dma semaphore(%arg20 : memref<!tpu.dma_semaphore, #tpu.memory_space<semaphore_mem>>) src(%arg12 : memref<128x128xf32, #tpu.memory_space<vmem>>) dst(%dma_wait3A_516 : memref<10112x128xf32, #tpu.memory_space<vmem_shared>>)
        %dma_start3A_517 = arith.constant 0 : i32
        %dma_start3A_518 = arith.constant 0 : i32
        %dma_start3A_519 = tpu.memref_slice %arg9[%dma_start3A_517, %dma_start3A_518] : memref<8x128xi32, #tpu.memory_space<vmem>> -> memref<1x128xi32, #tpu.memory_space<vmem>>
        %dma_start3A_520 = tpu.memref_squeeze %dma_start3A_519 : memref<1x128xi32, #tpu.memory_space<vmem>> -> memref<128xi32, #tpu.memory_space<vmem>>
        %dma_start3A_521 = arith.constant 0 : i32
        %dma_start3A_522 = arith.constant 0 : i32
        %dma_start3A_523 = tpu.memref_slice %arg2[%dma_start3A_521, %dma_start3A_522] : memref<10000x128xf32, #tpu.memory_space<hbm>> -> memref<10000x128xf32, #tpu.memory_space<hbm>>
        tpu.enqueue_indirect_dma source(%dma_start3A_523 : memref<10000x128xf32, #tpu.memory_space<hbm>>) target(%arg12 : memref<128x128xf32, #tpu.memory_space<vmem>>) offsets(%dma_start3A_520 : memref<128xi32, #tpu.memory_space<vmem>>) semaphore(%arg18 : memref<!tpu.dma_semaphore, #tpu.memory_space<semaphore_mem>>)
      } else {
      }
      %dma_wait3A_266 = arith.constant 7 : i32
      %dma_wait3A_267 = arith.constant 0 : i32
      %dma_wait3A_268 = tpu.memref_slice %arg8[%dma_wait3A_266, %dma_wait3A_267] : memref<8x128xi32, #tpu.memory_space<vmem>> -> memref<1x128xi32, #tpu.memory_space<vmem>>
      %dma_wait3A_269 = tpu.memref_squeeze %dma_wait3A_268 : memref<1x128xi32, #tpu.memory_space<vmem>> -> memref<128xi32, #tpu.memory_space<vmem>>
      %dma_wait3A_270 = arith.constant 0 : i32
      %dma_wait3A_271 = arith.constant 0 : i32
      %dma_wait3A_272 = tpu.memref_slice %arg2[%dma_wait3A_270, %dma_wait3A_271] : memref<10000x128xf32, #tpu.memory_space<hbm>> -> memref<10000x128xf32, #tpu.memory_space<hbm>>
      tpu.wait_indirect_dma semaphore(%arg19 : memref<!tpu.dma_semaphore, #tpu.memory_space<semaphore_mem>>) src(%dma_wait3A_272 : memref<10000x128xf32, #tpu.memory_space<hbm>>) dst(%arg13 : memref<128x128xf32, #tpu.memory_space<vmem>>)
      %dma_start3A_273 = arith.constant 7 : i32
      %dma_start3A_274 = arith.constant 0 : i32
      %dma_start3A_275 = tpu.memref_slice %arg10[%dma_start3A_273, %dma_start3A_274] : memref<8x128xi32, #tpu.memory_space<vmem>> -> memref<1x128xi32, #tpu.memory_space<vmem>>
      %dma_start3A_276 = tpu.memref_squeeze %dma_start3A_275 : memref<1x128xi32, #tpu.memory_space<vmem>> -> memref<128xi32, #tpu.memory_space<vmem>>
      %dma_start3A_277 = arith.constant 0 : i32
      %dma_start3A_278 = arith.constant 0 : i32
      %dma_start3A_279 = tpu.memref_slice %arg7[%dma_start3A_277, %dma_start3A_278] : memref<10112x128xf32, #tpu.memory_space<vmem_shared>> -> memref<10112x128xf32, #tpu.memory_space<vmem_shared>>
      tpu.enqueue_indirect_dma source(%arg13 : memref<128x128xf32, #tpu.memory_space<vmem>>) target(%dma_start3A_279 : memref<10112x128xf32, #tpu.memory_space<vmem_shared>>) offsets(%dma_start3A_276 : memref<128xi32, #tpu.memory_space<vmem>>) semaphore(%arg21 : memref<!tpu.dma_semaphore, #tpu.memory_space<semaphore_mem>>) {add = true}
      %lt3A_280 = arith.constant 9 : i32
      %lt3A_281 = arith.cmpi slt, %add3A_76, %lt3A_280 : i32
      %convert_element_type3A_282 = arith.extui %lt3A_281 : i1 to i32
      %cond3A_283 = arith.constant 0 : i32
      %cond3A_284 = arith.cmpi ne, %convert_element_type3A_282, %cond3A_283 : i32
      scf.if %cond3A_284 {
        %dma_wait3A_510 = arith.constant 7 : i32
        %dma_wait3A_511 = arith.constant 0 : i32
        %dma_wait3A_512 = tpu.memref_slice %arg10[%dma_wait3A_510, %dma_wait3A_511] : memref<8x128xi32, #tpu.memory_space<vmem>> -> memref<1x128xi32, #tpu.memory_space<vmem>>
        %dma_wait3A_513 = tpu.memref_squeeze %dma_wait3A_512 : memref<1x128xi32, #tpu.memory_space<vmem>> -> memref<128xi32, #tpu.memory_space<vmem>>
        %dma_wait3A_514 = arith.constant 0 : i32
        %dma_wait3A_515 = arith.constant 0 : i32
        %dma_wait3A_516 = tpu.memref_slice %arg7[%dma_wait3A_514, %dma_wait3A_515] : memref<10112x128xf32, #tpu.memory_space<vmem_shared>> -> memref<10112x128xf32, #tpu.memory_space<vmem_shared>>
        tpu.wait_indirect_dma semaphore(%arg21 : memref<!tpu.dma_semaphore, #tpu.memory_space<semaphore_mem>>) src(%arg13 : memref<128x128xf32, #tpu.memory_space<vmem>>) dst(%dma_wait3A_516 : memref<10112x128xf32, #tpu.memory_space<vmem_shared>>)
        %dma_start3A_517 = arith.constant 1 : i32
        %dma_start3A_518 = arith.constant 0 : i32
        %dma_start3A_519 = tpu.memref_slice %arg9[%dma_start3A_517, %dma_start3A_518] : memref<8x128xi32, #tpu.memory_space<vmem>> -> memref<1x128xi32, #tpu.memory_space<vmem>>
        %dma_start3A_520 = tpu.memref_squeeze %dma_start3A_519 : memref<1x128xi32, #tpu.memory_space<vmem>> -> memref<128xi32, #tpu.memory_space<vmem>>
        %dma_start3A_521 = arith.constant 0 : i32
        %dma_start3A_522 = arith.constant 0 : i32
        %dma_start3A_523 = tpu.memref_slice %arg2[%dma_start3A_521, %dma_start3A_522] : memref<10000x128xf32, #tpu.memory_space<hbm>> -> memref<10000x128xf32, #tpu.memory_space<hbm>>
        tpu.enqueue_indirect_dma source(%dma_start3A_523 : memref<10000x128xf32, #tpu.memory_space<hbm>>) target(%arg13 : memref<128x128xf32, #tpu.memory_space<vmem>>) offsets(%dma_start3A_520 : memref<128xi32, #tpu.memory_space<vmem>>) semaphore(%arg19 : memref<!tpu.dma_semaphore, #tpu.memory_space<semaphore_mem>>)
      } else {
      }
      %lt3A_285 = arith.constant 8 : i32
      %lt3A_286 = arith.cmpi slt, %add3A_76, %lt3A_285 : i32
      %convert_element_type3A_287 = arith.extui %lt3A_286 : i1 to i32
      %cond3A_288 = arith.constant 0 : i32
      %cond3A_289 = arith.cmpi ne, %convert_element_type3A_287, %cond3A_288 : i32
      scf.if %cond3A_289 {
        %add3A_510 = arith.constant 2 : i32
        %add3A_511 = arith.addi %add3A_76, %add3A_510 : i32
        %mul3A_512 = arith.constant 8 : i32
        %mul3A_513 = arith.muli %add3A_511, %mul3A_512 : i32
        %add3A_514 = arith.addi %mul3A_2, %mul3A_513 : i32
        %dma_start3A_515 = arith.constant 0 : i32
        %dma_start3A_516 = tpu.memref_slice %arg3[%add3A_514, %dma_start3A_515] : memref<2560x128xi32, #tpu.memory_space<hbm>> -> memref<8x128xi32, #tpu.memory_space<hbm>>
        %dma_start3A_517 = arith.constant 0 : i32
        %dma_start3A_518 = tpu.memref_slice %arg3[%add3A_514, %dma_start3A_517] : memref<2560x128xi32, #tpu.memory_space<hbm>> -> memref<8x128xi32, #tpu.memory_space<hbm>>
        tpu.enqueue_dma source(%dma_start3A_518 : memref<8x128xi32, #tpu.memory_space<hbm>>) target(%arg8 : memref<8x128xi32, #tpu.memory_space<vmem>>) target_semaphore(%arg14 : memref<!tpu.dma_semaphore, #tpu.memory_space<semaphore_mem>>)
        %dma_start3A_519 = arith.constant 0 : i32
        %dma_start3A_520 = tpu.memref_slice %arg4[%add3A_514, %dma_start3A_519] : memref<2560x128xi32, #tpu.memory_space<hbm>> -> memref<8x128xi32, #tpu.memory_space<hbm>>
        %dma_start3A_521 = arith.constant 0 : i32
        %dma_start3A_522 = tpu.memref_slice %arg4[%add3A_514, %dma_start3A_521] : memref<2560x128xi32, #tpu.memory_space<hbm>> -> memref<8x128xi32, #tpu.memory_space<hbm>>
        tpu.enqueue_dma source(%dma_start3A_522 : memref<8x128xi32, #tpu.memory_space<hbm>>) target(%arg10 : memref<8x128xi32, #tpu.memory_space<vmem>>) target_semaphore(%arg16 : memref<!tpu.dma_semaphore, #tpu.memory_space<semaphore_mem>>)
      } else {
      }
      %mul3A_290 = arith.constant 2 : i32
      %mul3A_291 = arith.muli %scan3A_72, %mul3A_290 : i32
      %add3A_292 = arith.constant 1 : i32
      %add3A_293 = arith.addi %mul3A_291, %add3A_292 : i32
      %dma_wait3A_294 = arith.constant 0 : i32
      %dma_wait3A_295 = arith.constant 0 : i32
      %dma_wait3A_296 = tpu.memref_slice %arg9[%dma_wait3A_294, %dma_wait3A_295] : memref<8x128xi32, #tpu.memory_space<vmem>> -> memref<1x128xi32, #tpu.memory_space<vmem>>
      %dma_wait3A_297 = tpu.memref_squeeze %dma_wait3A_296 : memref<1x128xi32, #tpu.memory_space<vmem>> -> memref<128xi32, #tpu.memory_space<vmem>>
      %dma_wait3A_298 = arith.constant 0 : i32
      %dma_wait3A_299 = arith.constant 0 : i32
      %dma_wait3A_300 = tpu.memref_slice %arg2[%dma_wait3A_298, %dma_wait3A_299] : memref<10000x128xf32, #tpu.memory_space<hbm>> -> memref<10000x128xf32, #tpu.memory_space<hbm>>
      tpu.wait_indirect_dma semaphore(%arg18 : memref<!tpu.dma_semaphore, #tpu.memory_space<semaphore_mem>>) src(%dma_wait3A_300 : memref<10000x128xf32, #tpu.memory_space<hbm>>) dst(%arg12 : memref<128x128xf32, #tpu.memory_space<vmem>>)
      %dma_start3A_301 = arith.constant 0 : i32
      %dma_start3A_302 = arith.constant 0 : i32
      %dma_start3A_303 = tpu.memref_slice %arg11[%dma_start3A_301, %dma_start3A_302] : memref<8x128xi32, #tpu.memory_space<vmem>> -> memref<1x128xi32, #tpu.memory_space<vmem>>
      %dma_start3A_304 = tpu.memref_squeeze %dma_start3A_303 : memref<1x128xi32, #tpu.memory_space<vmem>> -> memref<128xi32, #tpu.memory_space<vmem>>
      %dma_start3A_305 = arith.constant 0 : i32
      %dma_start3A_306 = arith.constant 0 : i32
      %dma_start3A_307 = tpu.memref_slice %arg7[%dma_start3A_305, %dma_start3A_306] : memref<10112x128xf32, #tpu.memory_space<vmem_shared>> -> memref<10112x128xf32, #tpu.memory_space<vmem_shared>>
      tpu.enqueue_indirect_dma source(%arg12 : memref<128x128xf32, #tpu.memory_space<vmem>>) target(%dma_start3A_307 : memref<10112x128xf32, #tpu.memory_space<vmem_shared>>) offsets(%dma_start3A_304 : memref<128xi32, #tpu.memory_space<vmem>>) semaphore(%arg20 : memref<!tpu.dma_semaphore, #tpu.memory_space<semaphore_mem>>) {add = true}
      %dma_wait3A_308 = arith.constant 0 : i32
      %dma_wait3A_309 = arith.constant 0 : i32
      %dma_wait3A_310 = tpu.memref_slice %arg11[%dma_wait3A_308, %dma_wait3A_309] : memref<8x128xi32, #tpu.memory_space<vmem>> -> memref<1x128xi32, #tpu.memory_space<vmem>>
      %dma_wait3A_311 = tpu.memref_squeeze %dma_wait3A_310 : memref<1x128xi32, #tpu.memory_space<vmem>> -> memref<128xi32, #tpu.memory_space<vmem>>
      %dma_wait3A_312 = arith.constant 0 : i32
      %dma_wait3A_313 = arith.constant 0 : i32
      %dma_wait3A_314 = tpu.memref_slice %arg7[%dma_wait3A_312, %dma_wait3A_313] : memref<10112x128xf32, #tpu.memory_space<vmem_shared>> -> memref<10112x128xf32, #tpu.memory_space<vmem_shared>>
      tpu.wait_indirect_dma semaphore(%arg20 : memref<!tpu.dma_semaphore, #tpu.memory_space<semaphore_mem>>) src(%arg12 : memref<128x128xf32, #tpu.memory_space<vmem>>) dst(%dma_wait3A_314 : memref<10112x128xf32, #tpu.memory_space<vmem_shared>>)
      %dma_start3A_315 = arith.constant 2 : i32
      %dma_start3A_316 = arith.constant 0 : i32
      %dma_start3A_317 = tpu.memref_slice %arg9[%dma_start3A_315, %dma_start3A_316] : memref<8x128xi32, #tpu.memory_space<vmem>> -> memref<1x128xi32, #tpu.memory_space<vmem>>
      %dma_start3A_318 = tpu.memref_squeeze %dma_start3A_317 : memref<1x128xi32, #tpu.memory_space<vmem>> -> memref<128xi32, #tpu.memory_space<vmem>>
      %dma_start3A_319 = arith.constant 0 : i32
      %dma_start3A_320 = arith.constant 0 : i32
      %dma_start3A_321 = tpu.memref_slice %arg2[%dma_start3A_319, %dma_start3A_320] : memref<10000x128xf32, #tpu.memory_space<hbm>> -> memref<10000x128xf32, #tpu.memory_space<hbm>>
      tpu.enqueue_indirect_dma source(%dma_start3A_321 : memref<10000x128xf32, #tpu.memory_space<hbm>>) target(%arg12 : memref<128x128xf32, #tpu.memory_space<vmem>>) offsets(%dma_start3A_318 : memref<128xi32, #tpu.memory_space<vmem>>) semaphore(%arg18 : memref<!tpu.dma_semaphore, #tpu.memory_space<semaphore_mem>>)
      %dma_wait3A_322 = arith.constant 1 : i32
      %dma_wait3A_323 = arith.constant 0 : i32
      %dma_wait3A_324 = tpu.memref_slice %arg9[%dma_wait3A_322, %dma_wait3A_323] : memref<8x128xi32, #tpu.memory_space<vmem>> -> memref<1x128xi32, #tpu.memory_space<vmem>>
      %dma_wait3A_325 = tpu.memref_squeeze %dma_wait3A_324 : memref<1x128xi32, #tpu.memory_space<vmem>> -> memref<128xi32, #tpu.memory_space<vmem>>
      %dma_wait3A_326 = arith.constant 0 : i32
      %dma_wait3A_327 = arith.constant 0 : i32
      %dma_wait3A_328 = tpu.memref_slice %arg2[%dma_wait3A_326, %dma_wait3A_327] : memref<10000x128xf32, #tpu.memory_space<hbm>> -> memref<10000x128xf32, #tpu.memory_space<hbm>>
      tpu.wait_indirect_dma semaphore(%arg19 : memref<!tpu.dma_semaphore, #tpu.memory_space<semaphore_mem>>) src(%dma_wait3A_328 : memref<10000x128xf32, #tpu.memory_space<hbm>>) dst(%arg13 : memref<128x128xf32, #tpu.memory_space<vmem>>)
      %dma_start3A_329 = arith.constant 1 : i32
      %dma_start3A_330 = arith.constant 0 : i32
      %dma_start3A_331 = tpu.memref_slice %arg11[%dma_start3A_329, %dma_start3A_330] : memref<8x128xi32, #tpu.memory_space<vmem>> -> memref<1x128xi32, #tpu.memory_space<vmem>>
      %dma_start3A_332 = tpu.memref_squeeze %dma_start3A_331 : memref<1x128xi32, #tpu.memory_space<vmem>> -> memref<128xi32, #tpu.memory_space<vmem>>
      %dma_start3A_333 = arith.constant 0 : i32
      %dma_start3A_334 = arith.constant 0 : i32
      %dma_start3A_335 = tpu.memref_slice %arg7[%dma_start3A_333, %dma_start3A_334] : memref<10112x128xf32, #tpu.memory_space<vmem_shared>> -> memref<10112x128xf32, #tpu.memory_space<vmem_shared>>
      tpu.enqueue_indirect_dma source(%arg13 : memref<128x128xf32, #tpu.memory_space<vmem>>) target(%dma_start3A_335 : memref<10112x128xf32, #tpu.memory_space<vmem_shared>>) offsets(%dma_start3A_332 : memref<128xi32, #tpu.memory_space<vmem>>) semaphore(%arg21 : memref<!tpu.dma_semaphore, #tpu.memory_space<semaphore_mem>>) {add = true}
      %dma_wait3A_336 = arith.constant 1 : i32
      %dma_wait3A_337 = arith.constant 0 : i32
      %dma_wait3A_338 = tpu.memref_slice %arg11[%dma_wait3A_336, %dma_wait3A_337] : memref<8x128xi32, #tpu.memory_space<vmem>> -> memref<1x128xi32, #tpu.memory_space<vmem>>
      %dma_wait3A_339 = tpu.memref_squeeze %dma_wait3A_338 : memref<1x128xi32, #tpu.memory_space<vmem>> -> memref<128xi32, #tpu.memory_space<vmem>>
      %dma_wait3A_340 = arith.constant 0 : i32
      %dma_wait3A_341 = arith.constant 0 : i32
      %dma_wait3A_342 = tpu.memref_slice %arg7[%dma_wait3A_340, %dma_wait3A_341] : memref<10112x128xf32, #tpu.memory_space<vmem_shared>> -> memref<10112x128xf32, #tpu.memory_space<vmem_shared>>
      tpu.wait_indirect_dma semaphore(%arg21 : memref<!tpu.dma_semaphore, #tpu.memory_space<semaphore_mem>>) src(%arg13 : memref<128x128xf32, #tpu.memory_space<vmem>>) dst(%dma_wait3A_342 : memref<10112x128xf32, #tpu.memory_space<vmem_shared>>)
      %dma_start3A_343 = arith.constant 3 : i32
      %dma_start3A_344 = arith.constant 0 : i32
      %dma_start3A_345 = tpu.memref_slice %arg9[%dma_start3A_343, %dma_start3A_344] : memref<8x128xi32, #tpu.memory_space<vmem>> -> memref<1x128xi32, #tpu.memory_space<vmem>>
      %dma_start3A_346 = tpu.memref_squeeze %dma_start3A_345 : memref<1x128xi32, #tpu.memory_space<vmem>> -> memref<128xi32, #tpu.memory_space<vmem>>
      %dma_start3A_347 = arith.constant 0 : i32
      %dma_start3A_348 = arith.constant 0 : i32
      %dma_start3A_349 = tpu.memref_slice %arg2[%dma_start3A_347, %dma_start3A_348] : memref<10000x128xf32, #tpu.memory_space<hbm>> -> memref<10000x128xf32, #tpu.memory_space<hbm>>
      tpu.enqueue_indirect_dma source(%dma_start3A_349 : memref<10000x128xf32, #tpu.memory_space<hbm>>) target(%arg13 : memref<128x128xf32, #tpu.memory_space<vmem>>) offsets(%dma_start3A_346 : memref<128xi32, #tpu.memory_space<vmem>>) semaphore(%arg19 : memref<!tpu.dma_semaphore, #tpu.memory_space<semaphore_mem>>)
      %dma_wait3A_350 = arith.constant 2 : i32
      %dma_wait3A_351 = arith.constant 0 : i32
      %dma_wait3A_352 = tpu.memref_slice %arg9[%dma_wait3A_350, %dma_wait3A_351] : memref<8x128xi32, #tpu.memory_space<vmem>> -> memref<1x128xi32, #tpu.memory_space<vmem>>
      %dma_wait3A_353 = tpu.memref_squeeze %dma_wait3A_352 : memref<1x128xi32, #tpu.memory_space<vmem>> -> memref<128xi32, #tpu.memory_space<vmem>>
      %dma_wait3A_354 = arith.constant 0 : i32
      %dma_wait3A_355 = arith.constant 0 : i32
      %dma_wait3A_356 = tpu.memref_slice %arg2[%dma_wait3A_354, %dma_wait3A_355] : memref<10000x128xf32, #tpu.memory_space<hbm>> -> memref<10000x128xf32, #tpu.memory_space<hbm>>
      tpu.wait_indirect_dma semaphore(%arg18 : memref<!tpu.dma_semaphore, #tpu.memory_space<semaphore_mem>>) src(%dma_wait3A_356 : memref<10000x128xf32, #tpu.memory_space<hbm>>) dst(%arg12 : memref<128x128xf32, #tpu.memory_space<vmem>>)
      %dma_start3A_357 = arith.constant 2 : i32
      %dma_start3A_358 = arith.constant 0 : i32
      %dma_start3A_359 = tpu.memref_slice %arg11[%dma_start3A_357, %dma_start3A_358] : memref<8x128xi32, #tpu.memory_space<vmem>> -> memref<1x128xi32, #tpu.memory_space<vmem>>
      %dma_start3A_360 = tpu.memref_squeeze %dma_start3A_359 : memref<1x128xi32, #tpu.memory_space<vmem>> -> memref<128xi32, #tpu.memory_space<vmem>>
      %dma_start3A_361 = arith.constant 0 : i32
      %dma_start3A_362 = arith.constant 0 : i32
      %dma_start3A_363 = tpu.memref_slice %arg7[%dma_start3A_361, %dma_start3A_362] : memref<10112x128xf32, #tpu.memory_space<vmem_shared>> -> memref<10112x128xf32, #tpu.memory_space<vmem_shared>>
      tpu.enqueue_indirect_dma source(%arg12 : memref<128x128xf32, #tpu.memory_space<vmem>>) target(%dma_start3A_363 : memref<10112x128xf32, #tpu.memory_space<vmem_shared>>) offsets(%dma_start3A_360 : memref<128xi32, #tpu.memory_space<vmem>>) semaphore(%arg20 : memref<!tpu.dma_semaphore, #tpu.memory_space<semaphore_mem>>) {add = true}
      %dma_wait3A_364 = arith.constant 2 : i32
      %dma_wait3A_365 = arith.constant 0 : i32
      %dma_wait3A_366 = tpu.memref_slice %arg11[%dma_wait3A_364, %dma_wait3A_365] : memref<8x128xi32, #tpu.memory_space<vmem>> -> memref<1x128xi32, #tpu.memory_space<vmem>>
      %dma_wait3A_367 = tpu.memref_squeeze %dma_wait3A_366 : memref<1x128xi32, #tpu.memory_space<vmem>> -> memref<128xi32, #tpu.memory_space<vmem>>
      %dma_wait3A_368 = arith.constant 0 : i32
      %dma_wait3A_369 = arith.constant 0 : i32
      %dma_wait3A_370 = tpu.memref_slice %arg7[%dma_wait3A_368, %dma_wait3A_369] : memref<10112x128xf32, #tpu.memory_space<vmem_shared>> -> memref<10112x128xf32, #tpu.memory_space<vmem_shared>>
      tpu.wait_indirect_dma semaphore(%arg20 : memref<!tpu.dma_semaphore, #tpu.memory_space<semaphore_mem>>) src(%arg12 : memref<128x128xf32, #tpu.memory_space<vmem>>) dst(%dma_wait3A_370 : memref<10112x128xf32, #tpu.memory_space<vmem_shared>>)
      %dma_start3A_371 = arith.constant 4 : i32
      %dma_start3A_372 = arith.constant 0 : i32
      %dma_start3A_373 = tpu.memref_slice %arg9[%dma_start3A_371, %dma_start3A_372] : memref<8x128xi32, #tpu.memory_space<vmem>> -> memref<1x128xi32, #tpu.memory_space<vmem>>
      %dma_start3A_374 = tpu.memref_squeeze %dma_start3A_373 : memref<1x128xi32, #tpu.memory_space<vmem>> -> memref<128xi32, #tpu.memory_space<vmem>>
      %dma_start3A_375 = arith.constant 0 : i32
      %dma_start3A_376 = arith.constant 0 : i32
      %dma_start3A_377 = tpu.memref_slice %arg2[%dma_start3A_375, %dma_start3A_376] : memref<10000x128xf32, #tpu.memory_space<hbm>> -> memref<10000x128xf32, #tpu.memory_space<hbm>>
      tpu.enqueue_indirect_dma source(%dma_start3A_377 : memref<10000x128xf32, #tpu.memory_space<hbm>>) target(%arg12 : memref<128x128xf32, #tpu.memory_space<vmem>>) offsets(%dma_start3A_374 : memref<128xi32, #tpu.memory_space<vmem>>) semaphore(%arg18 : memref<!tpu.dma_semaphore, #tpu.memory_space<semaphore_mem>>)
      %dma_wait3A_378 = arith.constant 3 : i32
      %dma_wait3A_379 = arith.constant 0 : i32
      %dma_wait3A_380 = tpu.memref_slice %arg9[%dma_wait3A_378, %dma_wait3A_379] : memref<8x128xi32, #tpu.memory_space<vmem>> -> memref<1x128xi32, #tpu.memory_space<vmem>>
      %dma_wait3A_381 = tpu.memref_squeeze %dma_wait3A_380 : memref<1x128xi32, #tpu.memory_space<vmem>> -> memref<128xi32, #tpu.memory_space<vmem>>
      %dma_wait3A_382 = arith.constant 0 : i32
      %dma_wait3A_383 = arith.constant 0 : i32
      %dma_wait3A_384 = tpu.memref_slice %arg2[%dma_wait3A_382, %dma_wait3A_383] : memref<10000x128xf32, #tpu.memory_space<hbm>> -> memref<10000x128xf32, #tpu.memory_space<hbm>>
      tpu.wait_indirect_dma semaphore(%arg19 : memref<!tpu.dma_semaphore, #tpu.memory_space<semaphore_mem>>) src(%dma_wait3A_384 : memref<10000x128xf32, #tpu.memory_space<hbm>>) dst(%arg13 : memref<128x128xf32, #tpu.memory_space<vmem>>)
      %dma_start3A_385 = arith.constant 3 : i32
      %dma_start3A_386 = arith.constant 0 : i32
      %dma_start3A_387 = tpu.memref_slice %arg11[%dma_start3A_385, %dma_start3A_386] : memref<8x128xi32, #tpu.memory_space<vmem>> -> memref<1x128xi32, #tpu.memory_space<vmem>>
      %dma_start3A_388 = tpu.memref_squeeze %dma_start3A_387 : memref<1x128xi32, #tpu.memory_space<vmem>> -> memref<128xi32, #tpu.memory_space<vmem>>
      %dma_start3A_389 = arith.constant 0 : i32
      %dma_start3A_390 = arith.constant 0 : i32
      %dma_start3A_391 = tpu.memref_slice %arg7[%dma_start3A_389, %dma_start3A_390] : memref<10112x128xf32, #tpu.memory_space<vmem_shared>> -> memref<10112x128xf32, #tpu.memory_space<vmem_shared>>
      tpu.enqueue_indirect_dma source(%arg13 : memref<128x128xf32, #tpu.memory_space<vmem>>) target(%dma_start3A_391 : memref<10112x128xf32, #tpu.memory_space<vmem_shared>>) offsets(%dma_start3A_388 : memref<128xi32, #tpu.memory_space<vmem>>) semaphore(%arg21 : memref<!tpu.dma_semaphore, #tpu.memory_space<semaphore_mem>>) {add = true}
      %dma_wait3A_392 = arith.constant 3 : i32
      %dma_wait3A_393 = arith.constant 0 : i32
      %dma_wait3A_394 = tpu.memref_slice %arg11[%dma_wait3A_392, %dma_wait3A_393] : memref<8x128xi32, #tpu.memory_space<vmem>> -> memref<1x128xi32, #tpu.memory_space<vmem>>
      %dma_wait3A_395 = tpu.memref_squeeze %dma_wait3A_394 : memref<1x128xi32, #tpu.memory_space<vmem>> -> memref<128xi32, #tpu.memory_space<vmem>>
      %dma_wait3A_396 = arith.constant 0 : i32
      %dma_wait3A_397 = arith.constant 0 : i32
      %dma_wait3A_398 = tpu.memref_slice %arg7[%dma_wait3A_396, %dma_wait3A_397] : memref<10112x128xf32, #tpu.memory_space<vmem_shared>> -> memref<10112x128xf32, #tpu.memory_space<vmem_shared>>
      tpu.wait_indirect_dma semaphore(%arg21 : memref<!tpu.dma_semaphore, #tpu.memory_space<semaphore_mem>>) src(%arg13 : memref<128x128xf32, #tpu.memory_space<vmem>>) dst(%dma_wait3A_398 : memref<10112x128xf32, #tpu.memory_space<vmem_shared>>)
      %dma_start3A_399 = arith.constant 5 : i32
      %dma_start3A_400 = arith.constant 0 : i32
      %dma_start3A_401 = tpu.memref_slice %arg9[%dma_start3A_399, %dma_start3A_400] : memref<8x128xi32, #tpu.memory_space<vmem>> -> memref<1x128xi32, #tpu.memory_space<vmem>>
      %dma_start3A_402 = tpu.memref_squeeze %dma_start3A_401 : memref<1x128xi32, #tpu.memory_space<vmem>> -> memref<128xi32, #tpu.memory_space<vmem>>
      %dma_start3A_403 = arith.constant 0 : i32
      %dma_start3A_404 = arith.constant 0 : i32
      %dma_start3A_405 = tpu.memref_slice %arg2[%dma_start3A_403, %dma_start3A_404] : memref<10000x128xf32, #tpu.memory_space<hbm>> -> memref<10000x128xf32, #tpu.memory_space<hbm>>
      tpu.enqueue_indirect_dma source(%dma_start3A_405 : memref<10000x128xf32, #tpu.memory_space<hbm>>) target(%arg13 : memref<128x128xf32, #tpu.memory_space<vmem>>) offsets(%dma_start3A_402 : memref<128xi32, #tpu.memory_space<vmem>>) semaphore(%arg19 : memref<!tpu.dma_semaphore, #tpu.memory_space<semaphore_mem>>)
      %dma_wait3A_406 = arith.constant 4 : i32
      %dma_wait3A_407 = arith.constant 0 : i32
      %dma_wait3A_408 = tpu.memref_slice %arg9[%dma_wait3A_406, %dma_wait3A_407] : memref<8x128xi32, #tpu.memory_space<vmem>> -> memref<1x128xi32, #tpu.memory_space<vmem>>
      %dma_wait3A_409 = tpu.memref_squeeze %dma_wait3A_408 : memref<1x128xi32, #tpu.memory_space<vmem>> -> memref<128xi32, #tpu.memory_space<vmem>>
      %dma_wait3A_410 = arith.constant 0 : i32
      %dma_wait3A_411 = arith.constant 0 : i32
      %dma_wait3A_412 = tpu.memref_slice %arg2[%dma_wait3A_410, %dma_wait3A_411] : memref<10000x128xf32, #tpu.memory_space<hbm>> -> memref<10000x128xf32, #tpu.memory_space<hbm>>
      tpu.wait_indirect_dma semaphore(%arg18 : memref<!tpu.dma_semaphore, #tpu.memory_space<semaphore_mem>>) src(%dma_wait3A_412 : memref<10000x128xf32, #tpu.memory_space<hbm>>) dst(%arg12 : memref<128x128xf32, #tpu.memory_space<vmem>>)
      %dma_start3A_413 = arith.constant 4 : i32
      %dma_start3A_414 = arith.constant 0 : i32
      %dma_start3A_415 = tpu.memref_slice %arg11[%dma_start3A_413, %dma_start3A_414] : memref<8x128xi32, #tpu.memory_space<vmem>> -> memref<1x128xi32, #tpu.memory_space<vmem>>
      %dma_start3A_416 = tpu.memref_squeeze %dma_start3A_415 : memref<1x128xi32, #tpu.memory_space<vmem>> -> memref<128xi32, #tpu.memory_space<vmem>>
      %dma_start3A_417 = arith.constant 0 : i32
      %dma_start3A_418 = arith.constant 0 : i32
      %dma_start3A_419 = tpu.memref_slice %arg7[%dma_start3A_417, %dma_start3A_418] : memref<10112x128xf32, #tpu.memory_space<vmem_shared>> -> memref<10112x128xf32, #tpu.memory_space<vmem_shared>>
      tpu.enqueue_indirect_dma source(%arg12 : memref<128x128xf32, #tpu.memory_space<vmem>>) target(%dma_start3A_419 : memref<10112x128xf32, #tpu.memory_space<vmem_shared>>) offsets(%dma_start3A_416 : memref<128xi32, #tpu.memory_space<vmem>>) semaphore(%arg20 : memref<!tpu.dma_semaphore, #tpu.memory_space<semaphore_mem>>) {add = true}
      %dma_wait3A_420 = arith.constant 4 : i32
      %dma_wait3A_421 = arith.constant 0 : i32
      %dma_wait3A_422 = tpu.memref_slice %arg11[%dma_wait3A_420, %dma_wait3A_421] : memref<8x128xi32, #tpu.memory_space<vmem>> -> memref<1x128xi32, #tpu.memory_space<vmem>>
      %dma_wait3A_423 = tpu.memref_squeeze %dma_wait3A_422 : memref<1x128xi32, #tpu.memory_space<vmem>> -> memref<128xi32, #tpu.memory_space<vmem>>
      %dma_wait3A_424 = arith.constant 0 : i32
      %dma_wait3A_425 = arith.constant 0 : i32
      %dma_wait3A_426 = tpu.memref_slice %arg7[%dma_wait3A_424, %dma_wait3A_425] : memref<10112x128xf32, #tpu.memory_space<vmem_shared>> -> memref<10112x128xf32, #tpu.memory_space<vmem_shared>>
      tpu.wait_indirect_dma semaphore(%arg20 : memref<!tpu.dma_semaphore, #tpu.memory_space<semaphore_mem>>) src(%arg12 : memref<128x128xf32, #tpu.memory_space<vmem>>) dst(%dma_wait3A_426 : memref<10112x128xf32, #tpu.memory_space<vmem_shared>>)
      %dma_start3A_427 = arith.constant 6 : i32
      %dma_start3A_428 = arith.constant 0 : i32
      %dma_start3A_429 = tpu.memref_slice %arg9[%dma_start3A_427, %dma_start3A_428] : memref<8x128xi32, #tpu.memory_space<vmem>> -> memref<1x128xi32, #tpu.memory_space<vmem>>
      %dma_start3A_430 = tpu.memref_squeeze %dma_start3A_429 : memref<1x128xi32, #tpu.memory_space<vmem>> -> memref<128xi32, #tpu.memory_space<vmem>>
      %dma_start3A_431 = arith.constant 0 : i32
      %dma_start3A_432 = arith.constant 0 : i32
      %dma_start3A_433 = tpu.memref_slice %arg2[%dma_start3A_431, %dma_start3A_432] : memref<10000x128xf32, #tpu.memory_space<hbm>> -> memref<10000x128xf32, #tpu.memory_space<hbm>>
      tpu.enqueue_indirect_dma source(%dma_start3A_433 : memref<10000x128xf32, #tpu.memory_space<hbm>>) target(%arg12 : memref<128x128xf32, #tpu.memory_space<vmem>>) offsets(%dma_start3A_430 : memref<128xi32, #tpu.memory_space<vmem>>) semaphore(%arg18 : memref<!tpu.dma_semaphore, #tpu.memory_space<semaphore_mem>>)
      %dma_wait3A_434 = arith.constant 5 : i32
      %dma_wait3A_435 = arith.constant 0 : i32
      %dma_wait3A_436 = tpu.memref_slice %arg9[%dma_wait3A_434, %dma_wait3A_435] : memref<8x128xi32, #tpu.memory_space<vmem>> -> memref<1x128xi32, #tpu.memory_space<vmem>>
      %dma_wait3A_437 = tpu.memref_squeeze %dma_wait3A_436 : memref<1x128xi32, #tpu.memory_space<vmem>> -> memref<128xi32, #tpu.memory_space<vmem>>
      %dma_wait3A_438 = arith.constant 0 : i32
      %dma_wait3A_439 = arith.constant 0 : i32
      %dma_wait3A_440 = tpu.memref_slice %arg2[%dma_wait3A_438, %dma_wait3A_439] : memref<10000x128xf32, #tpu.memory_space<hbm>> -> memref<10000x128xf32, #tpu.memory_space<hbm>>
      tpu.wait_indirect_dma semaphore(%arg19 : memref<!tpu.dma_semaphore, #tpu.memory_space<semaphore_mem>>) src(%dma_wait3A_440 : memref<10000x128xf32, #tpu.memory_space<hbm>>) dst(%arg13 : memref<128x128xf32, #tpu.memory_space<vmem>>)
      %dma_start3A_441 = arith.constant 5 : i32
      %dma_start3A_442 = arith.constant 0 : i32
      %dma_start3A_443 = tpu.memref_slice %arg11[%dma_start3A_441, %dma_start3A_442] : memref<8x128xi32, #tpu.memory_space<vmem>> -> memref<1x128xi32, #tpu.memory_space<vmem>>
      %dma_start3A_444 = tpu.memref_squeeze %dma_start3A_443 : memref<1x128xi32, #tpu.memory_space<vmem>> -> memref<128xi32, #tpu.memory_space<vmem>>
      %dma_start3A_445 = arith.constant 0 : i32
      %dma_start3A_446 = arith.constant 0 : i32
      %dma_start3A_447 = tpu.memref_slice %arg7[%dma_start3A_445, %dma_start3A_446] : memref<10112x128xf32, #tpu.memory_space<vmem_shared>> -> memref<10112x128xf32, #tpu.memory_space<vmem_shared>>
      tpu.enqueue_indirect_dma source(%arg13 : memref<128x128xf32, #tpu.memory_space<vmem>>) target(%dma_start3A_447 : memref<10112x128xf32, #tpu.memory_space<vmem_shared>>) offsets(%dma_start3A_444 : memref<128xi32, #tpu.memory_space<vmem>>) semaphore(%arg21 : memref<!tpu.dma_semaphore, #tpu.memory_space<semaphore_mem>>) {add = true}
      %dma_wait3A_448 = arith.constant 5 : i32
      %dma_wait3A_449 = arith.constant 0 : i32
      %dma_wait3A_450 = tpu.memref_slice %arg11[%dma_wait3A_448, %dma_wait3A_449] : memref<8x128xi32, #tpu.memory_space<vmem>> -> memref<1x128xi32, #tpu.memory_space<vmem>>
      %dma_wait3A_451 = tpu.memref_squeeze %dma_wait3A_450 : memref<1x128xi32, #tpu.memory_space<vmem>> -> memref<128xi32, #tpu.memory_space<vmem>>
      %dma_wait3A_452 = arith.constant 0 : i32
      %dma_wait3A_453 = arith.constant 0 : i32
      %dma_wait3A_454 = tpu.memref_slice %arg7[%dma_wait3A_452, %dma_wait3A_453] : memref<10112x128xf32, #tpu.memory_space<vmem_shared>> -> memref<10112x128xf32, #tpu.memory_space<vmem_shared>>
      tpu.wait_indirect_dma semaphore(%arg21 : memref<!tpu.dma_semaphore, #tpu.memory_space<semaphore_mem>>) src(%arg13 : memref<128x128xf32, #tpu.memory_space<vmem>>) dst(%dma_wait3A_454 : memref<10112x128xf32, #tpu.memory_space<vmem_shared>>)
      %dma_start3A_455 = arith.constant 7 : i32
      %dma_start3A_456 = arith.constant 0 : i32
      %dma_start3A_457 = tpu.memref_slice %arg9[%dma_start3A_455, %dma_start3A_456] : memref<8x128xi32, #tpu.memory_space<vmem>> -> memref<1x128xi32, #tpu.memory_space<vmem>>
      %dma_start3A_458 = tpu.memref_squeeze %dma_start3A_457 : memref<1x128xi32, #tpu.memory_space<vmem>> -> memref<128xi32, #tpu.memory_space<vmem>>
      %dma_start3A_459 = arith.constant 0 : i32
      %dma_start3A_460 = arith.constant 0 : i32
      %dma_start3A_461 = tpu.memref_slice %arg2[%dma_start3A_459, %dma_start3A_460] : memref<10000x128xf32, #tpu.memory_space<hbm>> -> memref<10000x128xf32, #tpu.memory_space<hbm>>
      tpu.enqueue_indirect_dma source(%dma_start3A_461 : memref<10000x128xf32, #tpu.memory_space<hbm>>) target(%arg13 : memref<128x128xf32, #tpu.memory_space<vmem>>) offsets(%dma_start3A_458 : memref<128xi32, #tpu.memory_space<vmem>>) semaphore(%arg19 : memref<!tpu.dma_semaphore, #tpu.memory_space<semaphore_mem>>)
      %dma_wait3A_462 = arith.constant 6 : i32
      %dma_wait3A_463 = arith.constant 0 : i32
      %dma_wait3A_464 = tpu.memref_slice %arg9[%dma_wait3A_462, %dma_wait3A_463] : memref<8x128xi32, #tpu.memory_space<vmem>> -> memref<1x128xi32, #tpu.memory_space<vmem>>
      %dma_wait3A_465 = tpu.memref_squeeze %dma_wait3A_464 : memref<1x128xi32, #tpu.memory_space<vmem>> -> memref<128xi32, #tpu.memory_space<vmem>>
      %dma_wait3A_466 = arith.constant 0 : i32
      %dma_wait3A_467 = arith.constant 0 : i32
      %dma_wait3A_468 = tpu.memref_slice %arg2[%dma_wait3A_466, %dma_wait3A_467] : memref<10000x128xf32, #tpu.memory_space<hbm>> -> memref<10000x128xf32, #tpu.memory_space<hbm>>
      tpu.wait_indirect_dma semaphore(%arg18 : memref<!tpu.dma_semaphore, #tpu.memory_space<semaphore_mem>>) src(%dma_wait3A_468 : memref<10000x128xf32, #tpu.memory_space<hbm>>) dst(%arg12 : memref<128x128xf32, #tpu.memory_space<vmem>>)
      %dma_start3A_469 = arith.constant 6 : i32
      %dma_start3A_470 = arith.constant 0 : i32
      %dma_start3A_471 = tpu.memref_slice %arg11[%dma_start3A_469, %dma_start3A_470] : memref<8x128xi32, #tpu.memory_space<vmem>> -> memref<1x128xi32, #tpu.memory_space<vmem>>
      %dma_start3A_472 = tpu.memref_squeeze %dma_start3A_471 : memref<1x128xi32, #tpu.memory_space<vmem>> -> memref<128xi32, #tpu.memory_space<vmem>>
      %dma_start3A_473 = arith.constant 0 : i32
      %dma_start3A_474 = arith.constant 0 : i32
      %dma_start3A_475 = tpu.memref_slice %arg7[%dma_start3A_473, %dma_start3A_474] : memref<10112x128xf32, #tpu.memory_space<vmem_shared>> -> memref<10112x128xf32, #tpu.memory_space<vmem_shared>>
      tpu.enqueue_indirect_dma source(%arg12 : memref<128x128xf32, #tpu.memory_space<vmem>>) target(%dma_start3A_475 : memref<10112x128xf32, #tpu.memory_space<vmem_shared>>) offsets(%dma_start3A_472 : memref<128xi32, #tpu.memory_space<vmem>>) semaphore(%arg20 : memref<!tpu.dma_semaphore, #tpu.memory_space<semaphore_mem>>) {add = true}
      %lt3A_476 = arith.constant 9 : i32
      %lt3A_477 = arith.cmpi slt, %add3A_293, %lt3A_476 : i32
      %convert_element_type3A_478 = arith.extui %lt3A_477 : i1 to i32
      %cond3A_479 = arith.constant 0 : i32
      %cond3A_480 = arith.cmpi ne, %convert_element_type3A_478, %cond3A_479 : i32
      scf.if %cond3A_480 {
        %dma_wait3A_510 = arith.constant 0 : i32
        %dma_wait3A_511 = arith.constant 0 : i32
        %dma_wait3A_512 = tpu.memref_slice %arg3[%dma_wait3A_510, %dma_wait3A_511] : memref<2560x128xi32, #tpu.memory_space<hbm>> -> memref<8x128xi32, #tpu.memory_space<hbm>>
        %dma_wait3A_513 = arith.constant 0 : i32
        %dma_wait3A_514 = arith.constant 0 : i32
        %dma_wait3A_515 = tpu.memref_slice %arg3[%dma_wait3A_513, %dma_wait3A_514] : memref<2560x128xi32, #tpu.memory_space<hbm>> -> memref<8x128xi32, #tpu.memory_space<hbm>>
        tpu.wait_dma2 semaphore(%arg14 : memref<!tpu.dma_semaphore, #tpu.memory_space<semaphore_mem>>) src(%dma_wait3A_515 : memref<8x128xi32, #tpu.memory_space<hbm>>) dst(%arg8 : memref<8x128xi32, #tpu.memory_space<vmem>>)
        %dma_wait3A_516 = arith.constant 0 : i32
        %dma_wait3A_517 = arith.constant 0 : i32
        %dma_wait3A_518 = tpu.memref_slice %arg4[%dma_wait3A_516, %dma_wait3A_517] : memref<2560x128xi32, #tpu.memory_space<hbm>> -> memref<8x128xi32, #tpu.memory_space<hbm>>
        %dma_wait3A_519 = arith.constant 0 : i32
        %dma_wait3A_520 = arith.constant 0 : i32
        %dma_wait3A_521 = tpu.memref_slice %arg4[%dma_wait3A_519, %dma_wait3A_520] : memref<2560x128xi32, #tpu.memory_space<hbm>> -> memref<8x128xi32, #tpu.memory_space<hbm>>
        tpu.wait_dma2 semaphore(%arg16 : memref<!tpu.dma_semaphore, #tpu.memory_space<semaphore_mem>>) src(%dma_wait3A_521 : memref<8x128xi32, #tpu.memory_space<hbm>>) dst(%arg10 : memref<8x128xi32, #tpu.memory_space<vmem>>)
      } else {
      }
      %lt3A_481 = arith.constant 9 : i32
      %lt3A_482 = arith.cmpi slt, %add3A_293, %lt3A_481 : i32
      %convert_element_type3A_483 = arith.extui %lt3A_482 : i1 to i32
      %cond3A_484 = arith.constant 0 : i32
      %cond3A_485 = arith.cmpi ne, %convert_element_type3A_483, %cond3A_484 : i32
      scf.if %cond3A_485 {
        %dma_wait3A_510 = arith.constant 6 : i32
        %dma_wait3A_511 = arith.constant 0 : i32
        %dma_wait3A_512 = tpu.memref_slice %arg11[%dma_wait3A_510, %dma_wait3A_511] : memref<8x128xi32, #tpu.memory_space<vmem>> -> memref<1x128xi32, #tpu.memory_space<vmem>>
        %dma_wait3A_513 = tpu.memref_squeeze %dma_wait3A_512 : memref<1x128xi32, #tpu.memory_space<vmem>> -> memref<128xi32, #tpu.memory_space<vmem>>
        %dma_wait3A_514 = arith.constant 0 : i32
        %dma_wait3A_515 = arith.constant 0 : i32
        %dma_wait3A_516 = tpu.memref_slice %arg7[%dma_wait3A_514, %dma_wait3A_515] : memref<10112x128xf32, #tpu.memory_space<vmem_shared>> -> memref<10112x128xf32, #tpu.memory_space<vmem_shared>>
        tpu.wait_indirect_dma semaphore(%arg20 : memref<!tpu.dma_semaphore, #tpu.memory_space<semaphore_mem>>) src(%arg12 : memref<128x128xf32, #tpu.memory_space<vmem>>) dst(%dma_wait3A_516 : memref<10112x128xf32, #tpu.memory_space<vmem_shared>>)
        %dma_start3A_517 = arith.constant 0 : i32
        %dma_start3A_518 = arith.constant 0 : i32
        %dma_start3A_519 = tpu.memref_slice %arg8[%dma_start3A_517, %dma_start3A_518] : memref<8x128xi32, #tpu.memory_space<vmem>> -> memref<1x128xi32, #tpu.memory_space<vmem>>
        %dma_start3A_520 = tpu.memref_squeeze %dma_start3A_519 : memref<1x128xi32, #tpu.memory_space<vmem>> -> memref<128xi32, #tpu.memory_space<vmem>>
        %dma_start3A_521 = arith.constant 0 : i32
        %dma_start3A_522 = arith.constant 0 : i32
        %dma_start3A_523 = tpu.memref_slice %arg2[%dma_start3A_521, %dma_start3A_522] : memref<10000x128xf32, #tpu.memory_space<hbm>> -> memref<10000x128xf32, #tpu.memory_space<hbm>>
        tpu.enqueue_indirect_dma source(%dma_start3A_523 : memref<10000x128xf32, #tpu.memory_space<hbm>>) target(%arg12 : memref<128x128xf32, #tpu.memory_space<vmem>>) offsets(%dma_start3A_520 : memref<128xi32, #tpu.memory_space<vmem>>) semaphore(%arg18 : memref<!tpu.dma_semaphore, #tpu.memory_space<semaphore_mem>>)
      } else {
      }
      %dma_wait3A_486 = arith.constant 7 : i32
      %dma_wait3A_487 = arith.constant 0 : i32
      %dma_wait3A_488 = tpu.memref_slice %arg9[%dma_wait3A_486, %dma_wait3A_487] : memref<8x128xi32, #tpu.memory_space<vmem>> -> memref<1x128xi32, #tpu.memory_space<vmem>>
      %dma_wait3A_489 = tpu.memref_squeeze %dma_wait3A_488 : memref<1x128xi32, #tpu.memory_space<vmem>> -> memref<128xi32, #tpu.memory_space<vmem>>
      %dma_wait3A_490 = arith.constant 0 : i32
      %dma_wait3A_491 = arith.constant 0 : i32
      %dma_wait3A_492 = tpu.memref_slice %arg2[%dma_wait3A_490, %dma_wait3A_491] : memref<10000x128xf32, #tpu.memory_space<hbm>> -> memref<10000x128xf32, #tpu.memory_space<hbm>>
      tpu.wait_indirect_dma semaphore(%arg19 : memref<!tpu.dma_semaphore, #tpu.memory_space<semaphore_mem>>) src(%dma_wait3A_492 : memref<10000x128xf32, #tpu.memory_space<hbm>>) dst(%arg13 : memref<128x128xf32, #tpu.memory_space<vmem>>)
      %dma_start3A_493 = arith.constant 7 : i32
      %dma_start3A_494 = arith.constant 0 : i32
      %dma_start3A_495 = tpu.memref_slice %arg11[%dma_start3A_493, %dma_start3A_494] : memref<8x128xi32, #tpu.memory_space<vmem>> -> memref<1x128xi32, #tpu.memory_space<vmem>>
      %dma_start3A_496 = tpu.memref_squeeze %dma_start3A_495 : memref<1x128xi32, #tpu.memory_space<vmem>> -> memref<128xi32, #tpu.memory_space<vmem>>
      %dma_start3A_497 = arith.constant 0 : i32
      %dma_start3A_498 = arith.constant 0 : i32
      %dma_start3A_499 = tpu.memref_slice %arg7[%dma_start3A_497, %dma_start3A_498] : memref<10112x128xf32, #tpu.memory_space<vmem_shared>> -> memref<10112x128xf32, #tpu.memory_space<vmem_shared>>
      tpu.enqueue_indirect_dma source(%arg13 : memref<128x128xf32, #tpu.memory_space<vmem>>) target(%dma_start3A_499 : memref<10112x128xf32, #tpu.memory_space<vmem_shared>>) offsets(%dma_start3A_496 : memref<128xi32, #tpu.memory_space<vmem>>) semaphore(%arg21 : memref<!tpu.dma_semaphore, #tpu.memory_space<semaphore_mem>>) {add = true}
      %lt3A_500 = arith.constant 9 : i32
      %lt3A_501 = arith.cmpi slt, %add3A_293, %lt3A_500 : i32
      %convert_element_type3A_502 = arith.extui %lt3A_501 : i1 to i32
      %cond3A_503 = arith.constant 0 : i32
      %cond3A_504 = arith.cmpi ne, %convert_element_type3A_502, %cond3A_503 : i32
      scf.if %cond3A_504 {
        %dma_wait3A_510 = arith.constant 7 : i32
        %dma_wait3A_511 = arith.constant 0 : i32
        %dma_wait3A_512 = tpu.memref_slice %arg11[%dma_wait3A_510, %dma_wait3A_511] : memref<8x128xi32, #tpu.memory_space<vmem>> -> memref<1x128xi32, #tpu.memory_space<vmem>>
        %dma_wait3A_513 = tpu.memref_squeeze %dma_wait3A_512 : memref<1x128xi32, #tpu.memory_space<vmem>> -> memref<128xi32, #tpu.memory_space<vmem>>
        %dma_wait3A_514 = arith.constant 0 : i32
        %dma_wait3A_515 = arith.constant 0 : i32
        %dma_wait3A_516 = tpu.memref_slice %arg7[%dma_wait3A_514, %dma_wait3A_515] : memref<10112x128xf32, #tpu.memory_space<vmem_shared>> -> memref<10112x128xf32, #tpu.memory_space<vmem_shared>>
        tpu.wait_indirect_dma semaphore(%arg21 : memref<!tpu.dma_semaphore, #tpu.memory_space<semaphore_mem>>) src(%arg13 : memref<128x128xf32, #tpu.memory_space<vmem>>) dst(%dma_wait3A_516 : memref<10112x128xf32, #tpu.memory_space<vmem_shared>>)
        %dma_start3A_517 = arith.constant 1 : i32
        %dma_start3A_518 = arith.constant 0 : i32
        %dma_start3A_519 = tpu.memref_slice %arg8[%dma_start3A_517, %dma_start3A_518] : memref<8x128xi32, #tpu.memory_space<vmem>> -> memref<1x128xi32, #tpu.memory_space<vmem>>
        %dma_start3A_520 = tpu.memref_squeeze %dma_start3A_519 : memref<1x128xi32, #tpu.memory_space<vmem>> -> memref<128xi32, #tpu.memory_space<vmem>>
        %dma_start3A_521 = arith.constant 0 : i32
        %dma_start3A_522 = arith.constant 0 : i32
        %dma_start3A_523 = tpu.memref_slice %arg2[%dma_start3A_521, %dma_start3A_522] : memref<10000x128xf32, #tpu.memory_space<hbm>> -> memref<10000x128xf32, #tpu.memory_space<hbm>>
        tpu.enqueue_indirect_dma source(%dma_start3A_523 : memref<10000x128xf32, #tpu.memory_space<hbm>>) target(%arg13 : memref<128x128xf32, #tpu.memory_space<vmem>>) offsets(%dma_start3A_520 : memref<128xi32, #tpu.memory_space<vmem>>) semaphore(%arg19 : memref<!tpu.dma_semaphore, #tpu.memory_space<semaphore_mem>>)
      } else {
      }
      %lt3A_505 = arith.constant 8 : i32
      %lt3A_506 = arith.cmpi slt, %add3A_293, %lt3A_505 : i32
      %convert_element_type3A_507 = arith.extui %lt3A_506 : i1 to i32
      %cond3A_508 = arith.constant 0 : i32
      %cond3A_509 = arith.cmpi ne, %convert_element_type3A_507, %cond3A_508 : i32
      scf.if %cond3A_509 {
        %add3A_510 = arith.constant 2 : i32
        %add3A_511 = arith.addi %add3A_293, %add3A_510 : i32
        %mul3A_512 = arith.constant 8 : i32
        %mul3A_513 = arith.muli %add3A_511, %mul3A_512 : i32
        %add3A_514 = arith.addi %mul3A_2, %mul3A_513 : i32
        %dma_start3A_515 = arith.constant 0 : i32
        %dma_start3A_516 = tpu.memref_slice %arg3[%add3A_514, %dma_start3A_515] : memref<2560x128xi32, #tpu.memory_space<hbm>> -> memref<8x128xi32, #tpu.memory_space<hbm>>
        %dma_start3A_517 = arith.constant 0 : i32
        %dma_start3A_518 = tpu.memref_slice %arg3[%add3A_514, %dma_start3A_517] : memref<2560x128xi32, #tpu.memory_space<hbm>> -> memref<8x128xi32, #tpu.memory_space<hbm>>
        tpu.enqueue_dma source(%dma_start3A_518 : memref<8x128xi32, #tpu.memory_space<hbm>>) target(%arg9 : memref<8x128xi32, #tpu.memory_space<vmem>>) target_semaphore(%arg15 : memref<!tpu.dma_semaphore, #tpu.memory_space<semaphore_mem>>)
        %dma_start3A_519 = arith.constant 0 : i32
        %dma_start3A_520 = tpu.memref_slice %arg4[%add3A_514, %dma_start3A_519] : memref<2560x128xi32, #tpu.memory_space<hbm>> -> memref<8x128xi32, #tpu.memory_space<hbm>>
        %dma_start3A_521 = arith.constant 0 : i32
        %dma_start3A_522 = tpu.memref_slice %arg4[%add3A_514, %dma_start3A_521] : memref<2560x128xi32, #tpu.memory_space<hbm>> -> memref<8x128xi32, #tpu.memory_space<hbm>>
        tpu.enqueue_dma source(%dma_start3A_522 : memref<8x128xi32, #tpu.memory_space<hbm>>) target(%arg11 : memref<8x128xi32, #tpu.memory_space<vmem>>) target_semaphore(%arg17 : memref<!tpu.dma_semaphore, #tpu.memory_space<semaphore_mem>>)
      } else {
      }
    }
    %scan3A_53 = arith.constant 5 : i32
    %dma_wait3A_54 = arith.constant 6 : i32
    %dma_wait3A_55 = arith.constant 0 : i32
    %dma_wait3A_56 = tpu.memref_slice %arg11[%dma_wait3A_54, %dma_wait3A_55] : memref<8x128xi32, #tpu.memory_space<vmem>> -> memref<1x128xi32, #tpu.memory_space<vmem>>
    %dma_wait3A_57 = tpu.memref_squeeze %dma_wait3A_56 : memref<1x128xi32, #tpu.memory_space<vmem>> -> memref<128xi32, #tpu.memory_space<vmem>>
    %dma_wait3A_58 = arith.constant 0 : i32
    %dma_wait3A_59 = arith.constant 0 : i32
    %dma_wait3A_60 = tpu.memref_slice %arg7[%dma_wait3A_58, %dma_wait3A_59] : memref<10112x128xf32, #tpu.memory_space<vmem_shared>> -> memref<10112x128xf32, #tpu.memory_space<vmem_shared>>
    tpu.wait_indirect_dma semaphore(%arg20 : memref<!tpu.dma_semaphore, #tpu.memory_space<semaphore_mem>>) src(%arg12 : memref<128x128xf32, #tpu.memory_space<vmem>>) dst(%dma_wait3A_60 : memref<10112x128xf32, #tpu.memory_space<vmem_shared>>)
    %dma_wait3A_61 = arith.constant 7 : i32
    %dma_wait3A_62 = arith.constant 0 : i32
    %dma_wait3A_63 = tpu.memref_slice %arg11[%dma_wait3A_61, %dma_wait3A_62] : memref<8x128xi32, #tpu.memory_space<vmem>> -> memref<1x128xi32, #tpu.memory_space<vmem>>
    %dma_wait3A_64 = tpu.memref_squeeze %dma_wait3A_63 : memref<1x128xi32, #tpu.memory_space<vmem>> -> memref<128xi32, #tpu.memory_space<vmem>>
    %dma_wait3A_65 = arith.constant 0 : i32
    %dma_wait3A_66 = arith.constant 0 : i32
    %dma_wait3A_67 = tpu.memref_slice %arg7[%dma_wait3A_65, %dma_wait3A_66] : memref<10112x128xf32, #tpu.memory_space<vmem_shared>> -> memref<10112x128xf32, #tpu.memory_space<vmem_shared>>
    tpu.wait_indirect_dma semaphore(%arg21 : memref<!tpu.dma_semaphore, #tpu.memory_space<semaphore_mem>>) src(%arg13 : memref<128x128xf32, #tpu.memory_space<vmem>>) dst(%dma_wait3A_67 : memref<10112x128xf32, #tpu.memory_space<vmem_shared>>)
    %barrier3A_68 = arith.constant 0 : index
    tpu.barrier barrier_id(%barrier3A_68)
    %mul3A_69 = arith.constant 10112 : i32
    %mul3A_70 = arith.muli %arg0, %mul3A_69 : i32
    %add3A_71 = arith.addi %mul3A_70, %mul3A_4 : i32
    "tpu.region"() ({
      %run_scoped3A = tpu.sem_alloc : memref<!tpu.dma_semaphore, #tpu.memory_space<semaphore_mem>>
      %dma_start3A_72 = arith.constant 0 : i32
      %dma_start3A_73 = tpu.memref_slice %arg6[%add3A_71, %dma_start3A_72] : memref<20224x128xf32, #tpu.memory_space<hbm>> -> memref<632x128xf32, #tpu.memory_space<hbm>>
      %dma_start3A_74 = arith.constant 0 : i32
      %dma_start3A_75 = tpu.memref_slice %arg7[%mul3A_4, %dma_start3A_74] : memref<10112x128xf32, #tpu.memory_space<vmem_shared>> -> memref<632x128xf32, #tpu.memory_space<vmem_shared>>
      tpu.enqueue_dma source(%dma_start3A_75 : memref<632x128xf32, #tpu.memory_space<vmem_shared>>) target(%dma_start3A_73 : memref<632x128xf32, #tpu.memory_space<hbm>>) target_semaphore(%run_scoped3A : memref<!tpu.dma_semaphore, #tpu.memory_space<semaphore_mem>>)
      %dma_wait3A_76 = arith.constant 0 : i32
      %dma_wait3A_77 = tpu.memref_slice %arg6[%add3A_71, %dma_wait3A_76] : memref<20224x128xf32, #tpu.memory_space<hbm>> -> memref<632x128xf32, #tpu.memory_space<hbm>>
      %dma_wait3A_78 = arith.constant 0 : i32
      %dma_wait3A_79 = tpu.memref_slice %arg7[%mul3A_4, %dma_wait3A_78] : memref<10112x128xf32, #tpu.memory_space<vmem_shared>> -> memref<632x128xf32, #tpu.memory_space<vmem_shared>>
      tpu.wait_dma2 semaphore(%run_scoped3A : memref<!tpu.dma_semaphore, #tpu.memory_space<semaphore_mem>>) src(%dma_wait3A_79 : memref<632x128xf32, #tpu.memory_space<vmem_shared>>) dst(%dma_wait3A_77 : memref<632x128xf32, #tpu.memory_space<hbm>>)
      tpu.yield
    }) : () -> ()
    return
  }
}

module attributes {stable_mosaic.version = 14 : i64} {
  func.func @_linear_body(%arg0: i32, %arg1: memref<2x632x128xf32, #tpu.memory_space<vmem>>, %arg2: memref<128x128xf32, #tpu.memory_space<vmem>>, %arg3: memref<1x128xf32, #tpu.memory_space<vmem>>, %arg4: memref<632x128xf32, #tpu.memory_space<vmem>>) attributes {dimension_semantics = [#tpu.dimension_semantics<arbitrary>], iteration_bounds = array<i64: 16>, scalar_prefetch = 0 : i64, scratch_operands = 0 : i64, tpu.core_type = #tpu.core_type<tc>, window_params = [{transform_indices = @transform_0, window_bounds = array<i64: 2, 632, 128>}, {pipeline_mode = #tpu.pipeline_mode<synchronous>, transform_indices = @transform_1, window_bounds = array<i64: 128, 128>}, {pipeline_mode = #tpu.pipeline_mode<synchronous>, transform_indices = @transform_2, window_bounds = array<i64: 1, 128>}, {transform_indices = @transform_3, window_bounds = array<i64: 632, 128>}]} {
    %get3A = arith.constant 0 : index
    %get3A_0 = arith.constant 0 : index
    %get3A_1 = arith.constant 0 : index
    %get3A_2 = vector.load %arg1[%get3A, %get3A_0, %get3A_1] : memref<2x632x128xf32, #tpu.memory_space<vmem>>, vector<1x632x128xf32>
    %get3A_3 = vector.shape_cast %get3A_2 : vector<1x632x128xf32> to vector<632x128xf32>
    %get3A_4 = arith.constant 1 : index
    %get3A_5 = arith.constant 0 : index
    %get3A_6 = arith.constant 0 : index
    %get3A_7 = vector.load %arg1[%get3A_4, %get3A_5, %get3A_6] : memref<2x632x128xf32, #tpu.memory_space<vmem>>, vector<1x632x128xf32>
    %get3A_8 = vector.shape_cast %get3A_7 : vector<1x632x128xf32> to vector<632x128xf32>
    %add3A = arith.addf %get3A_3, %get3A_8 : vector<632x128xf32>
    %get3A_9 = arith.constant 0 : index
    %get3A_10 = arith.constant 0 : index
    %get3A_11 = vector.load %arg2[%get3A_9, %get3A_10] : memref<128x128xf32, #tpu.memory_space<vmem>>, vector<128x128xf32>
    %dot_general3A = arith.constant dense<0.000000e+00> : vector<632x128xf32>
    %dot_general3A_12 = tpu.matmul %add3A, %get3A_11, %dot_general3A {dimension_numbers = #tpu.dot_dimension_numbers<[1], [0], [0], [1], [0, 0, 1, 1], [], []>, precision = #tpu.contract_precision<fp32>, transpose_lhs_hint = false} : vector<632x128xf32>, vector<128x128xf32>, vector<632x128xf32> -> vector<632x128xf32>
    %get3A_13 = arith.constant 0 : index
    %get3A_14 = arith.constant 0 : index
    %get3A_15 = vector.load %arg3[%get3A_13, %get3A_14] : memref<1x128xf32, #tpu.memory_space<vmem>>, vector<1x128xf32>
    %add3A_16 = vector.broadcast %get3A_15 : vector<1x128xf32> to vector<632x128xf32>
    %add3A_17 = arith.addf %dot_general3A_12, %add3A_16 : vector<632x128xf32>
    %max3A = arith.constant 0.000000e+00 : f32
    %max3A_18 = vector.broadcast %max3A : f32 to vector<632x128xf32>
    %max3A_19 = arith.maximumf %add3A_17, %max3A_18 : vector<632x128xf32>
    %swap3A = arith.constant 0 : index
    %swap3A_20 = arith.constant 0 : index
    %swap3A_21 = vector.load %arg4[%swap3A, %swap3A_20] : memref<632x128xf32, #tpu.memory_space<vmem>>, vector<632x128xf32>
    tpu.vector_store %arg4[%swap3A, %swap3A_20], %max3A_19 {strides = array<i32>} : memref<632x128xf32, #tpu.memory_space<vmem>>, vector<632x128xf32>,
    return
  }
  func.func @transform_0(%arg0: i32) -> (i32, i32, i32) {
    %c0_i32 = arith.constant 0 : i32
    %c0_i32_0 = arith.constant 0 : i32
    %c0_i32_1 = arith.constant 0 : i32
    return %c0_i32, %arg0, %c0_i32_0 : i32, i32, i32
  }
  func.func @transform_1(%arg0: i32) -> (i32, i32) {
    %c0_i32 = arith.constant 0 : i32
    %c0_i32_0 = arith.constant 0 : i32
    %c0_i32_1 = arith.constant 0 : i32
    return %c0_i32, %c0_i32_0 : i32, i32
  }
  func.func @transform_2(%arg0: i32) -> (i32, i32) {
    %c0_i32 = arith.constant 0 : i32
    %c0_i32_0 = arith.constant 0 : i32
    %c0_i32_1 = arith.constant 0 : i32
    return %c0_i32, %c0_i32_0 : i32, i32
  }
  func.func @transform_3(%arg0: i32) -> (i32, i32) {
    %c0_i32 = arith.constant 0 : i32
    %c0_i32_0 = arith.constant 0 : i32
    return %arg0, %c0_i32 : i32, i32
  }
}

module attributes {stable_mosaic.version = 14 : i64} {
  func.func @_linear_body(%arg0: i32, %arg1: memref<2x632x128xf32, #tpu.memory_space<vmem>>, %arg2: memref<128x128xf32, #tpu.memory_space<vmem>>, %arg3: memref<1x128xf32, #tpu.memory_space<vmem>>, %arg4: memref<632x128xf32, #tpu.memory_space<vmem>>) attributes {dimension_semantics = [#tpu.dimension_semantics<arbitrary>], iteration_bounds = array<i64: 16>, scalar_prefetch = 0 : i64, scratch_operands = 0 : i64, tpu.core_type = #tpu.core_type<tc>, window_params = [{transform_indices = @transform_0, window_bounds = array<i64: 2, 632, 128>}, {pipeline_mode = #tpu.pipeline_mode<synchronous>, transform_indices = @transform_1, window_bounds = array<i64: 128, 128>}, {pipeline_mode = #tpu.pipeline_mode<synchronous>, transform_indices = @transform_2, window_bounds = array<i64: 1, 128>}, {transform_indices = @transform_3, window_bounds = array<i64: 632, 128>}]} {
    %get3A = arith.constant 0 : index
    %get3A_0 = arith.constant 0 : index
    %get3A_1 = arith.constant 0 : index
    %get3A_2 = vector.load %arg1[%get3A, %get3A_0, %get3A_1] : memref<2x632x128xf32, #tpu.memory_space<vmem>>, vector<1x632x128xf32>
    %get3A_3 = vector.shape_cast %get3A_2 : vector<1x632x128xf32> to vector<632x128xf32>
    %get3A_4 = arith.constant 1 : index
    %get3A_5 = arith.constant 0 : index
    %get3A_6 = arith.constant 0 : index
    %get3A_7 = vector.load %arg1[%get3A_4, %get3A_5, %get3A_6] : memref<2x632x128xf32, #tpu.memory_space<vmem>>, vector<1x632x128xf32>
    %get3A_8 = vector.shape_cast %get3A_7 : vector<1x632x128xf32> to vector<632x128xf32>
    %add3A = arith.addf %get3A_3, %get3A_8 : vector<632x128xf32>
    %get3A_9 = arith.constant 0 : index
    %get3A_10 = arith.constant 0 : index
    %get3A_11 = vector.load %arg2[%get3A_9, %get3A_10] : memref<128x128xf32, #tpu.memory_space<vmem>>, vector<128x128xf32>
    %dot_general3A = arith.constant dense<0.000000e+00> : vector<632x128xf32>
    %dot_general3A_12 = tpu.matmul %add3A, %get3A_11, %dot_general3A {dimension_numbers = #tpu.dot_dimension_numbers<[1], [0], [0], [1], [0, 0, 1, 1], [], []>, precision = #tpu.contract_precision<fp32>, transpose_lhs_hint = false} : vector<632x128xf32>, vector<128x128xf32>, vector<632x128xf32> -> vector<632x128xf32>
    %get3A_13 = arith.constant 0 : index
    %get3A_14 = arith.constant 0 : index
    %get3A_15 = vector.load %arg3[%get3A_13, %get3A_14] : memref<1x128xf32, #tpu.memory_space<vmem>>, vector<1x128xf32>
    %add3A_16 = vector.broadcast %get3A_15 : vector<1x128xf32> to vector<632x128xf32>
    %add3A_17 = arith.addf %dot_general3A_12, %add3A_16 : vector<632x128xf32>
    %swap3A = arith.constant 0 : index
    %swap3A_18 = arith.constant 0 : index
    %swap3A_19 = vector.load %arg4[%swap3A, %swap3A_18] : memref<632x128xf32, #tpu.memory_space<vmem>>, vector<632x128xf32>
    tpu.vector_store %arg4[%swap3A, %swap3A_18], %add3A_17 {strides = array<i32>} : memref<632x128xf32, #tpu.memory_space<vmem>>, vector<632x128xf32>,
    return
  }
  func.func @transform_0(%arg0: i32) -> (i32, i32, i32) {
    %c0_i32 = arith.constant 0 : i32
    %c0_i32_0 = arith.constant 0 : i32
    %c0_i32_1 = arith.constant 0 : i32
    return %c0_i32, %arg0, %c0_i32_0 : i32, i32, i32
  }
  func.func @transform_1(%arg0: i32) -> (i32, i32) {
    %c0_i32 = arith.constant 0 : i32
    %c0_i32_0 = arith.constant 0 : i32
    %c0_i32_1 = arith.constant 0 : i32
    return %c0_i32, %c0_i32_0 : i32, i32
  }
  func.func @transform_2(%arg0: i32) -> (i32, i32) {
    %c0_i32 = arith.constant 0 : i32
    %c0_i32_0 = arith.constant 0 : i32
    %c0_i32_1 = arith.constant 0 : i32
    return %c0_i32, %c0_i32_0 : i32, i32
  }
  func.func @transform_3(%arg0: i32) -> (i32, i32) {
    %c0_i32 = arith.constant 0 : i32
    %c0_i32_0 = arith.constant 0 : i32
    return %arg0, %c0_i32 : i32, i32
  }
}

</mosaic_0001>

<sc_bundles>
// kernel: kernel.6.cloned.1.call-start
scs
__scs_entry_jumppad:
0x0: {  	(pc) =	sbr.rel $0x88, $3  }
0x1: {  	(tag) =	ssettag $0x0;
	lr =	simm.s32 $0x1  }
0x2: {  	[smem:$0x3F9B] =	sst lr;
	_ =	strace $0xD0000000  }
0x3: {  	_ = 	snop  }
0x4: {  	_ = 	snop  }
0x5: {  	_ = 	snop  }
0x6: {  	_ = 	snop  }
0x7: {  	_ = 	snop  }
__scs_overlays_trampoline_lowered:
0x8: {  	[smem:$0x3FAA] =	sst s0  }
0x9: {  	[smem:$0x3FAB] =	sst s1  }
0xa: {  	[smem:$0x3FAC] =	sst s2  }
0xb: {  	[smem:$0x3FAD] =	sst s3  }
0xc: {  	[smem:$0x3FAE] =	sst s4  }
0xd: {  	[smem:$0x3FAF] =	sst s5  }
0xe: {  	[smem:$0x3FB0] =	sst s6  }
0xf: {  	[smem:$0x3FB1] =	sst s7  }
0x10: {  	[smem:$0x3FB2] =	sst s8  }
0x11: {  	[smem:$0x3FB3] =	sst s9;
	s0 =	simm.s32 @!p0 $0x0  }
0x12: {  	s1 =	sld [smem:$0x3F99];
	s0 =	simm.s32 @p0 $0x1  }
0x13: {  	[smem:$0x3FB4] =	sst s0;
	s0 =	simm.s32 @!p1 $0x0  }
0x14: {  	s2 =	sld [smem:$0x3F98];
	s0 =	simm.s32 @p1 $0x1  }
0x15: {  	[smem:$0x3FB5] =	sst s0;
	s0 =	simm.s32 @!p2 $0x0  }
0x16: {  	s3 =	sld [smem:$0x3FDB];
	s0 =	simm.s32 @p2 $0x1  }
0x17: {  	s4 =	simm.s32 $0x1BF5;
	[smem:$0x3FB7] =	sst s0  }
0x18: {  	s0 =	sld [smem:$0x3F9A];
	_ =	swait.ge [sflag:s4], $0x0  }
0x19: {  	s7 =	sld [smem:$0x3F9B]  }
0x1a: {  	s8 =	sadd.s32 $0xFFFFE003, lr  }
0x1b: {  	s9 =	sadd.s32 $0xFFFFFEF7, lr;
	s5 =	simm.s32 $0xFFFFFFFF;
	p2 =	slt.u32 s8, $0xFFFFF086  }
0x1c: {  	p1 =	slt.u32 s9, $0xF7A;
	s5 =	simm.s32 @!p2 $0x0  }
0x1d: {  	s5 =	simm.s32 @p1 $0x1;
	p0 =	seq.s32 s7, s2  }
0x1e: {  	s7 =	smul.u32 @!p0 $0xF7A, s2;
	p2 =	seq.s32 @!p0 s5, $0x0  }
0x1f: {  	s9 =	smul.u32 $0xF7A, s1;
	s8 =	simm.s32 @!p0 $0x1BF5;
	p2 =	por !p2, p0  }
0x20: {  	[sflag:s8] =	ssyncset.s32 @!p0 $0xFFFFF086;
	s6 =	sadd.s32 @!p0 s3, s7;
	s7 =	simm.s32 @!p0 $0x108  }
0x21: {  	s3 =	sadd.s32 s3, s9;
	s6 =	sadd.s32 @!p0 $0x88, s6;
	s7 =	simm.s32 @p2 $0x1082  }
0x22: {  	[simem:s7], [sflag:s8] =	dma.local @!p0 [hbm:s6], $0xF7A  }
0x23: {  	s9 =	sor.u32 $0xD0000000, s2;
	s6 =	simm.s32 $0x108;
	_ =	swait.ge @!p0 [sflag:s8], $0x0  }
0x24: {  	s3 =	sadd.s32 $0x88, s3;
	s6 =	simm.s32 @!p1 $0x1082;
	[sflag:s4] =	ssyncset.s32 $0xFFFFF086  }
0x25: {  	[simem:s6], [sflag:s4] =	dma.local [hbm:s3], $0xF7A  }
0x26: {  	[smem:$0x3F9B] =	sst s1;
	(tag) =	ssettag s2;
	_ =	strace s9  }
0x27: {  	s1 =	sld [smem:$0x3FAB]  }
0x28: {  	s2 =	sld [smem:$0x3FAC]  }
0x29: {  	s4 =	sld [smem:$0x3FAE]  }
0x2a: {  	p0 =	seq.s32 s5, $0x0;
	s5 =	sld [smem:$0x3FAF]  }
0x2b: {  	s6 =	sld [smem:$0x3FB0]  }
0x2c: {  	s7 =	sld [smem:$0x3FB1]  }
0x2d: {  	s3 =	simm.s32 $0x108;
	s8 =	sld [smem:$0x3FB2]  }
0x2e: {  	s3 =	simm.s32 @!p0 $0x1082;
	s9 =	sld [smem:$0x3FB3]  }
0x2f: {  	lr =	sadd.s32 s0, s3;
	s0 =	sld [smem:$0x3FAA]  }
0x30: {  	s3 =	sld [smem:$0x3FAD]  }
0x31: {  	[smem:$0x3FB6] =	sst s10  }
0x32: {  	s10 =	sld [smem:$0x3FB4];
	_ =	sdelay $0x3  }
0x33: {  	p0 =	seq.s32 s10, $0x1;
	s10 =	sld [smem:$0x3FB6];
	_ =	sdelay $0x3  }
0x34: {  	[smem:$0x3FB6] =	sst s10  }
0x35: {  	s10 =	sld [smem:$0x3FB5];
	_ =	sdelay $0x3  }
0x36: {  	p1 =	seq.s32 s10, $0x1;
	s10 =	sld [smem:$0x3FB6];
	_ =	sdelay $0x3  }
0x37: {  	[smem:$0x3FB6] =	sst s10  }
0x38: {  	s10 =	sld [smem:$0x3FB7]  }
0x39: {  	_ = 	snop;
	(pc) =	sbr.ind lr, $3  }
0x3a: {  	_ = 	snop  }
0x3b: {  	_ = 	snop  }
0x3c: {  	p2 =	seq.s32 s10, $0x1;
	s10 =	sld [smem:$0x3FB6]  }
0x3d: {  	_ =	shalt  }
0x3e: {  	_ =	shalt  }
0x3f: {  	_ =	shalt  }
0x40: {  	_ =	shalt  }
0x41: {  	_ =	shalt  }
0x42: {  	_ =	shalt  }
0x43: {  	_ =	shalt  }
0x44: {  	_ =	shalt  }
0x45: {  	_ =	shalt  }
0x46: {  	_ =	shalt  }
0x47: {  	_ =	shalt  }
0x48: {  	_ =	shalt  }
0x49: {  	_ =	shalt  }
0x4a: {  	_ =	shalt  }
0x4b: {  	_ =	shalt  }
0x4c: {  	_ =	shalt  }
0x4d: {  	_ =	shalt  }
0x4e: {  	_ =	shalt  }
0x4f: {  	_ =	shalt  }
0x50: {  	_ =	shalt  }
0x51: {  	_ =	shalt  }
0x52: {  	_ =	shalt  }
0x53: {  	_ =	shalt  }
0x54: {  	_ =	shalt  }
0x55: {  	_ =	shalt  }
0x56: {  	_ =	shalt  }
0x57: {  	_ =	shalt  }
0x58: {  	_ =	shalt  }
0x59: {  	_ =	shalt  }
0x5a: {  	_ =	shalt  }
0x5b: {  	_ =	shalt  }
0x5c: {  	_ =	shalt  }
0x5d: {  	_ =	shalt  }
0x5e: {  	_ =	shalt  }
0x5f: {  	_ =	shalt  }
0x60: {  	_ =	shalt  }
0x61: {  	_ =	shalt  }
0x62: {  	_ =	shalt  }
0x63: {  	_ =	shalt  }
0x64: {  	_ =	shalt  }
0x65: {  	_ =	shalt  }
0x66: {  	_ =	shalt  }
0x67: {  	_ =	shalt  }
0x68: {  	_ =	shalt  }
0x69: {  	_ =	shalt  }
0x6a: {  	_ =	shalt  }
0x6b: {  	_ =	shalt  }
0x6c: {  	_ =	shalt  }
0x6d: {  	_ =	shalt  }
0x6e: {  	_ =	shalt  }
0x6f: {  	_ =	shalt  }
0x70: {  	_ =	shalt  }
0x71: {  	_ =	shalt  }
0x72: {  	_ =	shalt  }
0x73: {  	_ =	shalt  }
0x74: {  	_ =	shalt  }
0x75: {  	_ =	shalt  }
0x76: {  	_ =	shalt  }
0x77: {  	_ =	shalt  }
0x78: {  	_ =	shalt  }
0x79: {  	_ =	shalt  }
0x7a: {  	_ =	shalt  }
0x7b: {  	_ =	shalt  }
0x7c: {  	_ =	shalt  }
0x7d: {  	_ =	shalt  }
0x7e: {  	_ =	shalt  }
0x7f: {  	_ =	shalt  }
0x80: {  	_ =	shalt  }
0x81: {  	_ =	shalt  }
0x82: {  	_ =	shalt  }
0x83: {  	_ =	shalt  }
0x84: {  	_ =	shalt  }
0x85: {  	_ =	shalt  }
0x86: {  	_ =	shalt  }
0x87: {  	_ =	shalt  }
.Lfunc_end0:
.L_simem_size_0:
called_computation_lowered:
.L_overlay_start_0:
0x88: {  	s2 =	sld [smem:$0x3FD9]  }
0x89: {  	s3 =	sld [smem:$0x3FFE];
	_ =	sdelay $0x1  }
0x8a: {  	s1 =	srdreg.scid  }
0x8b: {  	s0 =	sand.u32 $0x1, s1  }
0x8c: {  	s17 =	sshll.u32 s0, $0xA;
	s2 =	sadd.s32 s3, s2  }
0x8d: {  	s2 =	sadd.s32 s2, s17  }
0x8e: {  	[smem:$0x3FC2] =	sst s2  }
0x8f: {  	_ = 	snop  }
0x90: {  	s2 =	sld [smem:$0x3FC9]  }
0x91: {  	s18 =	sld [smem:$0x3FD0];
	(tm) =	ssettm $0x1  }
0x92: {  	s4 =	sld [smem:$0x3FFB];
	_ =	sdelay $0x3  }
0x93: {  	_ =	strace s4  }
0x94: {  	s4 =	sld [smem:$0x3FFC];
	_ =	sdelay $0x3  }
0x95: {  	_ =	strace s4  }
0x96: {  	s4 =	sld [smem:$0x3FFD];
	_ =	sdelay $0x3  }
0x97: {  	_ =	strace s4  }
0x98: {  	_ =	strace $0x8FFFFFFF  }
0x99: {  	s19 =	sld [smem:$0x3FDB];
	_ =	sdelay $0x1  }
0x9a: {  	s5 =	simm.s32 $_scs_section_size  }
0x9b: {  	s6 =	simm.s32 $_size__tile_overlayer_lowered;
	s7 =	simm.s32 $_tile_overlayer_lowered  }
0x9c: {  	s22 =	simm.s32 $0x1BFF;
	s21 =	sshll.u32 s7, $0x1;
	s4 =	sadd.s32 s5, s19  }
0x9d: {  	s8 =	simm.s32 $0x0;
	s20 =	sshll.u32 s6, $0x1;
	s6 =	sadd.s32 s21, s4  }
0x9e: {  	[timem:s8], [sflag:s22] =	dma.local [hbm:s6], s20  }
0x9f: {  	_ =	swait.ge [sflag:s22], s20  }
0xa0: {  	s5 =	ssub.s32 $0x0, s20;
	[sflag:s22] =	ssyncset.done $0x0  }
0xa1: {  	[sflag:s22] =	ssyncadd.s32 s5;
	_ =	sdelay $0x1  }
0xa2: {  	s23 =	simm.s32 $0x1B8B  }
0xa3: {  	_ =	swait.ge [sflag:s23], $0x1  }
0xa4: {  	[sflag:s23] =	ssyncset.done $0x0  }
0xa5: {  	s25 =	simm.s32 $0x1B8E;
	s24 =	sld [smem:$0x3FFE];
	[sflag:s23] =	ssyncadd.s32 $0xFFFFFFFF  }
0xa6: {  	s26 =	simm.s32 $execute0_lowered;
	[smem:$0x3FD2] =	sst s25  }
0xa7: {  	s6 =	sshll.u32 s26, $0x1;
	_ =	strace $0x80000046;
	[dreg:$0x1] =	wrdreg $0xFFFFFFFF  }
0xa8: {  	s28 =	simm.s32 $_size_execute0_lowered;
	s4 =	sadd.s32 s4, s6;
	[dreg:$0x0] =	wrdreg $0x0  }
0xa9: {  	s6 =	sshll.u32 s28, $0x1;
	[dreg:$0x2] =	wrdreg s4  }
0xaa: {  	[dreg:$0x3] =	wrdreg s6  }
0xab: {  	[dreg:$0x4] =	wrdreg $0xC0  }
0xac: {  	_ =	task [dreg:s8], $0x5FFFF  }
0xad: {  	[dreg:$0x1] =	wrdreg $0xFFFFFFFF  }
0xae: {  	[dreg:$0x0] =	wrdreg $0x60  }
0xaf: {  	[dreg:$0x2] =	wrdreg s2  }
0xb0: {  	[dreg:$0x3] =	wrdreg s18  }
0xb1: {  	[dreg:$0x4] =	wrdreg s24  }
0xb2: {  	[dreg:$0x5] =	wrdreg $0x0  }
0xb3: {  	[dreg:$0x6] =	wrdreg $0x9  }
0xb4: {  	_ =	task.clear_ibuf [dreg:s8], $0x7FFFF;
	_ =	strace $0x90000046  }
0xb5: {  	s29 =	simm.s32 $0x9;
	_ =	strace $0x80000048  }
0xb6: {  	_ =	swait.ge [sflag:s29], $0x1  }
0xb7: {  	[sflag:s29] =	ssyncadd.s32 $0xFFFFFFFF  }
0xb8: {  	_ =	strace $0x90000048  }
0xb9: {  	_ =	sfence  }
0xba: {  	s30 =	sld [smem:$0x0];
	_ =	sdelay $0x2  }
0xbb: {  	s31 =	sshll.u32 s1, $0xD;
	s1 =	sshrl.u32 s1, $0x2  }
0xbc: {  	s3 =	sand.u32 $0x4000, s31;
	s1 =	sadd.s32 s1, s30  }
0xbd: {  	s0 =	sor.u32 s3, s0;
	s1 =	sshll.u32 s1, $0x11  }
0xbe: {  	s0 =	sor.u32 s1, s0  }
0xbf: {  	s0 =	sadd.s32 $0x8F2B, s0  }
0xc0: {  	[sflag:s0] =	ssyncadd.remote.s32 $0x1  }
0xc1: {  	_ =	sfence.sel $0xFFFF  }
0xc2: {  	[dreg:$0x0] =	wrdreg $0xFFFFFFFF;
	(pc) =	sbr.abs _section_cstart, $3  }
0xc3: {  	[dreg:$0x1] =	wrdreg $0xFFFFFFFF  }
0xc4: {  	_ =	task.clear_ibuf [dreg:s8], $0x2FFFF;
	_ =	strace $0x9FFFFFFF  }
0xc5: {  	(tm) =	ssettm $0x7FFFFFFF  }
tec
execute0_lowered:
.L_overlay_start_1:
0x0: {  	(tag) =	ssettag $0x1  }
0x1: {  	s1 =	rddreg [dreg:$0x0]  }
0x2: {  	s0 =	rddreg [dreg:$0x1]  }
0x3: {  	s2 =	rddreg [dreg:$0x2]  }
0x4: {  	s3 =	rddreg [dreg:$0x3];
	s13 =	stileid.u32  }
0x5: {  	s5 =	srdreg.scid;
	s4 =	simm.s32 $0x0;
	s28 =	simm.s32 $0x18C00  }
0x6: {  	s29 =	simm.s32 $0x5;
	s30 =	simm.s32 $0x7;
	s17 =	simm.s32 $0x2  }
0x7: {  	s14 =	simm.s32 $0x14300;
	s15 =	simm.s32 $0x14A80;
	s16 =	simm.s32 $0x14B00  }
0x8: {  	s6 =	smul.u32 $0x2780, s13;
	s5 =	sand.u32 $0x1, s5;
	[smem:$0x7FF] =	sst s4  }
0x9: {  	s8 =	sadd.s32 $0x1000, s2;
	s12 =	smul.u32 $0x4F000, s13;
	s22 =	sshll.u32 s13, $0x6  }
0xa: {  	s7 =	smul.u32 $0x27800, s5;
	_ =	strace $0x80000047;
	s18 =	ssub.s32 $0x2, s5  }
0xb: {  	s11 =	sshll.u32 s5, $0x4;
	s5 =	smul.u32 $0x5000, s5;
	s9 =	sadd.s32 s6, s2  }
0xc: {  	s10 =	sshrl.u32 s18, $0x1;
	s20 =	sor.u32 s13, s11;
	s21 =	sshrl.u32 s12, $0x2  }
0xd: {  	s13 =	smul.u32 $0x500, s13;
	s11 =	simm.s32 $0x14280;
	s12 =	simm.s32 $0x14A00  }
0xe: {  	s6 =	sadd.s32 s6, s7;
	s19 =	ssub.s32 s18, s10;
	s7 =	smul.u32 $0x500, s20  }
0xf: {  	s10 =	sadd.s32 s21, s3;
	s9 =	sadd.s32 $0xB000, s9;
	s31 =	sadd.s32 s5, s8  }
0x10: {  	s20 =	simm.s32 $0x14000;
	s21 =	simm.s32 $0x14800;
	s18 =	simm.s32 $0x14B80  }
0x11: {  	s2 =	sadd.s32 s6, s2;
	[dreg:$0x5] =	wrdreg s9;
	s9 =	sor.u32 $0x1C09, s22  }
0x12: {  	s26 =	smax.u32 s19, $0x1;
	[dreg:$0xd] =	wrdreg s31;
	s22 =	simm.s32 $0x1  }
0x13: {  	s6 =	simm.s32 $0x14380;
	s19 =	simm.s32 $0x0;
	[dreg:$0xc] =	wrdreg s26  }
0x14: {  	s23 =	sadd.s32 s0, s7;
	s24 =	sadd.s32 s8, s7;
	[dreg:$0x6] =	wrdreg s9  }
0x15: {  	s7 =	sor.u32 $0x80, s7;
	s2 =	sadd.s32 $0x32800, s2;
	[dreg:$0x7] =	wrdreg s23  }
0x16: {  	s26 =	simm.s32 $0x4;
	[dreg:$0x8] =	wrdreg s24;
	s25 =	sadd.s32 s0, s7  }
0x17: {  	s7 =	sadd.s32 s8, s7;
	[dreg:$0xb] =	wrdreg s2;
	s0 =	sadd.s32 s5, s0  }
0x18: {  	s8 =	simm.s32 $0x9;
	s23 =	simm.s32 $0x3;
	[dreg:$0x9] =	wrdreg s25  }
0x19: {  	s24 =	simm.s32 $0x80;
	s5 =	simm.s32 $0x8;
	[dreg:$0xa] =	wrdreg s7  }
0x1a: {  	[dreg:$0xe] =	wrdreg s0;
	s7 =	sshrl.u32 s10, $0x3;
	s25 =	simm.s32 $0x14C00  }
0x1b: {  	s0 =	simm.s32 $0x6;
	s10 =	simm.s32 $0x14980;
	[dreg:$0xf] =	wrdreg s7  }
.LBB2_1:
0x1c: {  	[dreg:$0x10] =	wrdreg s19  }
0x1d: {  	s2 =	rddreg [dreg:$0x5]  }
0x1e: {  	[spmem:s7], [sflag:s9] =	dma.local [hbm:s2], $0x2780  }
0x1f: {  	_ =	swait.ge [sflag:s8], $0x2780  }
0x20: {  	[sflag:s8] =	ssyncset.done $0x0  }
0x21: {  	s7 =	simm.s32 $0x13C00;
	[sflag:s8] =	ssyncadd.s32 $0xFFFFD880;
	s8 =	rddreg [dreg:$0x7]  }
0x22: {  	[tilespmem:s7], [sflag:$0x1] =	stream.linear.gather [hbm4b:s8+s4], $0x400, $0x38;
	[tilespmem:$0x1CC00] =	vst v63  }
0x23: {  	s19 =	simm.s32 $0x14400;
	s9 =	rddreg [dreg:$0x8]  }
0x24: {  	[tilespmem:s19], [sflag:$0x3] =	stream.linear.gather [hbm4b:s9+s4], $0x400, $0x38;
	[tilespmem:$0x1CC00] =	vst v63  }
0x25: {  	s8 =	rddreg [dreg:$0x9]  }
0x26: {  	[tilespmem:s20], [sflag:$0x2] =	stream.linear.gather [hbm4b:s8+s4], $0x400, $0x38;
	[tilespmem:$0x1CC00] =	vst v63  }
0x27: {  	s9 =	rddreg [dreg:$0xa]  }
0x28: {  	[tilespmem:s21], [sflag:$0x4] =	stream.linear.gather [hbm4b:s9+s4], $0x400, $0x38;
	[tilespmem:$0x1CC00] =	vst v63  }
0x29: {  	_ =	swait.ge [sflag:s22], $0x400  }
0x2a: {  	[sflag:s22] =	ssyncset.done $0x0  }
0x2b: {  	[sflag:s22] =	ssyncadd.s32 $0xFFFFFC00  }
0x2c: {  	_ =	swait.ge [sflag:s23], $0x400  }
0x2d: {  	[sflag:s23] =	ssyncset.done $0x0  }
0x2e: {  	[sflag:s23] =	ssyncadd.s32 $0xFFFFFC00  }
0x2f: {  	[tilespmem:s25], [sflag:$0x5] =	stream.indirect.gather [hbm4b:s1+s24], $0x80, s7, s24, $0xb8;
	[tilespmem:$0x1CC00] =	vst v63  }
.Ltmp0:
0x30: {  	s19 =	simm.s32 $0x13C80;
	(pc) =	sbr.rel .LBB2_2-.Ltmp0, $4  }
0x31: {  	[tilespmem:s28], [sflag:$0x6] =	stream.indirect.gather [hbm4b:s1+s24], $0x80, s19, s24, $0xb8;
	[tilespmem:$0x1CC00] =	vst v63  }
0x32: {  	[bflag:$0x0] =	sbarrier.arrive $0xFFFF  }
0x33: {  	s19 =	rddreg [dreg:$0xe]  }
0x34: {  	s2 =	simm.s32 $0x0;
	s31 =	rddreg [dreg:$0xd]  }
.LBB2_3:
0x35: {  	_ =	swait.ge [sflag:s22], $0x400  }
0x36: {  	[sflag:s22] =	ssyncset.done $0x0  }
0x37: {  	[sflag:s22] =	ssyncadd.s32 $0xFFFFFC00  }
0x38: {  	_ =	swait.ge [sflag:s23], $0x400  }
0x39: {  	[sflag:s23] =	ssyncset.done $0x0  }
0x3a: {  	[sflag:s23] =	ssyncadd.s32 $0xFFFFFC00  }
0x3b: {  	_ =	swait.ge [sflag:s30], $0x4000  }
0x3c: {  	[sflag:s30] =	ssyncset.done $0x0  }
0x3d: {  	s7 =	simm.s32 $0x13C00;
	[sflag:s30] =	ssyncadd.s32 $0xFFFFC000  }
0x3e: {  	[tilespmem:s25], [sflag:$0x5] =	stream.indirect.gather [hbm4b:s1+s24], $0x80, s7, s24, $0xb8;
	[tilespmem:$0x1CC00] =	vst v63  }
0x3f: {  	_ =	swait.ge [sflag:s0], $0x4000  }
0x40: {  	[sflag:s0] =	ssyncset.done $0x0  }
0x41: {  	[sflag:s0] =	ssyncadd.s32 $0xFFFFC000  }
0x42: {  	[spmem:s3] =	stream.indirect.scatter.add.f32 [tilespmem:s28], [sflag:$0x8], $0x80, s18, s24, $0xb8;
	[tilespmem:$0x1CC00] =	vst v63  }
0x43: {  	_ =	swait.ge [sflag:s5], $0x4000  }
0x44: {  	[sflag:s5] =	ssyncset.done $0x0  }
0x45: {  	s9 =	simm.s32 $0x13C80;
	[sflag:s5] =	ssyncadd.s32 $0xFFFFC000  }
0x46: {  	[tilespmem:s28], [sflag:$0x6] =	stream.indirect.gather [hbm4b:s1+s24], $0x80, s9, s24, $0xb8;
	[tilespmem:$0x1CC00] =	vst v63  }
.LBB2_5:
0x47: {  	s7 =	sadd.s32 s19, s13  }
0x48: {  	s9 =	sadd.s32 s31, s13;
	s2 =	sadd.s32 $0x1, s2;
	s7 =	sadd.s32 $0x180, s7  }
0x49: {  	[tilespmem:s20], [sflag:$0x2] =	stream.linear.gather [hbm4b:s7+s4], $0x400, $0x38;
	[tilespmem:$0x1CC00] =	vst v63  }
0x4a: {  	s31 =	sadd.s32 $0x100, s31;
	s19 =	sadd.s32 $0x100, s19;
	s7 =	sadd.s32 $0x180, s9  }
0x4b: {  	[tilespmem:s21], [sflag:$0x4] =	stream.linear.gather [hbm4b:s7+s4], $0x400, $0x38;
	[tilespmem:$0x1CC00] =	vst v63  }
.LBB2_2:
0x4c: {  	_ =	swait.ge [sflag:s29], $0x4000  }
0x4d: {  	[sflag:s29] =	ssyncset.done $0x0  }
0x4e: {  	s7 =	simm.s32 $0x14400;
	[sflag:s29] =	ssyncadd.s32 $0xFFFFC000  }
0x4f: {  	[spmem:s3] =	stream.indirect.scatter.add.f32 [tilespmem:s25], [sflag:$0x7], $0x80, s7, s24, $0xb8;
	[tilespmem:$0x1CC00] =	vst v63  }
0x50: {  	_ =	swait.ge [sflag:s30], $0x4000  }
0x51: {  	[sflag:s30] =	ssyncset.done $0x0  }
0x52: {  	s9 =	simm.s32 $0x13D00;
	[sflag:s30] =	ssyncadd.s32 $0xFFFFC000  }
0x53: {  	[tilespmem:s25], [sflag:$0x5] =	stream.indirect.gather [hbm4b:s1+s24], $0x80, s9, s24, $0xb8;
	[tilespmem:$0x1CC00] =	vst v63  }
0x54: {  	_ =	swait.ge [sflag:s0], $0x4000  }
0x55: {  	[sflag:s0] =	ssyncset.done $0x0  }
0x56: {  	s8 =	simm.s32 $0x14480;
	[sflag:s0] =	ssyncadd.s32 $0xFFFFC000  }
0x57: {  	[spmem:s3] =	stream.indirect.scatter.add.f32 [tilespmem:s28], [sflag:$0x8], $0x80, s8, s24, $0xb8;
	[tilespmem:$0x1CC00] =	vst v63  }
0x58: {  	_ =	swait.ge [sflag:s5], $0x4000  }
0x59: {  	[sflag:s5] =	ssyncset.done $0x0  }
0x5a: {  	s9 =	simm.s32 $0x13D80;
	[sflag:s5] =	ssyncadd.s32 $0xFFFFC000  }
0x5b: {  	[tilespmem:s28], [sflag:$0x6] =	stream.indirect.gather [hbm4b:s1+s24], $0x80, s9, s24, $0xb8;
	[tilespmem:$0x1CC00] =	vst v63  }
0x5c: {  	_ =	swait.ge [sflag:s29], $0x4000  }
0x5d: {  	[sflag:s29] =	ssyncset.done $0x0  }
0x5e: {  	s8 =	simm.s32 $0x14500;
	[sflag:s29] =	ssyncadd.s32 $0xFFFFC000  }
0x5f: {  	[spmem:s3] =	stream.indirect.scatter.add.f32 [tilespmem:s25], [sflag:$0x7], $0x80, s8, s24, $0xb8;
	[tilespmem:$0x1CC00] =	vst v63  }
0x60: {  	_ =	swait.ge [sflag:s30], $0x4000  }
0x61: {  	[sflag:s30] =	ssyncset.done $0x0  }
0x62: {  	s9 =	simm.s32 $0x13E00;
	[sflag:s30] =	ssyncadd.s32 $0xFFFFC000  }
0x63: {  	[tilespmem:s25], [sflag:$0x5] =	stream.indirect.gather [hbm4b:s1+s24], $0x80, s9, s24, $0xb8;
	[tilespmem:$0x1CC00] =	vst v63  }
0x64: {  	_ =	swait.ge [sflag:s0], $0x4000  }
0x65: {  	[sflag:s0] =	ssyncset.done $0x0  }
0x66: {  	s8 =	simm.s32 $0x14580;
	[sflag:s0] =	ssyncadd.s32 $0xFFFFC000  }
0x67: {  	[spmem:s3] =	stream.indirect.scatter.add.f32 [tilespmem:s28], [sflag:$0x8], $0x80, s8, s24, $0xb8;
	[tilespmem:$0x1CC00] =	vst v63  }
0x68: {  	_ =	swait.ge [sflag:s5], $0x4000  }
0x69: {  	[sflag:s5] =	ssyncset.done $0x0  }
0x6a: {  	s9 =	simm.s32 $0x13E80;
	[sflag:s5] =	ssyncadd.s32 $0xFFFFC000  }
0x6b: {  	[tilespmem:s28], [sflag:$0x6] =	stream.indirect.gather [hbm4b:s1+s24], $0x80, s9, s24, $0xb8;
	[tilespmem:$0x1CC00] =	vst v63  }
0x6c: {  	_ =	swait.ge [sflag:s29], $0x4000  }
0x6d: {  	[sflag:s29] =	ssyncset.done $0x0  }
0x6e: {  	s8 =	simm.s32 $0x14600;
	[sflag:s29] =	ssyncadd.s32 $0xFFFFC000  }
0x6f: {  	[spmem:s3] =	stream.indirect.scatter.add.f32 [tilespmem:s25], [sflag:$0x7], $0x80, s8, s24, $0xb8;
	[tilespmem:$0x1CC00] =	vst v63  }
0x70: {  	_ =	swait.ge [sflag:s30], $0x4000  }
0x71: {  	[sflag:s30] =	ssyncset.done $0x0  }
0x72: {  	s9 =	simm.s32 $0x13F00;
	[sflag:s30] =	ssyncadd.s32 $0xFFFFC000  }
0x73: {  	[tilespmem:s25], [sflag:$0x5] =	stream.indirect.gather [hbm4b:s1+s24], $0x80, s9, s24, $0xb8;
	[tilespmem:$0x1CC00] =	vst v63  }
0x74: {  	_ =	swait.ge [sflag:s0], $0x4000  }
0x75: {  	[sflag:s0] =	ssyncset.done $0x0  }
0x76: {  	s8 =	simm.s32 $0x14680;
	[sflag:s0] =	ssyncadd.s32 $0xFFFFC000  }
0x77: {  	[spmem:s3] =	stream.indirect.scatter.add.f32 [tilespmem:s28], [sflag:$0x8], $0x80, s8, s24, $0xb8;
	[tilespmem:$0x1CC00] =	vst v63  }
0x78: {  	_ =	swait.ge [sflag:s5], $0x4000  }
0x79: {  	[sflag:s5] =	ssyncset.done $0x0  }
0x7a: {  	s9 =	simm.s32 $0x13F80;
	[sflag:s5] =	ssyncadd.s32 $0xFFFFC000  }
0x7b: {  	[tilespmem:s28], [sflag:$0x6] =	stream.indirect.gather [hbm4b:s1+s24], $0x80, s9, s24, $0xb8;
	[tilespmem:$0x1CC00] =	vst v63  }
0x7c: {  	_ =	swait.ge [sflag:s29], $0x4000  }
0x7d: {  	[sflag:s29] =	ssyncset.done $0x0  }
0x7e: {  	s8 =	simm.s32 $0x14700;
	[sflag:s29] =	ssyncadd.s32 $0xFFFFC000  }
0x7f: {  	[spmem:s3] =	stream.indirect.scatter.add.f32 [tilespmem:s25], [sflag:$0x7], $0x80, s8, s24, $0xb8;
	[tilespmem:$0x1CC00] =	vst v63  }
0x80: {  	_ =	swait.ge [sflag:s17], $0x400  }
0x81: {  	[sflag:s17] =	ssyncset.done $0x0  }
0x82: {  	[sflag:s17] =	ssyncadd.s32 $0xFFFFFC00  }
0x83: {  	_ =	swait.ge [sflag:s26], $0x400  }
0x84: {  	[sflag:s26] =	ssyncset.done $0x0  }
0x85: {  	[sflag:s26] =	ssyncadd.s32 $0xFFFFFC00  }
0x86: {  	_ =	swait.ge [sflag:s30], $0x4000  }
0x87: {  	[sflag:s30] =	ssyncset.done $0x0  }
0x88: {  	[sflag:s30] =	ssyncadd.s32 $0xFFFFC000  }
0x89: {  	[tilespmem:s25], [sflag:$0x5] =	stream.indirect.gather [hbm4b:s1+s24], $0x80, s20, s24, $0xb8;
	[tilespmem:$0x1CC00] =	vst v63  }
0x8a: {  	_ =	swait.ge [sflag:s0], $0x4000  }
0x8b: {  	[sflag:s0] =	ssyncset.done $0x0  }
0x8c: {  	s9 =	simm.s32 $0x14780;
	[sflag:s0] =	ssyncadd.s32 $0xFFFFC000  }
0x8d: {  	[spmem:s3] =	stream.indirect.scatter.add.f32 [tilespmem:s28], [sflag:$0x8], $0x80, s9, s24, $0xb8;
	[tilespmem:$0x1CC00] =	vst v63  }
0x8e: {  	_ =	swait.ge [sflag:s5], $0x4000  }
0x8f: {  	p0 =	seq.s32 s2, $0x4;
	[sflag:s5] =	ssyncset.done $0x0  }
0x90: {  	s7 =	sadd.s32 @!p0 s19, s13;
	s8 =	simm.s32 $0x14080;
	[sflag:s5] =	ssyncadd.s32 $0xFFFFC000  }
0x91: {  	[tilespmem:s28], [sflag:$0x6] =	stream.indirect.gather [hbm4b:s1+s24], $0x80, s8, s24, $0xb8;
	[tilespmem:$0x1CC00] =	vst v63  }
0x92: {  	s7 =	sadd.s32 @!p0 $0x100, s7;
	s9 =	simm.s32 @!p0 $0x13C00;
	s8 =	simm.s32 @!p0 $0x0  }
0x93: {  	[tilespmem:s9], [sflag:$0x1] =	stream.linear.gather @!p0 [hbm4b:s7+s8], $0x400, $0x38;
	[tilespmem:$0x1CC00] =	vst v63  }
0x94: {  	s7 =	sadd.s32 @!p0 s31, s13  }
0x95: {  	s9 =	simm.s32 @!p0 $0x14400;
	s7 =	sadd.s32 @!p0 $0x100, s7  }
0x96: {  	[tilespmem:s9], [sflag:$0x3] =	stream.linear.gather @!p0 [hbm4b:s7+s8], $0x400, $0x38;
	[tilespmem:$0x1CC00] =	vst v63  }
0x97: {  	_ =	swait.ge [sflag:s29], $0x4000  }
0x98: {  	[sflag:s29] =	ssyncset.done $0x0  }
0x99: {  	[sflag:s29] =	ssyncadd.s32 $0xFFFFC000  }
0x9a: {  	[spmem:s3] =	stream.indirect.scatter.add.f32 [tilespmem:s25], [sflag:$0x7], $0x80, s21, s24, $0xb8;
	[tilespmem:$0x1CC00] =	vst v63  }
0x9b: {  	_ =	swait.ge [sflag:s30], $0x4000  }
0x9c: {  	[sflag:s30] =	ssyncset.done $0x0  }
0x9d: {  	s9 =	simm.s32 $0x14100;
	[sflag:s30] =	ssyncadd.s32 $0xFFFFC000  }
0x9e: {  	[tilespmem:s25], [sflag:$0x5] =	stream.indirect.gather [hbm4b:s1+s24], $0x80, s9, s24, $0xb8;
	[tilespmem:$0x1CC00] =	vst v63  }
0x9f: {  	_ =	swait.ge [sflag:s0], $0x4000  }
0xa0: {  	[sflag:s0] =	ssyncset.done $0x0  }
0xa1: {  	s8 =	simm.s32 $0x14880;
	[sflag:s0] =	ssyncadd.s32 $0xFFFFC000  }
0xa2: {  	[spmem:s3] =	stream.indirect.scatter.add.f32 [tilespmem:s28], [sflag:$0x8], $0x80, s8, s24, $0xb8;
	[tilespmem:$0x1CC00] =	vst v63  }
0xa3: {  	_ =	swait.ge [sflag:s5], $0x4000  }
0xa4: {  	[sflag:s5] =	ssyncset.done $0x0  }
0xa5: {  	s9 =	simm.s32 $0x14180;
	[sflag:s5] =	ssyncadd.s32 $0xFFFFC000  }
0xa6: {  	[tilespmem:s28], [sflag:$0x6] =	stream.indirect.gather [hbm4b:s1+s24], $0x80, s9, s24, $0xb8;
	[tilespmem:$0x1CC00] =	vst v63  }
0xa7: {  	_ =	swait.ge [sflag:s29], $0x4000  }
0xa8: {  	[sflag:s29] =	ssyncset.done $0x0  }
0xa9: {  	s8 =	simm.s32 $0x14900;
	[sflag:s29] =	ssyncadd.s32 $0xFFFFC000  }
0xaa: {  	[spmem:s3] =	stream.indirect.scatter.add.f32 [tilespmem:s25], [sflag:$0x7], $0x80, s8, s24, $0xb8;
	[tilespmem:$0x1CC00] =	vst v63  }
0xab: {  	_ =	swait.ge [sflag:s30], $0x4000  }
0xac: {  	[sflag:s30] =	ssyncset.done $0x0  }
0xad: {  	s9 =	simm.s32 $0x14200;
	[sflag:s30] =	ssyncadd.s32 $0xFFFFC000  }
0xae: {  	[tilespmem:s25], [sflag:$0x5] =	stream.indirect.gather [hbm4b:s1+s24], $0x80, s9, s24, $0xb8;
	[tilespmem:$0x1CC00] =	vst v63  }
0xaf: {  	_ =	swait.ge [sflag:s0], $0x4000  }
0xb0: {  	[sflag:s0] =	ssyncset.done $0x0  }
0xb1: {  	[sflag:s0] =	ssyncadd.s32 $0xFFFFC000  }
0xb2: {  	[spmem:s3] =	stream.indirect.scatter.add.f32 [tilespmem:s28], [sflag:$0x8], $0x80, s10, s24, $0xb8;
	[tilespmem:$0x1CC00] =	vst v63  }
0xb3: {  	_ =	swait.ge [sflag:s5], $0x4000  }
0xb4: {  	[sflag:s5] =	ssyncset.done $0x0  }
0xb5: {  	[sflag:s5] =	ssyncadd.s32 $0xFFFFC000  }
0xb6: {  	[tilespmem:s28], [sflag:$0x6] =	stream.indirect.gather [hbm4b:s1+s24], $0x80, s11, s24, $0xb8;
	[tilespmem:$0x1CC00] =	vst v63  }
0xb7: {  	_ =	swait.ge [sflag:s29], $0x4000  }
0xb8: {  	[sflag:s29] =	ssyncset.done $0x0  }
0xb9: {  	[sflag:s29] =	ssyncadd.s32 $0xFFFFC000  }
0xba: {  	[spmem:s3] =	stream.indirect.scatter.add.f32 [tilespmem:s25], [sflag:$0x7], $0x80, s12, s24, $0xb8;
	[tilespmem:$0x1CC00] =	vst v63  }
0xbb: {  	_ =	swait.ge [sflag:s30], $0x4000  }
0xbc: {  	[sflag:s30] =	ssyncset.done $0x0  }
0xbd: {  	[sflag:s30] =	ssyncadd.s32 $0xFFFFC000  }
0xbe: {  	[tilespmem:s25], [sflag:$0x5] =	stream.indirect.gather [hbm4b:s1+s24], $0x80, s14, s24, $0xb8;
	[tilespmem:$0x1CC00] =	vst v63  }
0xbf: {  	_ =	swait.ge [sflag:s0], $0x4000  }
0xc0: {  	[sflag:s0] =	ssyncset.done $0x0  }
0xc1: {  	[sflag:s0] =	ssyncadd.s32 $0xFFFFC000  }
0xc2: {  	[spmem:s3] =	stream.indirect.scatter.add.f32 [tilespmem:s28], [sflag:$0x8], $0x80, s15, s24, $0xb8;
	[tilespmem:$0x1CC00] =	vst v63  }
0xc3: {  	_ =	swait.ge [sflag:s5], $0x4000  }
0xc4: {  	[sflag:s5] =	ssyncset.done $0x0  }
0xc5: {  	p1 =	sgt.u32 s2, $0x3;
	[sflag:s5] =	ssyncadd.s32 $0xFFFFC000  }
0xc6: {  	[tilespmem:s28], [sflag:$0x6] =	stream.indirect.gather [hbm4b:s1+s24], $0x80, s6, s24, $0xb8;
	[tilespmem:$0x1CC00] =	vst v63  }
.Ltmp1:
0xc7: {  	_ = 	snop;
	(pc) =	sbr.rel @!p1 .LBB2_3-.Ltmp1, $4  }
0xc8: {  	_ =	swait.ge [sflag:s29], $0x4000  }
0xc9: {  	[sflag:s29] =	ssyncset.done $0x0  }
0xca: {  	[sflag:s29] =	ssyncadd.s32 $0xFFFFC000  }
0xcb: {  	[spmem:s3] =	stream.indirect.scatter.add.f32 [tilespmem:s25], [sflag:$0x7], $0x80, s16, s24, $0xb8;
	[tilespmem:$0x1CC00] =	vst v63  }
.Ltmp2:
0xcc: {  	(pc) =	sbr.rel @!p0 .LBB2_5-.Ltmp2, $4  }
0xcd: {  	_ =	swait.ge [sflag:s0], $0x4000  }
0xce: {  	[sflag:s0] =	ssyncset.done $0x0  }
0xcf: {  	[sflag:s0] =	ssyncadd.s32 $0xFFFFC000  }
0xd0: {  	[spmem:s3] =	stream.indirect.scatter.add.f32 [tilespmem:s28], [sflag:$0x8], $0x80, s18, s24, $0xb8;
	[tilespmem:$0x1CC00] =	vst v63  }
0xd1: {  	_ =	swait.ge [sflag:s30], $0x4000  }
0xd2: {  	[sflag:s30] =	ssyncset.done $0x0  }
0xd3: {  	[sflag:s30] =	ssyncadd.s32 $0xFFFFC000  }
0xd4: {  	_ =	swait.ge [sflag:s5], $0x4000  }
0xd5: {  	[sflag:s5] =	ssyncset.done $0x0  }
0xd6: {  	[sflag:s5] =	ssyncadd.s32 $0xFFFFC000  }
0xd7: {  	[bflag:$0x0] =	sbarrier.arrive $0xFFFF  }
0xd8: {  	s9 =	rddreg [dreg:$0x6]  }
0xd9: {  	s2 =	rddreg [dreg:$0xb]  }
0xda: {  	s8 =	simm.s32 $0x9;
	s7 =	rddreg [dreg:$0xf]  }
0xdb: {  	[hbm:s2], [sflag:s9] =	dma.local [spmem:s7], $0x2780  }
0xdc: {  	_ =	swait.ge [sflag:s8], $0x2780  }
0xdd: {  	s19 =	rddreg [dreg:$0x10]  }
0xde: {  	s31 =	rddreg [dreg:$0xc];
	s19 =	sadd.s32 $0x1, s19  }
0xdf: {  	p0 =	sne.s32 s19, s31  }
.Ltmp3:
0xe0: {  	_ = 	snop;
	(pc) =	sbr.rel @p0 .LBB2_1-.Ltmp3, $3  }
0xe1: {  	_ =	sdelay $0x1  }
0xe2: {  	[sflag:s8] =	ssyncset.done $0x0  }
0xe3: {  	[sflag:s8] =	ssyncadd.s32 $0xFFFFD880  }
0xe4: {  	_ =	sfence.sel $0x180000  }
0xe5: {  	[bflag:$0x0] =	sbarrier.arrive $0xFFFF  }
0xe6: {  	_ =	strace $0x90000047  }
0xe7: {  	s0 =	stileid.u32;
	[bflag:$0x2] =	sbarrier.arrive $0xFFFF  }
0xe8: {  	p0 =	sne.s32 s0, $0x0;
	s0 =	rddreg [dreg:$0x4]  }
0xe9: {  	s0 =	sadd.s32 @!p0 $0x100000, s0  }
0xea: {  	[sflag:s0] =	ssyncadd.tile.s32 @!p0 $0x1;
	_ =	shalt  }
.Lfunc_end2:
_tile_overlayer_lowered:
.L_overlay_start_2:
0xeb: {  	(tag) =	ssettag $0x2  }
0xec: {  	s0 =	rddreg [dreg:$0x0];
	s2 =	stileid.u32  }
0xed: {  	s1 =	rddreg [dreg:$0x1];
	p0 =	sne.s32 s2, $0x0  }
0xee: {  	s3 =	rddreg [dreg:$0x2];
	[bflag:$0x3] =	sbarrier.arrive $0xFFFF;
	s2 =	simm.s32 @!p0 $0x1C09  }
0xef: {  	[timem:s3], [sflag:s2] =	dma.local @!p0 [hbm:s0], s1  }
0xf0: {  	s0 =	simm.s32 @!p0 $0x9  }
0xf1: {  	_ =	swait.ge @!p0 [sflag:s0], s1  }
0xf2: {  	s1 =	ssub.s32 @!p0 $0x0, s1;
	[sflag:s0] =	ssyncset.done @!p0 $0x0  }
0xf3: {  	[sflag:s0] =	ssyncadd.s32 @!p0 s1  }
0xf4: {  	[bflag:$0x3] =	sbarrier.arrive $0xFFFF  }
0xf5: {  	_ =	shalt  }

// kernel: kernel.9.cloned.1.call-start
scs
__scs_entry_jumppad:
0x0: {  	(pc) =	sbr.rel $0x88, $3  }
0x1: {  	(tag) =	ssettag $0x0;
	lr =	simm.s32 $0x1  }
0x2: {  	[smem:$0x3F9B] =	sst lr;
	_ =	strace $0xD0000000  }
0x3: {  	_ = 	snop  }
0x4: {  	_ = 	snop  }
0x5: {  	_ = 	snop  }
0x6: {  	_ = 	snop  }
0x7: {  	_ = 	snop  }
__scs_overlays_trampoline_lowered:
0x8: {  	[smem:$0x3FAA] =	sst s0  }
0x9: {  	[smem:$0x3FAB] =	sst s1  }
0xa: {  	[smem:$0x3FAC] =	sst s2  }
0xb: {  	[smem:$0x3FAD] =	sst s3  }
0xc: {  	[smem:$0x3FAE] =	sst s4  }
0xd: {  	[smem:$0x3FAF] =	sst s5  }
0xe: {  	[smem:$0x3FB0] =	sst s6  }
0xf: {  	[smem:$0x3FB1] =	sst s7  }
0x10: {  	[smem:$0x3FB2] =	sst s8  }
0x11: {  	[smem:$0x3FB3] =	sst s9;
	s0 =	simm.s32 @!p0 $0x0  }
0x12: {  	s1 =	sld [smem:$0x3F99];
	s0 =	simm.s32 @p0 $0x1  }
0x13: {  	[smem:$0x3FB4] =	sst s0;
	s0 =	simm.s32 @!p1 $0x0  }
0x14: {  	s2 =	sld [smem:$0x3F98];
	s0 =	simm.s32 @p1 $0x1  }
0x15: {  	[smem:$0x3FB5] =	sst s0;
	s0 =	simm.s32 @!p2 $0x0  }
0x16: {  	s3 =	sld [smem:$0x3FDB];
	s0 =	simm.s32 @p2 $0x1  }
0x17: {  	s4 =	simm.s32 $0x1BF5;
	[smem:$0x3FB7] =	sst s0  }
0x18: {  	s0 =	sld [smem:$0x3F9A];
	_ =	swait.ge [sflag:s4], $0x0  }
0x19: {  	s7 =	sld [smem:$0x3F9B]  }
0x1a: {  	s8 =	sadd.s32 $0xFFFFE003, lr  }
0x1b: {  	s9 =	sadd.s32 $0xFFFFFEF7, lr;
	s5 =	simm.s32 $0xFFFFFFFF;
	p2 =	slt.u32 s8, $0xFFFFF086  }
0x1c: {  	p1 =	slt.u32 s9, $0xF7A;
	s5 =	simm.s32 @!p2 $0x0  }
0x1d: {  	s5 =	simm.s32 @p1 $0x1;
	p0 =	seq.s32 s7, s2  }
0x1e: {  	s7 =	smul.u32 @!p0 $0xF7A, s2;
	p2 =	seq.s32 @!p0 s5, $0x0  }
0x1f: {  	s9 =	smul.u32 $0xF7A, s1;
	s8 =	simm.s32 @!p0 $0x1BF5;
	p2 =	por !p2, p0  }
0x20: {  	[sflag:s8] =	ssyncset.s32 @!p0 $0xFFFFF086;
	s6 =	sadd.s32 @!p0 s3, s7;
	s7 =	simm.s32 @!p0 $0x108  }
0x21: {  	s3 =	sadd.s32 s3, s9;
	s6 =	sadd.s32 @!p0 $0x88, s6;
	s7 =	simm.s32 @p2 $0x1082  }
0x22: {  	[simem:s7], [sflag:s8] =	dma.local @!p0 [hbm:s6], $0xF7A  }
0x23: {  	s9 =	sor.u32 $0xD0000000, s2;
	s6 =	simm.s32 $0x108;
	_ =	swait.ge @!p0 [sflag:s8], $0x0  }
0x24: {  	s3 =	sadd.s32 $0x88, s3;
	s6 =	simm.s32 @!p1 $0x1082;
	[sflag:s4] =	ssyncset.s32 $0xFFFFF086  }
0x25: {  	[simem:s6], [sflag:s4] =	dma.local [hbm:s3], $0xF7A  }
0x26: {  	[smem:$0x3F9B] =	sst s1;
	(tag) =	ssettag s2;
	_ =	strace s9  }
0x27: {  	s1 =	sld [smem:$0x3FAB]  }
0x28: {  	s2 =	sld [smem:$0x3FAC]  }
0x29: {  	s4 =	sld [smem:$0x3FAE]  }
0x2a: {  	p0 =	seq.s32 s5, $0x0;
	s5 =	sld [smem:$0x3FAF]  }
0x2b: {  	s6 =	sld [smem:$0x3FB0]  }
0x2c: {  	s7 =	sld [smem:$0x3FB1]  }
0x2d: {  	s3 =	simm.s32 $0x108;
	s8 =	sld [smem:$0x3FB2]  }
0x2e: {  	s3 =	simm.s32 @!p0 $0x1082;
	s9 =	sld [smem:$0x3FB3]  }
0x2f: {  	lr =	sadd.s32 s0, s3;
	s0 =	sld [smem:$0x3FAA]  }
0x30: {  	s3 =	sld [smem:$0x3FAD]  }
0x31: {  	[smem:$0x3FB6] =	sst s10  }
0x32: {  	s10 =	sld [smem:$0x3FB4];
	_ =	sdelay $0x3  }
0x33: {  	p0 =	seq.s32 s10, $0x1;
	s10 =	sld [smem:$0x3FB6];
	_ =	sdelay $0x3  }
0x34: {  	[smem:$0x3FB6] =	sst s10  }
0x35: {  	s10 =	sld [smem:$0x3FB5];
	_ =	sdelay $0x3  }
0x36: {  	p1 =	seq.s32 s10, $0x1;
	s10 =	sld [smem:$0x3FB6];
	_ =	sdelay $0x3  }
0x37: {  	[smem:$0x3FB6] =	sst s10  }
0x38: {  	s10 =	sld [smem:$0x3FB7]  }
0x39: {  	_ = 	snop;
	(pc) =	sbr.ind lr, $3  }
0x3a: {  	_ = 	snop  }
0x3b: {  	_ = 	snop  }
0x3c: {  	p2 =	seq.s32 s10, $0x1;
	s10 =	sld [smem:$0x3FB6]  }
0x3d: {  	_ =	shalt  }
0x3e: {  	_ =	shalt  }
0x3f: {  	_ =	shalt  }
0x40: {  	_ =	shalt  }
0x41: {  	_ =	shalt  }
0x42: {  	_ =	shalt  }
0x43: {  	_ =	shalt  }
0x44: {  	_ =	shalt  }
0x45: {  	_ =	shalt  }
0x46: {  	_ =	shalt  }
0x47: {  	_ =	shalt  }
0x48: {  	_ =	shalt  }
0x49: {  	_ =	shalt  }
0x4a: {  	_ =	shalt  }
0x4b: {  	_ =	shalt  }
0x4c: {  	_ =	shalt  }
0x4d: {  	_ =	shalt  }
0x4e: {  	_ =	shalt  }
0x4f: {  	_ =	shalt  }
0x50: {  	_ =	shalt  }
0x51: {  	_ =	shalt  }
0x52: {  	_ =	shalt  }
0x53: {  	_ =	shalt  }
0x54: {  	_ =	shalt  }
0x55: {  	_ =	shalt  }
0x56: {  	_ =	shalt  }
0x57: {  	_ =	shalt  }
0x58: {  	_ =	shalt  }
0x59: {  	_ =	shalt  }
0x5a: {  	_ =	shalt  }
0x5b: {  	_ =	shalt  }
0x5c: {  	_ =	shalt  }
0x5d: {  	_ =	shalt  }
0x5e: {  	_ =	shalt  }
0x5f: {  	_ =	shalt  }
0x60: {  	_ =	shalt  }
0x61: {  	_ =	shalt  }
0x62: {  	_ =	shalt  }
0x63: {  	_ =	shalt  }
0x64: {  	_ =	shalt  }
0x65: {  	_ =	shalt  }
0x66: {  	_ =	shalt  }
0x67: {  	_ =	shalt  }
0x68: {  	_ =	shalt  }
0x69: {  	_ =	shalt  }
0x6a: {  	_ =	shalt  }
0x6b: {  	_ =	shalt  }
0x6c: {  	_ =	shalt  }
0x6d: {  	_ =	shalt  }
0x6e: {  	_ =	shalt  }
0x6f: {  	_ =	shalt  }
0x70: {  	_ =	shalt  }
0x71: {  	_ =	shalt  }
0x72: {  	_ =	shalt  }
0x73: {  	_ =	shalt  }
0x74: {  	_ =	shalt  }
0x75: {  	_ =	shalt  }
0x76: {  	_ =	shalt  }
0x77: {  	_ =	shalt  }
0x78: {  	_ =	shalt  }
0x79: {  	_ =	shalt  }
0x7a: {  	_ =	shalt  }
0x7b: {  	_ =	shalt  }
0x7c: {  	_ =	shalt  }
0x7d: {  	_ =	shalt  }
0x7e: {  	_ =	shalt  }
0x7f: {  	_ =	shalt  }
0x80: {  	_ =	shalt  }
0x81: {  	_ =	shalt  }
0x82: {  	_ =	shalt  }
0x83: {  	_ =	shalt  }
0x84: {  	_ =	shalt  }
0x85: {  	_ =	shalt  }
0x86: {  	_ =	shalt  }
0x87: {  	_ =	shalt  }
.Lfunc_end0:
.L_simem_size_0:
called_computation.1_lowered:
.L_overlay_start_0:
0x88: {  	s2 =	sld [smem:$0x3FD9]  }
0x89: {  	s3 =	sld [smem:$0x3FFE];
	_ =	sdelay $0x1  }
0x8a: {  	s1 =	srdreg.scid  }
0x8b: {  	s0 =	sand.u32 $0x1, s1  }
0x8c: {  	s17 =	sshll.u32 s0, $0xA;
	s2 =	sadd.s32 s3, s2  }
0x8d: {  	s2 =	sadd.s32 s2, s17  }
0x8e: {  	[smem:$0x3FC2] =	sst s2  }
0x8f: {  	_ = 	snop  }
0x90: {  	s2 =	sld [smem:$0x3FD0];
	(tm) =	ssettm $0x1  }
0x91: {  	s18 =	sld [smem:$0x3FFB];
	_ =	sdelay $0x3  }
0x92: {  	_ =	strace s18  }
0x93: {  	s3 =	sld [smem:$0x3FFC];
	_ =	sdelay $0x3  }
0x94: {  	_ =	strace s3  }
0x95: {  	s3 =	sld [smem:$0x3FFD];
	_ =	sdelay $0x3  }
0x96: {  	_ =	strace s3  }
0x97: {  	_ =	strace $0x8FFFFFFF  }
0x98: {  	s19 =	sld [smem:$0x3FDB];
	_ =	sdelay $0x1  }
0x99: {  	s4 =	simm.s32 $_scs_section_size  }
0x9a: {  	s5 =	simm.s32 $_size__tile_overlayer_lowered;
	s6 =	simm.s32 $_tile_overlayer_lowered  }
0x9b: {  	s22 =	simm.s32 $0x1BFF;
	s21 =	sshll.u32 s6, $0x1;
	s3 =	sadd.s32 s4, s19  }
0x9c: {  	s7 =	simm.s32 $0x0;
	s20 =	sshll.u32 s5, $0x1;
	s5 =	sadd.s32 s21, s3  }
0x9d: {  	[timem:s7], [sflag:s22] =	dma.local [hbm:s5], s20  }
0x9e: {  	_ =	swait.ge [sflag:s22], s20  }
0x9f: {  	s4 =	ssub.s32 $0x0, s20;
	[sflag:s22] =	ssyncset.done $0x0  }
0xa0: {  	[sflag:s22] =	ssyncadd.s32 s4;
	_ =	sdelay $0x1  }
0xa1: {  	s23 =	simm.s32 $0x1B8B  }
0xa2: {  	_ =	swait.ge [sflag:s23], $0x1  }
0xa3: {  	[sflag:s23] =	ssyncset.done $0x0  }
0xa4: {  	s25 =	simm.s32 $0x1B8E;
	s24 =	sld [smem:$0x3FFE];
	[sflag:s23] =	ssyncadd.s32 $0xFFFFFFFF  }
0xa5: {  	s26 =	simm.s32 $execute0_lowered;
	[smem:$0x3FD2] =	sst s25  }
0xa6: {  	s5 =	sshll.u32 s26, $0x1;
	_ =	strace $0x80000049;
	[dreg:$0x1] =	wrdreg $0xFFFFFFFF  }
0xa7: {  	s28 =	simm.s32 $_size_execute0_lowered;
	s3 =	sadd.s32 s3, s5;
	[dreg:$0x0] =	wrdreg $0x0  }
0xa8: {  	s5 =	sshll.u32 s28, $0x1;
	[dreg:$0x2] =	wrdreg s3  }
0xa9: {  	[dreg:$0x3] =	wrdreg s5  }
0xaa: {  	[dreg:$0x4] =	wrdreg $0xC0  }
0xab: {  	_ =	task [dreg:s7], $0x5FFFF  }
0xac: {  	[dreg:$0x1] =	wrdreg $0xFFFFFFFF  }
0xad: {  	[dreg:$0x0] =	wrdreg $0x60  }
0xae: {  	[dreg:$0x2] =	wrdreg s24  }
0xaf: {  	[dreg:$0x3] =	wrdreg s2  }
0xb0: {  	[dreg:$0x4] =	wrdreg $0x0  }
0xb1: {  	[dreg:$0x5] =	wrdreg $0x9  }
0xb2: {  	_ =	task.clear_ibuf [dreg:s7], $0x6FFFF;
	_ =	strace $0x90000049  }
0xb3: {  	s29 =	simm.s32 $0x9;
	_ =	strace $0x8000004B  }
0xb4: {  	_ =	swait.ge [sflag:s29], $0x1  }
0xb5: {  	[sflag:s29] =	ssyncadd.s32 $0xFFFFFFFF  }
0xb6: {  	_ =	strace $0x9000004B  }
0xb7: {  	_ =	sfence  }
0xb8: {  	s30 =	sld [smem:$0x0];
	_ =	sdelay $0x2  }
0xb9: {  	s31 =	sshll.u32 s1, $0xD;
	s1 =	sshrl.u32 s1, $0x2  }
0xba: {  	s3 =	sand.u32 $0x4000, s31;
	s1 =	sadd.s32 s1, s30  }
0xbb: {  	s0 =	sor.u32 s3, s0;
	s1 =	sshll.u32 s1, $0x11  }
0xbc: {  	s0 =	sor.u32 s1, s0  }
0xbd: {  	s0 =	sadd.s32 $0x8F2B, s0  }
0xbe: {  	[sflag:s0] =	ssyncadd.remote.s32 $0x1  }
0xbf: {  	_ =	sfence.sel $0xFFFF  }
0xc0: {  	[dreg:$0x0] =	wrdreg $0xFFFFFFFF;
	(pc) =	sbr.abs _section_cstart, $3  }
0xc1: {  	[dreg:$0x1] =	wrdreg $0xFFFFFFFF  }
0xc2: {  	_ =	task.clear_ibuf [dreg:s7], $0x2FFFF;
	_ =	strace $0x9FFFFFFF  }
0xc3: {  	(tm) =	ssettm $0x7FFFFFFF  }
tec
execute0_lowered:
.L_overlay_start_1:
0x0: {  	(tag) =	ssettag $0x1  }
0x1: {  	s0 =	rddreg [dreg:$0x0]  }
0x2: {  	s1 =	rddreg [dreg:$0x1]  }
0x3: {  	s2 =	rddreg [dreg:$0x2]  }
0x4: {  	s13 =	stileid.u32;
	s4 =	srdreg.scid  }
0x5: {  	s3 =	simm.s32 $0x0;
	s28 =	simm.s32 $0x18C00;
	s29 =	simm.s32 $0x5  }
0x6: {  	s30 =	simm.s32 $0x7;
	s14 =	simm.s32 $0x14300;
	s15 =	simm.s32 $0x14A80  }
0x7: {  	s16 =	simm.s32 $0x14B00;
	s5 =	smul.u32 $0x2780, s13;
	s6 =	sand.u32 $0x1, s4  }
0x8: {  	[smem:$0x7FF] =	sst s3;
	s4 =	sadd.s32 $0x32800, s0;
	s12 =	smul.u32 $0x4F000, s13  }
0x9: {  	s8 =	sadd.s32 $0x1000, s0;
	s21 =	sshll.u32 s13, $0x6;
	s7 =	smul.u32 $0x27800, s6  }
0xa: {  	_ =	strace $0x8000004A;
	s17 =	ssub.s32 $0x2, s6;
	s11 =	sshll.u32 s6, $0x4  }
0xb: {  	s6 =	smul.u32 $0x5000, s6;
	s9 =	sadd.s32 s5, s0;
	s10 =	sshrl.u32 s17, $0x1  }
0xc: {  	s19 =	sor.u32 s13, s11;
	s20 =	sshrl.u32 s12, $0x2;
	s13 =	smul.u32 $0x500, s13  }
0xd: {  	s11 =	simm.s32 $0x14280;
	s12 =	simm.s32 $0x14A00;
	s5 =	sadd.s32 s5, s7  }
0xe: {  	s18 =	ssub.s32 s17, s10;
	s7 =	smul.u32 $0x500, s19;
	s10 =	sadd.s32 s20, s2  }
0xf: {  	s9 =	sadd.s32 $0xB000, s9;
	s26 =	sadd.s32 s6, s8;
	s31 =	sadd.s32 s6, s1  }
0x10: {  	s20 =	simm.s32 $0x14000;
	s17 =	simm.s32 $0x2;
	s6 =	simm.s32 $0x14380  }
0x11: {  	s19 =	simm.s32 $0x0;
	s0 =	sadd.s32 s5, s0;
	[dreg:$0x4] =	wrdreg s9  }
0x12: {  	s9 =	sor.u32 $0x1C09, s21;
	s25 =	smax.u32 s18, $0x1;
	[dreg:$0xc] =	wrdreg s26  }
0x13: {  	[dreg:$0xd] =	wrdreg s31;
	s21 =	simm.s32 $0x14800;
	s5 =	simm.s32 $0x8  }
0x14: {  	s26 =	simm.s32 $0x4;
	s18 =	simm.s32 $0x14B80;
	[dreg:$0xb] =	wrdreg s25  }
0x15: {  	s22 =	sadd.s32 s1, s7;
	s23 =	sadd.s32 s8, s7;
	[dreg:$0x5] =	wrdreg s9  }
0x16: {  	s7 =	sor.u32 $0x80, s7;
	s0 =	sadd.s32 $0x5A000, s0;
	[dreg:$0x6] =	wrdreg s22  }
0x17: {  	s25 =	simm.s32 $0x14C00;
	[dreg:$0x7] =	wrdreg s23;
	s24 =	sadd.s32 s1, s7  }
0x18: {  	s7 =	sadd.s32 s8, s7;
	[dreg:$0xa] =	wrdreg s0;
	s8 =	simm.s32 $0x9  }
0x19: {  	s22 =	simm.s32 $0x1;
	s23 =	simm.s32 $0x3;
	[dreg:$0x8] =	wrdreg s24  }
0x1a: {  	s0 =	simm.s32 $0x6;
	[dreg:$0x9] =	wrdreg s7;
	s7 =	sshrl.u32 s10, $0x3  }
0x1b: {  	s24 =	simm.s32 $0x80;
	s10 =	simm.s32 $0x14980;
	[dreg:$0xe] =	wrdreg s7  }
.LBB2_1:
0x1c: {  	[dreg:$0xf] =	wrdreg s19  }
0x1d: {  	s1 =	rddreg [dreg:$0x4]  }
0x1e: {  	[spmem:s7], [sflag:s9] =	dma.local [hbm:s1], $0x2780  }
0x1f: {  	_ =	swait.ge [sflag:s8], $0x2780  }
0x20: {  	[sflag:s8] =	ssyncset.done $0x0  }
0x21: {  	s7 =	simm.s32 $0x13C00;
	[sflag:s8] =	ssyncadd.s32 $0xFFFFD880;
	s8 =	rddreg [dreg:$0x6]  }
0x22: {  	[tilespmem:s7], [sflag:$0x1] =	stream.linear.gather [hbm4b:s8+s3], $0x400, $0x38;
	[tilespmem:$0x1CC00] =	vst v63  }
0x23: {  	s19 =	simm.s32 $0x14400;
	s9 =	rddreg [dreg:$0x7]  }
0x24: {  	[tilespmem:s19], [sflag:$0x3] =	stream.linear.gather [hbm4b:s9+s3], $0x400, $0x38;
	[tilespmem:$0x1CC00] =	vst v63  }
0x25: {  	s8 =	rddreg [dreg:$0x8]  }
0x26: {  	[tilespmem:s20], [sflag:$0x2] =	stream.linear.gather [hbm4b:s8+s3], $0x400, $0x38;
	[tilespmem:$0x1CC00] =	vst v63  }
0x27: {  	s9 =	rddreg [dreg:$0x9]  }
0x28: {  	[tilespmem:s21], [sflag:$0x4] =	stream.linear.gather [hbm4b:s9+s3], $0x400, $0x38;
	[tilespmem:$0x1CC00] =	vst v63  }
0x29: {  	_ =	swait.ge [sflag:s22], $0x400  }
0x2a: {  	[sflag:s22] =	ssyncset.done $0x0  }
0x2b: {  	[sflag:s22] =	ssyncadd.s32 $0xFFFFFC00  }
0x2c: {  	_ =	swait.ge [sflag:s23], $0x400  }
0x2d: {  	[sflag:s23] =	ssyncset.done $0x0  }
0x2e: {  	[sflag:s23] =	ssyncadd.s32 $0xFFFFFC00  }
0x2f: {  	[tilespmem:s25], [sflag:$0x5] =	stream.indirect.gather [hbm4b:s4+s24], $0x80, s7, s24, $0xb8;
	[tilespmem:$0x1CC00] =	vst v63  }
.Ltmp0:
0x30: {  	s19 =	simm.s32 $0x13C80;
	(pc) =	sbr.rel .LBB2_2-.Ltmp0, $4  }
0x31: {  	[tilespmem:s28], [sflag:$0x6] =	stream.indirect.gather [hbm4b:s4+s24], $0x80, s19, s24, $0xb8;
	[tilespmem:$0x1CC00] =	vst v63  }
0x32: {  	[bflag:$0x0] =	sbarrier.arrive $0xFFFF  }
0x33: {  	s19 =	rddreg [dreg:$0xd]  }
0x34: {  	s1 =	simm.s32 $0x0;
	s31 =	rddreg [dreg:$0xc]  }
.LBB2_3:
0x35: {  	_ =	swait.ge [sflag:s22], $0x400  }
0x36: {  	[sflag:s22] =	ssyncset.done $0x0  }
0x37: {  	[sflag:s22] =	ssyncadd.s32 $0xFFFFFC00  }
0x38: {  	_ =	swait.ge [sflag:s23], $0x400  }
0x39: {  	[sflag:s23] =	ssyncset.done $0x0  }
0x3a: {  	[sflag:s23] =	ssyncadd.s32 $0xFFFFFC00  }
0x3b: {  	_ =	swait.ge [sflag:s30], $0x4000  }
0x3c: {  	[sflag:s30] =	ssyncset.done $0x0  }
0x3d: {  	s7 =	simm.s32 $0x13C00;
	[sflag:s30] =	ssyncadd.s32 $0xFFFFC000  }
0x3e: {  	[tilespmem:s25], [sflag:$0x5] =	stream.indirect.gather [hbm4b:s4+s24], $0x80, s7, s24, $0xb8;
	[tilespmem:$0x1CC00] =	vst v63  }
0x3f: {  	_ =	swait.ge [sflag:s0], $0x4000  }
0x40: {  	[sflag:s0] =	ssyncset.done $0x0  }
0x41: {  	[sflag:s0] =	ssyncadd.s32 $0xFFFFC000  }
0x42: {  	[spmem:s2] =	stream.indirect.scatter.add.f32 [tilespmem:s28], [sflag:$0x8], $0x80, s18, s24, $0xb8;
	[tilespmem:$0x1CC00] =	vst v63  }
0x43: {  	_ =	swait.ge [sflag:s5], $0x4000  }
0x44: {  	[sflag:s5] =	ssyncset.done $0x0  }
0x45: {  	s9 =	simm.s32 $0x13C80;
	[sflag:s5] =	ssyncadd.s32 $0xFFFFC000  }
0x46: {  	[tilespmem:s28], [sflag:$0x6] =	stream.indirect.gather [hbm4b:s4+s24], $0x80, s9, s24, $0xb8;
	[tilespmem:$0x1CC00] =	vst v63  }
.LBB2_5:
0x47: {  	s7 =	sadd.s32 s19, s13  }
0x48: {  	s9 =	sadd.s32 s31, s13;
	s1 =	sadd.s32 $0x1, s1;
	s7 =	sadd.s32 $0x180, s7  }
0x49: {  	[tilespmem:s20], [sflag:$0x2] =	stream.linear.gather [hbm4b:s7+s3], $0x400, $0x38;
	[tilespmem:$0x1CC00] =	vst v63  }
0x4a: {  	s31 =	sadd.s32 $0x100, s31;
	s19 =	sadd.s32 $0x100, s19;
	s7 =	sadd.s32 $0x180, s9  }
0x4b: {  	[tilespmem:s21], [sflag:$0x4] =	stream.linear.gather [hbm4b:s7+s3], $0x400, $0x38;
	[tilespmem:$0x1CC00] =	vst v63  }
.LBB2_2:
0x4c: {  	_ =	swait.ge [sflag:s29], $0x4000  }
0x4d: {  	[sflag:s29] =	ssyncset.done $0x0  }
0x4e: {  	s7 =	simm.s32 $0x14400;
	[sflag:s29] =	ssyncadd.s32 $0xFFFFC000  }
0x4f: {  	[spmem:s2] =	stream.indirect.scatter.add.f32 [tilespmem:s25], [sflag:$0x7], $0x80, s7, s24, $0xb8;
	[tilespmem:$0x1CC00] =	vst v63  }
0x50: {  	_ =	swait.ge [sflag:s30], $0x4000  }
0x51: {  	[sflag:s30] =	ssyncset.done $0x0  }
0x52: {  	s9 =	simm.s32 $0x13D00;
	[sflag:s30] =	ssyncadd.s32 $0xFFFFC000  }
0x53: {  	[tilespmem:s25], [sflag:$0x5] =	stream.indirect.gather [hbm4b:s4+s24], $0x80, s9, s24, $0xb8;
	[tilespmem:$0x1CC00] =	vst v63  }
0x54: {  	_ =	swait.ge [sflag:s0], $0x4000  }
0x55: {  	[sflag:s0] =	ssyncset.done $0x0  }
0x56: {  	s8 =	simm.s32 $0x14480;
	[sflag:s0] =	ssyncadd.s32 $0xFFFFC000  }
0x57: {  	[spmem:s2] =	stream.indirect.scatter.add.f32 [tilespmem:s28], [sflag:$0x8], $0x80, s8, s24, $0xb8;
	[tilespmem:$0x1CC00] =	vst v63  }
0x58: {  	_ =	swait.ge [sflag:s5], $0x4000  }
0x59: {  	[sflag:s5] =	ssyncset.done $0x0  }
0x5a: {  	s9 =	simm.s32 $0x13D80;
	[sflag:s5] =	ssyncadd.s32 $0xFFFFC000  }
0x5b: {  	[tilespmem:s28], [sflag:$0x6] =	stream.indirect.gather [hbm4b:s4+s24], $0x80, s9, s24, $0xb8;
	[tilespmem:$0x1CC00] =	vst v63  }
0x5c: {  	_ =	swait.ge [sflag:s29], $0x4000  }
0x5d: {  	[sflag:s29] =	ssyncset.done $0x0  }
0x5e: {  	s8 =	simm.s32 $0x14500;
	[sflag:s29] =	ssyncadd.s32 $0xFFFFC000  }
0x5f: {  	[spmem:s2] =	stream.indirect.scatter.add.f32 [tilespmem:s25], [sflag:$0x7], $0x80, s8, s24, $0xb8;
	[tilespmem:$0x1CC00] =	vst v63  }
0x60: {  	_ =	swait.ge [sflag:s30], $0x4000  }
0x61: {  	[sflag:s30] =	ssyncset.done $0x0  }
0x62: {  	s9 =	simm.s32 $0x13E00;
	[sflag:s30] =	ssyncadd.s32 $0xFFFFC000  }
0x63: {  	[tilespmem:s25], [sflag:$0x5] =	stream.indirect.gather [hbm4b:s4+s24], $0x80, s9, s24, $0xb8;
	[tilespmem:$0x1CC00] =	vst v63  }
0x64: {  	_ =	swait.ge [sflag:s0], $0x4000  }
0x65: {  	[sflag:s0] =	ssyncset.done $0x0  }
0x66: {  	s8 =	simm.s32 $0x14580;
	[sflag:s0] =	ssyncadd.s32 $0xFFFFC000  }
0x67: {  	[spmem:s2] =	stream.indirect.scatter.add.f32 [tilespmem:s28], [sflag:$0x8], $0x80, s8, s24, $0xb8;
	[tilespmem:$0x1CC00] =	vst v63  }
0x68: {  	_ =	swait.ge [sflag:s5], $0x4000  }
0x69: {  	[sflag:s5] =	ssyncset.done $0x0  }
0x6a: {  	s9 =	simm.s32 $0x13E80;
	[sflag:s5] =	ssyncadd.s32 $0xFFFFC000  }
0x6b: {  	[tilespmem:s28], [sflag:$0x6] =	stream.indirect.gather [hbm4b:s4+s24], $0x80, s9, s24, $0xb8;
	[tilespmem:$0x1CC00] =	vst v63  }
0x6c: {  	_ =	swait.ge [sflag:s29], $0x4000  }
0x6d: {  	[sflag:s29] =	ssyncset.done $0x0  }
0x6e: {  	s8 =	simm.s32 $0x14600;
	[sflag:s29] =	ssyncadd.s32 $0xFFFFC000  }
0x6f: {  	[spmem:s2] =	stream.indirect.scatter.add.f32 [tilespmem:s25], [sflag:$0x7], $0x80, s8, s24, $0xb8;
	[tilespmem:$0x1CC00] =	vst v63  }
0x70: {  	_ =	swait.ge [sflag:s30], $0x4000  }
0x71: {  	[sflag:s30] =	ssyncset.done $0x0  }
0x72: {  	s9 =	simm.s32 $0x13F00;
	[sflag:s30] =	ssyncadd.s32 $0xFFFFC000  }
0x73: {  	[tilespmem:s25], [sflag:$0x5] =	stream.indirect.gather [hbm4b:s4+s24], $0x80, s9, s24, $0xb8;
	[tilespmem:$0x1CC00] =	vst v63  }
0x74: {  	_ =	swait.ge [sflag:s0], $0x4000  }
0x75: {  	[sflag:s0] =	ssyncset.done $0x0  }
0x76: {  	s8 =	simm.s32 $0x14680;
	[sflag:s0] =	ssyncadd.s32 $0xFFFFC000  }
0x77: {  	[spmem:s2] =	stream.indirect.scatter.add.f32 [tilespmem:s28], [sflag:$0x8], $0x80, s8, s24, $0xb8;
	[tilespmem:$0x1CC00] =	vst v63  }
0x78: {  	_ =	swait.ge [sflag:s5], $0x4000  }
0x79: {  	[sflag:s5] =	ssyncset.done $0x0  }
0x7a: {  	s9 =	simm.s32 $0x13F80;
	[sflag:s5] =	ssyncadd.s32 $0xFFFFC000  }
0x7b: {  	[tilespmem:s28], [sflag:$0x6] =	stream.indirect.gather [hbm4b:s4+s24], $0x80, s9, s24, $0xb8;
	[tilespmem:$0x1CC00] =	vst v63  }
0x7c: {  	_ =	swait.ge [sflag:s29], $0x4000  }
0x7d: {  	[sflag:s29] =	ssyncset.done $0x0  }
0x7e: {  	s8 =	simm.s32 $0x14700;
	[sflag:s29] =	ssyncadd.s32 $0xFFFFC000  }
0x7f: {  	[spmem:s2] =	stream.indirect.scatter.add.f32 [tilespmem:s25], [sflag:$0x7], $0x80, s8, s24, $0xb8;
	[tilespmem:$0x1CC00] =	vst v63  }
0x80: {  	_ =	swait.ge [sflag:s17], $0x400  }
0x81: {  	[sflag:s17] =	ssyncset.done $0x0  }
0x82: {  	[sflag:s17] =	ssyncadd.s32 $0xFFFFFC00  }
0x83: {  	_ =	swait.ge [sflag:s26], $0x400  }
0x84: {  	[sflag:s26] =	ssyncset.done $0x0  }
0x85: {  	[sflag:s26] =	ssyncadd.s32 $0xFFFFFC00  }
0x86: {  	_ =	swait.ge [sflag:s30], $0x4000  }
0x87: {  	[sflag:s30] =	ssyncset.done $0x0  }
0x88: {  	[sflag:s30] =	ssyncadd.s32 $0xFFFFC000  }
0x89: {  	[tilespmem:s25], [sflag:$0x5] =	stream.indirect.gather [hbm4b:s4+s24], $0x80, s20, s24, $0xb8;
	[tilespmem:$0x1CC00] =	vst v63  }
0x8a: {  	_ =	swait.ge [sflag:s0], $0x4000  }
0x8b: {  	[sflag:s0] =	ssyncset.done $0x0  }
0x8c: {  	s9 =	simm.s32 $0x14780;
	[sflag:s0] =	ssyncadd.s32 $0xFFFFC000  }
0x8d: {  	[spmem:s2] =	stream.indirect.scatter.add.f32 [tilespmem:s28], [sflag:$0x8], $0x80, s9, s24, $0xb8;
	[tilespmem:$0x1CC00] =	vst v63  }
0x8e: {  	_ =	swait.ge [sflag:s5], $0x4000  }
0x8f: {  	p0 =	seq.s32 s1, $0x4;
	[sflag:s5] =	ssyncset.done $0x0  }
0x90: {  	s7 =	sadd.s32 @!p0 s19, s13;
	s8 =	simm.s32 $0x14080;
	[sflag:s5] =	ssyncadd.s32 $0xFFFFC000  }
0x91: {  	[tilespmem:s28], [sflag:$0x6] =	stream.indirect.gather [hbm4b:s4+s24], $0x80, s8, s24, $0xb8;
	[tilespmem:$0x1CC00] =	vst v63  }
0x92: {  	s7 =	sadd.s32 @!p0 $0x100, s7;
	s9 =	simm.s32 @!p0 $0x13C00;
	s8 =	simm.s32 @!p0 $0x0  }
0x93: {  	[tilespmem:s9], [sflag:$0x1] =	stream.linear.gather @!p0 [hbm4b:s7+s8], $0x400, $0x38;
	[tilespmem:$0x1CC00] =	vst v63  }
0x94: {  	s7 =	sadd.s32 @!p0 s31, s13  }
0x95: {  	s9 =	simm.s32 @!p0 $0x14400;
	s7 =	sadd.s32 @!p0 $0x100, s7  }
0x96: {  	[tilespmem:s9], [sflag:$0x3] =	stream.linear.gather @!p0 [hbm4b:s7+s8], $0x400, $0x38;
	[tilespmem:$0x1CC00] =	vst v63  }
0x97: {  	_ =	swait.ge [sflag:s29], $0x4000  }
0x98: {  	[sflag:s29] =	ssyncset.done $0x0  }
0x99: {  	[sflag:s29] =	ssyncadd.s32 $0xFFFFC000  }
0x9a: {  	[spmem:s2] =	stream.indirect.scatter.add.f32 [tilespmem:s25], [sflag:$0x7], $0x80, s21, s24, $0xb8;
	[tilespmem:$0x1CC00] =	vst v63  }
0x9b: {  	_ =	swait.ge [sflag:s30], $0x4000  }
0x9c: {  	[sflag:s30] =	ssyncset.done $0x0  }
0x9d: {  	s9 =	simm.s32 $0x14100;
	[sflag:s30] =	ssyncadd.s32 $0xFFFFC000  }
0x9e: {  	[tilespmem:s25], [sflag:$0x5] =	stream.indirect.gather [hbm4b:s4+s24], $0x80, s9, s24, $0xb8;
	[tilespmem:$0x1CC00] =	vst v63  }
0x9f: {  	_ =	swait.ge [sflag:s0], $0x4000  }
0xa0: {  	[sflag:s0] =	ssyncset.done $0x0  }
0xa1: {  	s8 =	simm.s32 $0x14880;
	[sflag:s0] =	ssyncadd.s32 $0xFFFFC000  }
0xa2: {  	[spmem:s2] =	stream.indirect.scatter.add.f32 [tilespmem:s28], [sflag:$0x8], $0x80, s8, s24, $0xb8;
	[tilespmem:$0x1CC00] =	vst v63  }
0xa3: {  	_ =	swait.ge [sflag:s5], $0x4000  }
0xa4: {  	[sflag:s5] =	ssyncset.done $0x0  }
0xa5: {  	s9 =	simm.s32 $0x14180;
	[sflag:s5] =	ssyncadd.s32 $0xFFFFC000  }
0xa6: {  	[tilespmem:s28], [sflag:$0x6] =	stream.indirect.gather [hbm4b:s4+s24], $0x80, s9, s24, $0xb8;
	[tilespmem:$0x1CC00] =	vst v63  }
0xa7: {  	_ =	swait.ge [sflag:s29], $0x4000  }
0xa8: {  	[sflag:s29] =	ssyncset.done $0x0  }
0xa9: {  	s8 =	simm.s32 $0x14900;
	[sflag:s29] =	ssyncadd.s32 $0xFFFFC000  }
0xaa: {  	[spmem:s2] =	stream.indirect.scatter.add.f32 [tilespmem:s25], [sflag:$0x7], $0x80, s8, s24, $0xb8;
	[tilespmem:$0x1CC00] =	vst v63  }
0xab: {  	_ =	swait.ge [sflag:s30], $0x4000  }
0xac: {  	[sflag:s30] =	ssyncset.done $0x0  }
0xad: {  	s9 =	simm.s32 $0x14200;
	[sflag:s30] =	ssyncadd.s32 $0xFFFFC000  }
0xae: {  	[tilespmem:s25], [sflag:$0x5] =	stream.indirect.gather [hbm4b:s4+s24], $0x80, s9, s24, $0xb8;
	[tilespmem:$0x1CC00] =	vst v63  }
0xaf: {  	_ =	swait.ge [sflag:s0], $0x4000  }
0xb0: {  	[sflag:s0] =	ssyncset.done $0x0  }
0xb1: {  	[sflag:s0] =	ssyncadd.s32 $0xFFFFC000  }
0xb2: {  	[spmem:s2] =	stream.indirect.scatter.add.f32 [tilespmem:s28], [sflag:$0x8], $0x80, s10, s24, $0xb8;
	[tilespmem:$0x1CC00] =	vst v63  }
0xb3: {  	_ =	swait.ge [sflag:s5], $0x4000  }
0xb4: {  	[sflag:s5] =	ssyncset.done $0x0  }
0xb5: {  	[sflag:s5] =	ssyncadd.s32 $0xFFFFC000  }
0xb6: {  	[tilespmem:s28], [sflag:$0x6] =	stream.indirect.gather [hbm4b:s4+s24], $0x80, s11, s24, $0xb8;
	[tilespmem:$0x1CC00] =	vst v63  }
0xb7: {  	_ =	swait.ge [sflag:s29], $0x4000  }
0xb8: {  	[sflag:s29] =	ssyncset.done $0x0  }
0xb9: {  	[sflag:s29] =	ssyncadd.s32 $0xFFFFC000  }
0xba: {  	[spmem:s2] =	stream.indirect.scatter.add.f32 [tilespmem:s25], [sflag:$0x7], $0x80, s12, s24, $0xb8;
	[tilespmem:$0x1CC00] =	vst v63  }
0xbb: {  	_ =	swait.ge [sflag:s30], $0x4000  }
0xbc: {  	[sflag:s30] =	ssyncset.done $0x0  }
0xbd: {  	[sflag:s30] =	ssyncadd.s32 $0xFFFFC000  }
0xbe: {  	[tilespmem:s25], [sflag:$0x5] =	stream.indirect.gather [hbm4b:s4+s24], $0x80, s14, s24, $0xb8;
	[tilespmem:$0x1CC00] =	vst v63  }
0xbf: {  	_ =	swait.ge [sflag:s0], $0x4000  }
0xc0: {  	[sflag:s0] =	ssyncset.done $0x0  }
0xc1: {  	[sflag:s0] =	ssyncadd.s32 $0xFFFFC000  }
0xc2: {  	[spmem:s2] =	stream.indirect.scatter.add.f32 [tilespmem:s28], [sflag:$0x8], $0x80, s15, s24, $0xb8;
	[tilespmem:$0x1CC00] =	vst v63  }
0xc3: {  	_ =	swait.ge [sflag:s5], $0x4000  }
0xc4: {  	[sflag:s5] =	ssyncset.done $0x0  }
0xc5: {  	p1 =	sgt.u32 s1, $0x3;
	[sflag:s5] =	ssyncadd.s32 $0xFFFFC000  }
0xc6: {  	[tilespmem:s28], [sflag:$0x6] =	stream.indirect.gather [hbm4b:s4+s24], $0x80, s6, s24, $0xb8;
	[tilespmem:$0x1CC00] =	vst v63  }
.Ltmp1:
0xc7: {  	_ = 	snop;
	(pc) =	sbr.rel @!p1 .LBB2_3-.Ltmp1, $4  }
0xc8: {  	_ =	swait.ge [sflag:s29], $0x4000  }
0xc9: {  	[sflag:s29] =	ssyncset.done $0x0  }
0xca: {  	[sflag:s29] =	ssyncadd.s32 $0xFFFFC000  }
0xcb: {  	[spmem:s2] =	stream.indirect.scatter.add.f32 [tilespmem:s25], [sflag:$0x7], $0x80, s16, s24, $0xb8;
	[tilespmem:$0x1CC00] =	vst v63  }
.Ltmp2:
0xcc: {  	(pc) =	sbr.rel @!p0 .LBB2_5-.Ltmp2, $4  }
0xcd: {  	_ =	swait.ge [sflag:s0], $0x4000  }
0xce: {  	[sflag:s0] =	ssyncset.done $0x0  }
0xcf: {  	[sflag:s0] =	ssyncadd.s32 $0xFFFFC000  }
0xd0: {  	[spmem:s2] =	stream.indirect.scatter.add.f32 [tilespmem:s28], [sflag:$0x8], $0x80, s18, s24, $0xb8;
	[tilespmem:$0x1CC00] =	vst v63  }
0xd1: {  	_ =	swait.ge [sflag:s30], $0x4000  }
0xd2: {  	[sflag:s30] =	ssyncset.done $0x0  }
0xd3: {  	[sflag:s30] =	ssyncadd.s32 $0xFFFFC000  }
0xd4: {  	_ =	swait.ge [sflag:s5], $0x4000  }
0xd5: {  	[sflag:s5] =	ssyncset.done $0x0  }
0xd6: {  	[sflag:s5] =	ssyncadd.s32 $0xFFFFC000  }
0xd7: {  	[bflag:$0x0] =	sbarrier.arrive $0xFFFF  }
0xd8: {  	s9 =	rddreg [dreg:$0x5]  }
0xd9: {  	s1 =	rddreg [dreg:$0xa]  }
0xda: {  	s8 =	simm.s32 $0x9;
	s7 =	rddreg [dreg:$0xe]  }
0xdb: {  	[hbm:s1], [sflag:s9] =	dma.local [spmem:s7], $0x2780  }
0xdc: {  	_ =	swait.ge [sflag:s8], $0x2780  }
0xdd: {  	s19 =	rddreg [dreg:$0xf]  }
0xde: {  	s31 =	rddreg [dreg:$0xb];
	s19 =	sadd.s32 $0x1, s19  }
0xdf: {  	p0 =	sne.s32 s19, s31  }
.Ltmp3:
0xe0: {  	_ = 	snop;
	(pc) =	sbr.rel @p0 .LBB2_1-.Ltmp3, $3  }
0xe1: {  	_ =	sdelay $0x1  }
0xe2: {  	[sflag:s8] =	ssyncset.done $0x0  }
0xe3: {  	[sflag:s8] =	ssyncadd.s32 $0xFFFFD880  }
0xe4: {  	_ =	sfence.sel $0x180000  }
0xe5: {  	[bflag:$0x0] =	sbarrier.arrive $0xFFFF  }
0xe6: {  	_ =	strace $0x9000004A  }
0xe7: {  	s0 =	stileid.u32;
	[bflag:$0x2] =	sbarrier.arrive $0xFFFF  }
0xe8: {  	p0 =	sne.s32 s0, $0x0;
	s0 =	rddreg [dreg:$0x3]  }
0xe9: {  	s0 =	sadd.s32 @!p0 $0x100000, s0  }
0xea: {  	[sflag:s0] =	ssyncadd.tile.s32 @!p0 $0x1;
	_ =	shalt  }
.Lfunc_end2:
_tile_overlayer_lowered:
.L_overlay_start_2:
0xeb: {  	(tag) =	ssettag $0x2  }
0xec: {  	s0 =	rddreg [dreg:$0x0];
	s2 =	stileid.u32  }
0xed: {  	s1 =	rddreg [dreg:$0x1];
	p0 =	sne.s32 s2, $0x0  }
0xee: {  	s3 =	rddreg [dreg:$0x2];
	[bflag:$0x3] =	sbarrier.arrive $0xFFFF;
	s2 =	simm.s32 @!p0 $0x1C09  }
0xef: {  	[timem:s3], [sflag:s2] =	dma.local @!p0 [hbm:s0], s1  }
0xf0: {  	s0 =	simm.s32 @!p0 $0x9  }
0xf1: {  	_ =	swait.ge @!p0 [sflag:s0], s1  }
0xf2: {  	s1 =	ssub.s32 @!p0 $0x0, s1;
	[sflag:s0] =	ssyncset.done @!p0 $0x0  }
0xf3: {  	[sflag:s0] =	ssyncadd.s32 @!p0 s1  }
0xf4: {  	[bflag:$0x3] =	sbarrier.arrive $0xFFFF  }
0xf5: {  	_ =	shalt  }

</sc_bundles>
